<compile_context>
chip_gen: v7x
topology: tpu7x:2x2x1
jax: 0.10.2.dev20260603
libtpu: 0.0.44.dev20260713+nightly
codegen_flags: <defaults>
</compile_context>

<pallas_src>
import functools
import jax
import jax.numpy as jnp
from jax import lax
from jax.experimental import pallas as pl
from jax.experimental.pallas import tpu as pltpu
from jax.experimental.pallas import tpu_sc as plsc

_TEMPERATURE = 0.7
_TOP_P = 0.9
_SAMPLE_KEY = 42
_BIG = 2**30
_ROWS = 8

_VP = 100352
_NROWS = 128
_NW = 32
_RPW = _NROWS // _NW
_CHUNK = 2048
_NCHUNK = _VP // _CHUNK
_VPC = _CHUNK // 16


def _radix_pass_kernel(p, keys_hbm, out_hbm, bufA, stage_k, stage_i, hist,
                       base, sem):
    cid = lax.axis_index("c")
    sid = lax.axis_index("s")
    wid = sid * 2 + cid
    lane = lax.broadcasted_iota(jnp.int32, (16,), 0)

    def do_row(t, _):
        row = wid * _RPW + t
        rbase = row * _VP
        pltpu.sync_copy(keys_hbm.at[pl.ds(rbase, _VP)], bufA)

        def zero_body(i, _):
            hist[pl.ds(i * 16, 16)] = jnp.zeros((16,), jnp.int32)
            return 0
        lax.fori_loop(0, 4096 // 16, zero_body, 0)

        def hist_body(i, _):
            k = bufA[pl.ds(i * 16, 16)]
            nk = k ^ jnp.uint32(0xFFFFFFFF)
            d = (lax.shift_right_logical(nk, jnp.uint32(p * 8))
                 & jnp.uint32(0xFF)).astype(jnp.int32)
            plsc.addupdate_scatter(hist, [d * 16 + lane],
                                   jnp.ones((16,), jnp.int32))
            return 0
        lax.fori_loop(0, _VP // 16, hist_body, 0)

        def scan_dv(dv, carry):
            cnt = jnp.zeros((16,), jnp.int32)
            for r in range(16):
                cnt = cnt + plsc.load_gather(
                    hist, [(dv * 16 + lane) * 16 + r])
            cs = plsc.cumsum(cnt)
            base[pl.ds(dv * 16, 16)] = cs - cnt + carry
            return carry + jnp.sum(cnt, axis=0)
        lax.fori_loop(0, 16, scan_dv, jnp.int32(0))

        def do_chunk(c, _):
            def do_vreg(cj, _):
                for u in range(4):
                    ci = cj * 4 + u
                    k = bufA[pl.ds((c * _VPC + ci) * 16, 16)]
                    nk = k ^ jnp.uint32(0xFFFFFFFF)
                    d = (lax.shift_right_logical(nk, jnp.uint32(p * 8))
                         & jnp.uint32(0xFF)).astype(jnp.int32)
                    occ, is_last = plsc.scan_count(d)
                    b = plsc.load_gather(base, [d])
                    off = b + occ - 1 + rbase
                    plsc.addupdate_scatter(base, [d], occ, mask=is_last)
                    stage_k[pl.ds(ci * 16, 16)] = k
                    stage_i[pl.ds(ci * 16, 16)] = off
                return 0
            lax.fori_loop(0, _VPC // 4, do_vreg, 0)
            pltpu.async_copy(stage_k, out_hbm.at[stage_i], sem).wait()
            return 0
        lax.fori_loop(0, _NCHUNK, do_chunk, 0)
        return 0

    lax.fori_loop(0, _RPW, do_row, 0)


def _make_pass(p):
    mesh = plsc.VectorSubcoreMesh(core_axis_name="c", subcore_axis_name="s")
    return pl.kernel(
        functools.partial(_radix_pass_kernel, p),
        out_type=jax.ShapeDtypeStruct((_NROWS * _VP,), jnp.uint32),
        mesh=mesh,
        compiler_params=pltpu.CompilerParams(needs_layout_passes=False),
        scratch_types=[
            pltpu.VMEM((_VP,), jnp.uint32),
            pltpu.VMEM((_CHUNK,), jnp.uint32),
            pltpu.VMEM((_CHUNK,), jnp.int32),
            pltpu.VMEM((4096,), jnp.int32),
            pltpu.VMEM((256,), jnp.int32),
            pltpu.SemaphoreType.DMA,
        ],
    )


def _sc_sort_desc(probs):
    v = probs.shape[-1]
    keys = lax.bitcast_convert_type(probs, jnp.uint32)
    keys = jnp.pad(keys, ((0, 0), (0, _VP - v)))
    x = keys.reshape(-1)
    for p in range(4):
        x = _make_pass(p)(x)
    out = x.reshape(_NROWS, _VP)[:, :v]
    return lax.bitcast_convert_type(out, jnp.float32)


def _cumsum_last(x):
    n = x.shape[-1]
    k = 1
    while k < n:
        shifted = jnp.concatenate(
            [jnp.zeros(x.shape[:-1] + (k,), x.dtype), x[:, : n - k]], axis=-1
        )
        x = x + shifted
        k *= 2
    return x


def _sample_body(probs_ref, ps_ref, g_ref, out_ref):
    ps = ps_ref[...]
    cs = _cumsum_last(ps)
    kept = jnp.where((cs - ps) > _TOP_P, 0.0, ps)
    s = jnp.sum(kept, axis=-1, keepdims=True)
    q = kept / s
    v = jnp.log(q + 1e-20) + g_ref[...]
    iota = jax.lax.broadcasted_iota(jnp.int32, v.shape, 1)
    maxv = jnp.max(v, axis=-1, keepdims=True)
    jstar = jnp.min(jnp.where(v == maxv, iota, _BIG), axis=-1, keepdims=True)
    vstar = jnp.sum(jnp.where(iota == jstar, ps, 0.0), axis=-1, keepdims=True)
    pr = probs_ref[...]
    cnt_gt = jnp.sum((pr > vstar).astype(jnp.int32), axis=-1, keepdims=True)
    m = jstar - cnt_gt
    eq = pr == vstar
    eqcs = _cumsum_last(eq.astype(jnp.int32))
    tok = jnp.min(jnp.where(eq & (eqcs == m + 1), iota, _BIG), axis=-1)
    out_ref[...] = jnp.broadcast_to(tok[:, None], out_ref.shape).astype(jnp.int32)


def kernel(logits):
    b, v = logits.shape
    probs = jax.nn.softmax(logits / _TEMPERATURE, axis=-1)
    probs_sort = _sc_sort_desc(probs)
    g = jax.random.gumbel(jax.random.key(_SAMPLE_KEY), probs.shape, probs.dtype)
    row_spec = pl.BlockSpec((_ROWS, v), lambda i: (i, 0))
    out = pl.pallas_call(
        _sample_body,
        grid=(b // _ROWS,),
        in_specs=[row_spec, row_spec, row_spec],
        out_specs=pl.BlockSpec((_ROWS, 128), lambda i: (i, 0)),
        out_shape=jax.ShapeDtypeStruct((b, 128), jnp.int32),
    )(probs, probs_sort, g)
    return out[:, 0]

# --- scband reference (transcript-rebuilt; emitter-appended) ---
"""Pipeline reference for scband-generation-58961311039584 (READ-ONLY COPY).

The authoritative reference and input builder live on the scoring server;
editing this copy changes nothing except your own understanding.
"""

import jax, jax.numpy as jnp
import numpy as np


def setup_inputs(seed: int = 0) -> dict:
    key = jax.random.key(seed)
    logits = jax.random.normal(key, (128, 100000), dtype=jnp.float32)
    return {"logits": logits}


def reference(logits):
    # Faithful jax translation of one decoding step: temperature softmax + top-p (nucleus) sampling,
    # mirroring Generation.sample_top_p.
    temperature = 0.7
    top_p = 0.9
    probs = jax.nn.softmax(logits / temperature, axis=-1)
    # sort descending (torch.sort(..., descending=True))
    probs_idx = jnp.argsort(-probs, axis=-1)
    probs_sort = jnp.take_along_axis(probs, probs_idx, axis=-1)
    probs_sum = jnp.cumsum(probs_sort, axis=-1)
    mask = (probs_sum - probs_sort) > top_p
    probs_sort = jnp.where(mask, 0.0, probs_sort)
    probs_sort = probs_sort / jnp.sum(probs_sort, axis=-1, keepdims=True)
    # torch.multinomial(probs_sort, 1) -> categorical sample over renormalized nucleus
    skey = jax.random.key(42)
    sampled = jax.random.categorical(skey, jnp.log(probs_sort + 1e-20), axis=-1)
    next_token = jnp.take_along_axis(probs_idx, sampled[:, None], axis=-1)
    return next_token.reshape(-1)

if __name__ == "__main__":
    import jax
    _d = setup_inputs()
    print(jax.jit(kernel)(*tuple(_d.values())))

</pallas_src>

<mosaic_0001>
#map = affine_map<(d0, d1) -> (0)>
module attributes {stable_mosaic.version = 14 : i64} {
  func.func @_radix_pass_kernel(%arg0: i32, %arg1: i32, %arg2: memref<12845056xi32, #tpu.memory_space<hbm>>, %arg3: memref<12845056xi32, #tpu.memory_space<hbm>>, %arg4: memref<100352xi32, #tpu.memory_space<vmem>>, %arg5: memref<2048xi32, #tpu.memory_space<vmem>>, %arg6: memref<2048xi32, #tpu.memory_space<vmem>>, %arg7: memref<4096xi32, #tpu.memory_space<vmem>>, %arg8: memref<256xi32, #tpu.memory_space<vmem>>, %arg9: memref<!tpu.dma_semaphore, #tpu.memory_space<semaphore_mem>>) attributes {dimension_semantics = [#tpu.dimension_semantics<core_parallel>, #tpu.dimension_semantics<subcore_parallel>], iteration_bounds = array<i64: 2, 16>, scalar_prefetch = 0 : i64, scratch_operands = 6 : i64, tpu.core_type = #tpu.core_type<sc_vector_subcore>, window_params = [{transform_indices = #map}, {transform_indices = #map}]} {
    %mul3A = arith.constant 2 : i32
    %mul3A_0 = arith.muli %arg1, %mul3A : i32
    %add3A = arith.addi %mul3A_0, %arg0 : i32
    %iota3A = tpu.iota {dimensions = array<i32: 0>} : vector<16xi32>
    %scan3A = arith.constant 0 : i32
    %scan3A_1 = arith.constant 0 : i32
    %scan3A_2 = arith.constant 4 : i32
    %scan3A_3 = arith.addi %scan3A_1, %scan3A_2 : i32
    %scan3A_4 = arith.constant 1 : i32
    %scan3A_5 = scf.for %scan3A_7 = %scan3A_1 to %scan3A_3 step %scan3A_4 iter_args(%scan3A_8 = %scan3A) -> (i32)  : i32 {
      %mul3A_9 = arith.constant 4 : i32
      %mul3A_10 = arith.muli %add3A, %mul3A_9 : i32
      %add3A_11 = arith.addi %mul3A_10, %scan3A_7 : i32
      %mul3A_12 = arith.constant 100352 : i32
      %mul3A_13 = arith.muli %add3A_11, %mul3A_12 : i32
      "tpu.region"() ({
        %run_scoped3A = tpu.sem_alloc : memref<!tpu.dma_semaphore, #tpu.memory_space<semaphore_mem>>
        %dma_start3A = tpu.memref_slice %arg2[%mul3A_13] : memref<12845056xi32, #tpu.memory_space<hbm>> -> memref<100352xi32, #tpu.memory_space<hbm>>
        %dma_start3A_43 = tpu.memref_slice %arg2[%mul3A_13] : memref<12845056xi32, #tpu.memory_space<hbm>> -> memref<100352xi32, #tpu.memory_space<hbm>>
        tpu.enqueue_dma source(%dma_start3A_43 : memref<100352xi32, #tpu.memory_space<hbm>>) target(%arg4 : memref<100352xi32, #tpu.memory_space<vmem>>) target_semaphore(%run_scoped3A : memref<!tpu.dma_semaphore, #tpu.memory_space<semaphore_mem>>)
        %dma_wait3A = tpu.memref_slice %arg2[%mul3A_13] : memref<12845056xi32, #tpu.memory_space<hbm>> -> memref<100352xi32, #tpu.memory_space<hbm>>
        %dma_wait3A_44 = tpu.memref_slice %arg2[%mul3A_13] : memref<12845056xi32, #tpu.memory_space<hbm>> -> memref<100352xi32, #tpu.memory_space<hbm>>
        tpu.wait_dma2 semaphore(%run_scoped3A : memref<!tpu.dma_semaphore, #tpu.memory_space<semaphore_mem>>) src(%dma_wait3A_44 : memref<100352xi32, #tpu.memory_space<hbm>>) dst(%arg4 : memref<100352xi32, #tpu.memory_space<vmem>>)
        tpu.yield
      }) : () -> ()
      %scan3A_14 = arith.constant 0 : i32
      %scan3A_15 = arith.constant 0 : i32
      %scan3A_16 = arith.constant 256 : i32
      %scan3A_17 = arith.addi %scan3A_15, %scan3A_16 : i32
      %scan3A_18 = arith.constant 1 : i32
      %scan3A_19 = scf.for %scan3A_43 = %scan3A_15 to %scan3A_17 step %scan3A_18 iter_args(%scan3A_44 = %scan3A_14) -> (i32)  : i32 {
        %broadcast_in_dim3A = arith.constant 0 : i32
        %broadcast_in_dim3A_45 = vector.broadcast %broadcast_in_dim3A : i32 to vector<16xi32>
        %mul3A_46 = arith.constant 16 : i32
        %mul3A_47 = arith.muli %scan3A_43, %mul3A_46 : i32
        %swap3A = arith.index_cast %mul3A_47 : i32 to index
        %swap3A_48 = tpu.vector_load %arg7[%swap3A] {strides = array<i32>} : memref<4096xi32, #tpu.memory_space<vmem>>, vector<16xi32>,
        tpu.vector_store %arg7[%swap3A], %broadcast_in_dim3A_45 {strides = array<i32>} : memref<4096xi32, #tpu.memory_space<vmem>>, vector<16xi32>,
        %scan3A_49 = arith.constant 0 : i32
        scf.yield %scan3A_49 : i32
      }
      %scan3A_20 = arith.constant 256 : i32
      %scan3A_21 = arith.constant 0 : i32
      %scan3A_22 = arith.constant 0 : i32
      %scan3A_23 = arith.constant 6272 : i32
      %scan3A_24 = arith.addi %scan3A_22, %scan3A_23 : i32
      %scan3A_25 = arith.constant 1 : i32
      %scan3A_26 = scf.for %scan3A_43 = %scan3A_22 to %scan3A_24 step %scan3A_25 iter_args(%scan3A_44 = %scan3A_21) -> (i32)  : i32 {
        %mul3A_45 = arith.constant 16 : i32
        %mul3A_46 = arith.muli %scan3A_43, %mul3A_45 : i32
        %get3A = arith.index_cast %mul3A_46 : i32 to index
        %get3A_47 = tpu.vector_load %arg4[%get3A] {strides = array<i32>} : memref<100352xi32, #tpu.memory_space<vmem>>, vector<16xi32>,
        %xor3A = arith.constant -1 : i32
        %xor3A_48 = vector.broadcast %xor3A : i32 to vector<16xi32>
        %xor3A_49 = arith.xori %get3A_47, %xor3A_48 : vector<16xi32>
        %shift_right_logical3A = arith.constant 0 : i32
        %shift_right_logical3A_50 = vector.broadcast %shift_right_logical3A : i32 to vector<16xi32>
        %shift_right_logical3A_51 = arith.shrui %xor3A_49, %shift_right_logical3A_50 : vector<16xi32>
        %and3A = arith.constant 255 : i32
        %and3A_52 = vector.broadcast %and3A : i32 to vector<16xi32>
        %and3A_53 = arith.andi %shift_right_logical3A_51, %and3A_52 : vector<16xi32>
        %mul3A_54 = arith.constant 16 : i32
        %mul3A_55 = vector.broadcast %mul3A_54 : i32 to vector<16xi32>
        %mul3A_56 = arith.muli %and3A_53, %mul3A_55 : vector<16xi32>
        %add3A_57 = arith.addi %mul3A_56, %iota3A : vector<16xi32>
        %broadcast_in_dim3A = arith.constant 1 : i32
        %broadcast_in_dim3A_58 = vector.broadcast %broadcast_in_dim3A : i32 to vector<16xi32>
        tpu.vector_store_idx %arg7[%add3A_57], %broadcast_in_dim3A_58 {add = true} : memref<4096xi32, #tpu.memory_space<vmem>>[vector<16xi32>], vector<16xi32>,
        %scan3A_59 = arith.constant 0 : i32
        scf.yield %scan3A_59 : i32
      }
      %scan3A_27 = arith.constant 6272 : i32
      %scan3A_28 = arith.constant 0 : i32
      %scan3A_29 = arith.constant 0 : i32
      %scan3A_30 = arith.constant 16 : i32
      %scan3A_31 = arith.addi %scan3A_29, %scan3A_30 : i32
      %scan3A_32 = arith.constant 1 : i32
      %scan3A_33 = scf.for %scan3A_43 = %scan3A_29 to %scan3A_31 step %scan3A_32 iter_args(%scan3A_44 = %scan3A_28) -> (i32)  : i32 {
        %broadcast_in_dim3A = arith.constant 0 : i32
        %broadcast_in_dim3A_45 = vector.broadcast %broadcast_in_dim3A : i32 to vector<16xi32>
        %mul3A_46 = arith.constant 16 : i32
        %mul3A_47 = arith.muli %scan3A_43, %mul3A_46 : i32
        %add3A_48 = vector.broadcast %mul3A_47 : i32 to vector<16xi32>
        %add3A_49 = arith.addi %add3A_48, %iota3A : vector<16xi32>
        %mul3A_50 = arith.constant 16 : i32
        %mul3A_51 = vector.broadcast %mul3A_50 : i32 to vector<16xi32>
        %mul3A_52 = arith.muli %add3A_49, %mul3A_51 : vector<16xi32>
        %add3A_53 = arith.constant 0 : i32
        %add3A_54 = vector.broadcast %add3A_53 : i32 to vector<16xi32>
        %add3A_55 = arith.addi %mul3A_52, %add3A_54 : vector<16xi32>
        %gather3A = tpu.vector_load_idx %arg7[%add3A_55] : memref<4096xi32, #tpu.memory_space<vmem>>[vector<16xi32>], vector<16xi32>,
        %add3A_56 = arith.addi %broadcast_in_dim3A_45, %gather3A : vector<16xi32>
        %mul3A_57 = arith.constant 16 : i32
        %mul3A_58 = arith.muli %scan3A_43, %mul3A_57 : i32
        %add3A_59 = vector.broadcast %mul3A_58 : i32 to vector<16xi32>
        %add3A_60 = arith.addi %add3A_59, %iota3A : vector<16xi32>
        %mul3A_61 = arith.constant 16 : i32
        %mul3A_62 = vector.broadcast %mul3A_61 : i32 to vector<16xi32>
        %mul3A_63 = arith.muli %add3A_60, %mul3A_62 : vector<16xi32>
        %add3A_64 = arith.constant 1 : i32
        %add3A_65 = vector.broadcast %add3A_64 : i32 to vector<16xi32>
        %add3A_66 = arith.addi %mul3A_63, %add3A_65 : vector<16xi32>
        %gather3A_67 = tpu.vector_load_idx %arg7[%add3A_66] : memref<4096xi32, #tpu.memory_space<vmem>>[vector<16xi32>], vector<16xi32>,
        %add3A_68 = arith.addi %add3A_56, %gather3A_67 : vector<16xi32>
        %mul3A_69 = arith.constant 16 : i32
        %mul3A_70 = arith.muli %scan3A_43, %mul3A_69 : i32
        %add3A_71 = vector.broadcast %mul3A_70 : i32 to vector<16xi32>
        %add3A_72 = arith.addi %add3A_71, %iota3A : vector<16xi32>
        %mul3A_73 = arith.constant 16 : i32
        %mul3A_74 = vector.broadcast %mul3A_73 : i32 to vector<16xi32>
        %mul3A_75 = arith.muli %add3A_72, %mul3A_74 : vector<16xi32>
        %add3A_76 = arith.constant 2 : i32
        %add3A_77 = vector.broadcast %add3A_76 : i32 to vector<16xi32>
        %add3A_78 = arith.addi %mul3A_75, %add3A_77 : vector<16xi32>
        %gather3A_79 = tpu.vector_load_idx %arg7[%add3A_78] : memref<4096xi32, #tpu.memory_space<vmem>>[vector<16xi32>], vector<16xi32>,
        %add3A_80 = arith.addi %add3A_68, %gather3A_79 : vector<16xi32>
        %mul3A_81 = arith.constant 16 : i32
        %mul3A_82 = arith.muli %scan3A_43, %mul3A_81 : i32
        %add3A_83 = vector.broadcast %mul3A_82 : i32 to vector<16xi32>
        %add3A_84 = arith.addi %add3A_83, %iota3A : vector<16xi32>
        %mul3A_85 = arith.constant 16 : i32
        %mul3A_86 = vector.broadcast %mul3A_85 : i32 to vector<16xi32>
        %mul3A_87 = arith.muli %add3A_84, %mul3A_86 : vector<16xi32>
        %add3A_88 = arith.constant 3 : i32
        %add3A_89 = vector.broadcast %add3A_88 : i32 to vector<16xi32>
        %add3A_90 = arith.addi %mul3A_87, %add3A_89 : vector<16xi32>
        %gather3A_91 = tpu.vector_load_idx %arg7[%add3A_90] : memref<4096xi32, #tpu.memory_space<vmem>>[vector<16xi32>], vector<16xi32>,
        %add3A_92 = arith.addi %add3A_80, %gather3A_91 : vector<16xi32>
        %mul3A_93 = arith.constant 16 : i32
        %mul3A_94 = arith.muli %scan3A_43, %mul3A_93 : i32
        %add3A_95 = vector.broadcast %mul3A_94 : i32 to vector<16xi32>
        %add3A_96 = arith.addi %add3A_95, %iota3A : vector<16xi32>
        %mul3A_97 = arith.constant 16 : i32
        %mul3A_98 = vector.broadcast %mul3A_97 : i32 to vector<16xi32>
        %mul3A_99 = arith.muli %add3A_96, %mul3A_98 : vector<16xi32>
        %add3A_100 = arith.constant 4 : i32
        %add3A_101 = vector.broadcast %add3A_100 : i32 to vector<16xi32>
        %add3A_102 = arith.addi %mul3A_99, %add3A_101 : vector<16xi32>
        %gather3A_103 = tpu.vector_load_idx %arg7[%add3A_102] : memref<4096xi32, #tpu.memory_space<vmem>>[vector<16xi32>], vector<16xi32>,
        %add3A_104 = arith.addi %add3A_92, %gather3A_103 : vector<16xi32>
        %mul3A_105 = arith.constant 16 : i32
        %mul3A_106 = arith.muli %scan3A_43, %mul3A_105 : i32
        %add3A_107 = vector.broadcast %mul3A_106 : i32 to vector<16xi32>
        %add3A_108 = arith.addi %add3A_107, %iota3A : vector<16xi32>
        %mul3A_109 = arith.constant 16 : i32
        %mul3A_110 = vector.broadcast %mul3A_109 : i32 to vector<16xi32>
        %mul3A_111 = arith.muli %add3A_108, %mul3A_110 : vector<16xi32>
        %add3A_112 = arith.constant 5 : i32
        %add3A_113 = vector.broadcast %add3A_112 : i32 to vector<16xi32>
        %add3A_114 = arith.addi %mul3A_111, %add3A_113 : vector<16xi32>
        %gather3A_115 = tpu.vector_load_idx %arg7[%add3A_114] : memref<4096xi32, #tpu.memory_space<vmem>>[vector<16xi32>], vector<16xi32>,
        %add3A_116 = arith.addi %add3A_104, %gather3A_115 : vector<16xi32>
        %mul3A_117 = arith.constant 16 : i32
        %mul3A_118 = arith.muli %scan3A_43, %mul3A_117 : i32
        %add3A_119 = vector.broadcast %mul3A_118 : i32 to vector<16xi32>
        %add3A_120 = arith.addi %add3A_119, %iota3A : vector<16xi32>
        %mul3A_121 = arith.constant 16 : i32
        %mul3A_122 = vector.broadcast %mul3A_121 : i32 to vector<16xi32>
        %mul3A_123 = arith.muli %add3A_120, %mul3A_122 : vector<16xi32>
        %add3A_124 = arith.constant 6 : i32
        %add3A_125 = vector.broadcast %add3A_124 : i32 to vector<16xi32>
        %add3A_126 = arith.addi %mul3A_123, %add3A_125 : vector<16xi32>
        %gather3A_127 = tpu.vector_load_idx %arg7[%add3A_126] : memref<4096xi32, #tpu.memory_space<vmem>>[vector<16xi32>], vector<16xi32>,
        %add3A_128 = arith.addi %add3A_116, %gather3A_127 : vector<16xi32>
        %mul3A_129 = arith.constant 16 : i32
        %mul3A_130 = arith.muli %scan3A_43, %mul3A_129 : i32
        %add3A_131 = vector.broadcast %mul3A_130 : i32 to vector<16xi32>
        %add3A_132 = arith.addi %add3A_131, %iota3A : vector<16xi32>
        %mul3A_133 = arith.constant 16 : i32
        %mul3A_134 = vector.broadcast %mul3A_133 : i32 to vector<16xi32>
        %mul3A_135 = arith.muli %add3A_132, %mul3A_134 : vector<16xi32>
        %add3A_136 = arith.constant 7 : i32
        %add3A_137 = vector.broadcast %add3A_136 : i32 to vector<16xi32>
        %add3A_138 = arith.addi %mul3A_135, %add3A_137 : vector<16xi32>
        %gather3A_139 = tpu.vector_load_idx %arg7[%add3A_138] : memref<4096xi32, #tpu.memory_space<vmem>>[vector<16xi32>], vector<16xi32>,
        %add3A_140 = arith.addi %add3A_128, %gather3A_139 : vector<16xi32>
        %mul3A_141 = arith.constant 16 : i32
        %mul3A_142 = arith.muli %scan3A_43, %mul3A_141 : i32
        %add3A_143 = vector.broadcast %mul3A_142 : i32 to vector<16xi32>
        %add3A_144 = arith.addi %add3A_143, %iota3A : vector<16xi32>
        %mul3A_145 = arith.constant 16 : i32
        %mul3A_146 = vector.broadcast %mul3A_145 : i32 to vector<16xi32>
        %mul3A_147 = arith.muli %add3A_144, %mul3A_146 : vector<16xi32>
        %add3A_148 = arith.constant 8 : i32
        %add3A_149 = vector.broadcast %add3A_148 : i32 to vector<16xi32>
        %add3A_150 = arith.addi %mul3A_147, %add3A_149 : vector<16xi32>
        %gather3A_151 = tpu.vector_load_idx %arg7[%add3A_150] : memref<4096xi32, #tpu.memory_space<vmem>>[vector<16xi32>], vector<16xi32>,
        %add3A_152 = arith.addi %add3A_140, %gather3A_151 : vector<16xi32>
        %mul3A_153 = arith.constant 16 : i32
        %mul3A_154 = arith.muli %scan3A_43, %mul3A_153 : i32
        %add3A_155 = vector.broadcast %mul3A_154 : i32 to vector<16xi32>
        %add3A_156 = arith.addi %add3A_155, %iota3A : vector<16xi32>
        %mul3A_157 = arith.constant 16 : i32
        %mul3A_158 = vector.broadcast %mul3A_157 : i32 to vector<16xi32>
        %mul3A_159 = arith.muli %add3A_156, %mul3A_158 : vector<16xi32>
        %add3A_160 = arith.constant 9 : i32
        %add3A_161 = vector.broadcast %add3A_160 : i32 to vector<16xi32>
        %add3A_162 = arith.addi %mul3A_159, %add3A_161 : vector<16xi32>
        %gather3A_163 = tpu.vector_load_idx %arg7[%add3A_162] : memref<4096xi32, #tpu.memory_space<vmem>>[vector<16xi32>], vector<16xi32>,
        %add3A_164 = arith.addi %add3A_152, %gather3A_163 : vector<16xi32>
        %mul3A_165 = arith.constant 16 : i32
        %mul3A_166 = arith.muli %scan3A_43, %mul3A_165 : i32
        %add3A_167 = vector.broadcast %mul3A_166 : i32 to vector<16xi32>
        %add3A_168 = arith.addi %add3A_167, %iota3A : vector<16xi32>
        %mul3A_169 = arith.constant 16 : i32
        %mul3A_170 = vector.broadcast %mul3A_169 : i32 to vector<16xi32>
        %mul3A_171 = arith.muli %add3A_168, %mul3A_170 : vector<16xi32>
        %add3A_172 = arith.constant 10 : i32
        %add3A_173 = vector.broadcast %add3A_172 : i32 to vector<16xi32>
        %add3A_174 = arith.addi %mul3A_171, %add3A_173 : vector<16xi32>
        %gather3A_175 = tpu.vector_load_idx %arg7[%add3A_174] : memref<4096xi32, #tpu.memory_space<vmem>>[vector<16xi32>], vector<16xi32>,
        %add3A_176 = arith.addi %add3A_164, %gather3A_175 : vector<16xi32>
        %mul3A_177 = arith.constant 16 : i32
        %mul3A_178 = arith.muli %scan3A_43, %mul3A_177 : i32
        %add3A_179 = vector.broadcast %mul3A_178 : i32 to vector<16xi32>
        %add3A_180 = arith.addi %add3A_179, %iota3A : vector<16xi32>
        %mul3A_181 = arith.constant 16 : i32
        %mul3A_182 = vector.broadcast %mul3A_181 : i32 to vector<16xi32>
        %mul3A_183 = arith.muli %add3A_180, %mul3A_182 : vector<16xi32>
        %add3A_184 = arith.constant 11 : i32
        %add3A_185 = vector.broadcast %add3A_184 : i32 to vector<16xi32>
        %add3A_186 = arith.addi %mul3A_183, %add3A_185 : vector<16xi32>
        %gather3A_187 = tpu.vector_load_idx %arg7[%add3A_186] : memref<4096xi32, #tpu.memory_space<vmem>>[vector<16xi32>], vector<16xi32>,
        %add3A_188 = arith.addi %add3A_176, %gather3A_187 : vector<16xi32>
        %mul3A_189 = arith.constant 16 : i32
        %mul3A_190 = arith.muli %scan3A_43, %mul3A_189 : i32
        %add3A_191 = vector.broadcast %mul3A_190 : i32 to vector<16xi32>
        %add3A_192 = arith.addi %add3A_191, %iota3A : vector<16xi32>
        %mul3A_193 = arith.constant 16 : i32
        %mul3A_194 = vector.broadcast %mul3A_193 : i32 to vector<16xi32>
        %mul3A_195 = arith.muli %add3A_192, %mul3A_194 : vector<16xi32>
        %add3A_196 = arith.constant 12 : i32
        %add3A_197 = vector.broadcast %add3A_196 : i32 to vector<16xi32>
        %add3A_198 = arith.addi %mul3A_195, %add3A_197 : vector<16xi32>
        %gather3A_199 = tpu.vector_load_idx %arg7[%add3A_198] : memref<4096xi32, #tpu.memory_space<vmem>>[vector<16xi32>], vector<16xi32>,
        %add3A_200 = arith.addi %add3A_188, %gather3A_199 : vector<16xi32>
        %mul3A_201 = arith.constant 16 : i32
        %mul3A_202 = arith.muli %scan3A_43, %mul3A_201 : i32
        %add3A_203 = vector.broadcast %mul3A_202 : i32 to vector<16xi32>
        %add3A_204 = arith.addi %add3A_203, %iota3A : vector<16xi32>
        %mul3A_205 = arith.constant 16 : i32
        %mul3A_206 = vector.broadcast %mul3A_205 : i32 to vector<16xi32>
        %mul3A_207 = arith.muli %add3A_204, %mul3A_206 : vector<16xi32>
        %add3A_208 = arith.constant 13 : i32
        %add3A_209 = vector.broadcast %add3A_208 : i32 to vector<16xi32>
        %add3A_210 = arith.addi %mul3A_207, %add3A_209 : vector<16xi32>
        %gather3A_211 = tpu.vector_load_idx %arg7[%add3A_210] : memref<4096xi32, #tpu.memory_space<vmem>>[vector<16xi32>], vector<16xi32>,
        %add3A_212 = arith.addi %add3A_200, %gather3A_211 : vector<16xi32>
        %mul3A_213 = arith.constant 16 : i32
        %mul3A_214 = arith.muli %scan3A_43, %mul3A_213 : i32
        %add3A_215 = vector.broadcast %mul3A_214 : i32 to vector<16xi32>
        %add3A_216 = arith.addi %add3A_215, %iota3A : vector<16xi32>
        %mul3A_217 = arith.constant 16 : i32
        %mul3A_218 = vector.broadcast %mul3A_217 : i32 to vector<16xi32>
        %mul3A_219 = arith.muli %add3A_216, %mul3A_218 : vector<16xi32>
        %add3A_220 = arith.constant 14 : i32
        %add3A_221 = vector.broadcast %add3A_220 : i32 to vector<16xi32>
        %add3A_222 = arith.addi %mul3A_219, %add3A_221 : vector<16xi32>
        %gather3A_223 = tpu.vector_load_idx %arg7[%add3A_222] : memref<4096xi32, #tpu.memory_space<vmem>>[vector<16xi32>], vector<16xi32>,
        %add3A_224 = arith.addi %add3A_212, %gather3A_223 : vector<16xi32>
        %mul3A_225 = arith.constant 16 : i32
        %mul3A_226 = arith.muli %scan3A_43, %mul3A_225 : i32
        %add3A_227 = vector.broadcast %mul3A_226 : i32 to vector<16xi32>
        %add3A_228 = arith.addi %add3A_227, %iota3A : vector<16xi32>
        %mul3A_229 = arith.constant 16 : i32
        %mul3A_230 = vector.broadcast %mul3A_229 : i32 to vector<16xi32>
        %mul3A_231 = arith.muli %add3A_228, %mul3A_230 : vector<16xi32>
        %add3A_232 = arith.constant 15 : i32
        %add3A_233 = vector.broadcast %add3A_232 : i32 to vector<16xi32>
        %add3A_234 = arith.addi %mul3A_231, %add3A_233 : vector<16xi32>
        %gather3A_235 = tpu.vector_load_idx %arg7[%add3A_234] : memref<4096xi32, #tpu.memory_space<vmem>>[vector<16xi32>], vector<16xi32>,
        %add3A_236 = arith.addi %add3A_224, %gather3A_235 : vector<16xi32>
        %broadcast_in_dim3A_237 = arith.constant true
        %broadcast_in_dim3A_238 = vector.broadcast %broadcast_in_dim3A_237 : i1 to vector<16xi1>
        %masked_cumsum3A = tpu.scan <sum>, %add3A_236 masked %broadcast_in_dim3A_238 : vector<16xi32>, vector<16xi1> -> vector<16xi32>
        %sub3A = arith.subi %masked_cumsum3A, %add3A_236 : vector<16xi32>
        %add3A_239 = vector.broadcast %scan3A_44 : i32 to vector<16xi32>
        %add3A_240 = arith.addi %sub3A, %add3A_239 : vector<16xi32>
        %mul3A_241 = arith.constant 16 : i32
        %mul3A_242 = arith.muli %scan3A_43, %mul3A_241 : i32
        %swap3A = arith.index_cast %mul3A_242 : i32 to index
        %swap3A_243 = tpu.vector_load %arg8[%swap3A] {strides = array<i32>} : memref<256xi32, #tpu.memory_space<vmem>>, vector<16xi32>,
        tpu.vector_store %arg8[%swap3A], %add3A_240 {strides = array<i32>} : memref<256xi32, #tpu.memory_space<vmem>>, vector<16xi32>,
        %reduce_sum3A = arith.constant true
        %reduce_sum3A_244 = vector.broadcast %reduce_sum3A : i1 to vector<16xi1>
        %reduce_sum3A_245 = tpu.scan <sum>, %add3A_236 masked %reduce_sum3A_244 : vector<16xi32>, vector<16xi1> -> vector<16xi32>
        %reduce_sum3A_246 = vector.extract %reduce_sum3A_245[15] : i32 from vector<16xi32>
        %add3A_247 = arith.addi %scan3A_44, %reduce_sum3A_246 : i32
        scf.yield %add3A_247 : i32
      }
      %scan3A_34 = arith.constant 16 : i32
      %scan3A_35 = arith.constant 0 : i32
      %scan3A_36 = arith.constant 0 : i32
      %scan3A_37 = arith.constant 49 : i32
      %scan3A_38 = arith.addi %scan3A_36, %scan3A_37 : i32
      %scan3A_39 = arith.constant 1 : i32
      %scan3A_40 = scf.for %scan3A_43 = %scan3A_36 to %scan3A_38 step %scan3A_39 iter_args(%scan3A_44 = %scan3A_35) -> (i32)  : i32 {
        %scan3A_45 = arith.constant 0 : i32
        %scan3A_46 = arith.constant 0 : i32
        %scan3A_47 = arith.constant 32 : i32
        %scan3A_48 = arith.addi %scan3A_46, %scan3A_47 : i32
        %scan3A_49 = arith.constant 1 : i32
        %scan3A_50 = scf.for %scan3A_55 = %scan3A_46 to %scan3A_48 step %scan3A_49 iter_args(%scan3A_56 = %scan3A_45) -> (i32)  : i32 {
          %mul3A_57 = arith.constant 4 : i32
          %mul3A_58 = arith.muli %scan3A_55, %mul3A_57 : i32
          %add3A_59 = arith.constant 0 : i32
          %add3A_60 = arith.addi %mul3A_58, %add3A_59 : i32
          %mul3A_61 = arith.constant 128 : i32
          %mul3A_62 = arith.muli %scan3A_43, %mul3A_61 : i32
          %add3A_63 = arith.addi %mul3A_62, %add3A_60 : i32
          %mul3A_64 = arith.constant 16 : i32
          %mul3A_65 = arith.muli %add3A_63, %mul3A_64 : i32
          %get3A = arith.index_cast %mul3A_65 : i32 to index
          %get3A_66 = tpu.vector_load %arg4[%get3A] {strides = array<i32>} : memref<100352xi32, #tpu.memory_space<vmem>>, vector<16xi32>,
          %xor3A = arith.constant -1 : i32
          %xor3A_67 = vector.broadcast %xor3A : i32 to vector<16xi32>
          %xor3A_68 = arith.xori %get3A_66, %xor3A_67 : vector<16xi32>
          %shift_right_logical3A = arith.constant 0 : i32
          %shift_right_logical3A_69 = vector.broadcast %shift_right_logical3A : i32 to vector<16xi32>
          %shift_right_logical3A_70 = arith.shrui %xor3A_68, %shift_right_logical3A_69 : vector<16xi32>
          %and3A = arith.constant 255 : i32
          %and3A_71 = vector.broadcast %and3A : i32 to vector<16xi32>
          %and3A_72 = arith.andi %shift_right_logical3A_70, %and3A_71 : vector<16xi32>
          %broadcast_in_dim3A = arith.constant true
          %broadcast_in_dim3A_73 = vector.broadcast %broadcast_in_dim3A : i1 to vector<16xi1>
          %unique3A, %unique3A_74 = tpu.scan_count mask(%broadcast_in_dim3A_73 : vector<16xi1>) value(%and3A_72 : vector<16xi32>) : vector<16xi1>, vector<16xi32>
          %gather3A = tpu.vector_load_idx %arg8[%and3A_72] : memref<256xi32, #tpu.memory_space<vmem>>[vector<16xi32>], vector<16xi32>,
          %add3A_75 = arith.addi %gather3A, %unique3A_74 : vector<16xi32>
          %sub3A = arith.constant 1 : i32
          %sub3A_76 = vector.broadcast %sub3A : i32 to vector<16xi32>
          %sub3A_77 = arith.subi %add3A_75, %sub3A_76 : vector<16xi32>
          %add3A_78 = vector.broadcast %mul3A_13 : i32 to vector<16xi32>
          %add3A_79 = arith.addi %sub3A_77, %add3A_78 : vector<16xi32>
          tpu.vector_store_idx %arg8[%and3A_72], %unique3A_74 masked %unique3A {add = true} : memref<256xi32, #tpu.memory_space<vmem>>[vector<16xi32>], vector<16xi32>, vector<16xi1>
          %mul3A_80 = arith.constant 16 : i32
          %mul3A_81 = arith.muli %add3A_60, %mul3A_80 : i32
          %swap3A = arith.index_cast %mul3A_81 : i32 to index
          %swap3A_82 = tpu.vector_load %arg5[%swap3A] {strides = array<i32>} : memref<2048xi32, #tpu.memory_space<vmem>>, vector<16xi32>,
          tpu.vector_store %arg5[%swap3A], %get3A_66 {strides = array<i32>} : memref<2048xi32, #tpu.memory_space<vmem>>, vector<16xi32>,
          %mul3A_83 = arith.constant 16 : i32
          %mul3A_84 = arith.muli %add3A_60, %mul3A_83 : i32
          %swap3A_85 = arith.index_cast %mul3A_84 : i32 to index
          %swap3A_86 = tpu.vector_load %arg6[%swap3A_85] {strides = array<i32>} : memref<2048xi32, #tpu.memory_space<vmem>>, vector<16xi32>,
          tpu.vector_store %arg6[%swap3A_85], %add3A_79 {strides = array<i32>} : memref<2048xi32, #tpu.memory_space<vmem>>, vector<16xi32>,
          %mul3A_87 = arith.constant 4 : i32
          %mul3A_88 = arith.muli %scan3A_55, %mul3A_87 : i32
          %add3A_89 = arith.constant 1 : i32
          %add3A_90 = arith.addi %mul3A_88, %add3A_89 : i32
          %mul3A_91 = arith.constant 128 : i32
          %mul3A_92 = arith.muli %scan3A_43, %mul3A_91 : i32
          %add3A_93 = arith.addi %mul3A_92, %add3A_90 : i32
          %mul3A_94 = arith.constant 16 : i32
          %mul3A_95 = arith.muli %add3A_93, %mul3A_94 : i32
          %get3A_96 = arith.index_cast %mul3A_95 : i32 to index
          %get3A_97 = tpu.vector_load %arg4[%get3A_96] {strides = array<i32>} : memref<100352xi32, #tpu.memory_space<vmem>>, vector<16xi32>,
          %xor3A_98 = arith.constant -1 : i32
          %xor3A_99 = vector.broadcast %xor3A_98 : i32 to vector<16xi32>
          %xor3A_100 = arith.xori %get3A_97, %xor3A_99 : vector<16xi32>
          %shift_right_logical3A_101 = arith.constant 0 : i32
          %shift_right_logical3A_102 = vector.broadcast %shift_right_logical3A_101 : i32 to vector<16xi32>
          %shift_right_logical3A_103 = arith.shrui %xor3A_100, %shift_right_logical3A_102 : vector<16xi32>
          %and3A_104 = arith.constant 255 : i32
          %and3A_105 = vector.broadcast %and3A_104 : i32 to vector<16xi32>
          %and3A_106 = arith.andi %shift_right_logical3A_103, %and3A_105 : vector<16xi32>
          %broadcast_in_dim3A_107 = arith.constant true
          %broadcast_in_dim3A_108 = vector.broadcast %broadcast_in_dim3A_107 : i1 to vector<16xi1>
          %unique3A_109, %unique3A_110 = tpu.scan_count mask(%broadcast_in_dim3A_108 : vector<16xi1>) value(%and3A_106 : vector<16xi32>) : vector<16xi1>, vector<16xi32>
          %gather3A_111 = tpu.vector_load_idx %arg8[%and3A_106] : memref<256xi32, #tpu.memory_space<vmem>>[vector<16xi32>], vector<16xi32>,
          %add3A_112 = arith.addi %gather3A_111, %unique3A_110 : vector<16xi32>
          %sub3A_113 = arith.constant 1 : i32
          %sub3A_114 = vector.broadcast %sub3A_113 : i32 to vector<16xi32>
          %sub3A_115 = arith.subi %add3A_112, %sub3A_114 : vector<16xi32>
          %add3A_116 = vector.broadcast %mul3A_13 : i32 to vector<16xi32>
          %add3A_117 = arith.addi %sub3A_115, %add3A_116 : vector<16xi32>
          tpu.vector_store_idx %arg8[%and3A_106], %unique3A_110 masked %unique3A_109 {add = true} : memref<256xi32, #tpu.memory_space<vmem>>[vector<16xi32>], vector<16xi32>, vector<16xi1>
          %mul3A_118 = arith.constant 16 : i32
          %mul3A_119 = arith.muli %add3A_90, %mul3A_118 : i32
          %swap3A_120 = arith.index_cast %mul3A_119 : i32 to index
          %swap3A_121 = tpu.vector_load %arg5[%swap3A_120] {strides = array<i32>} : memref<2048xi32, #tpu.memory_space<vmem>>, vector<16xi32>,
          tpu.vector_store %arg5[%swap3A_120], %get3A_97 {strides = array<i32>} : memref<2048xi32, #tpu.memory_space<vmem>>, vector<16xi32>,
          %mul3A_122 = arith.constant 16 : i32
          %mul3A_123 = arith.muli %add3A_90, %mul3A_122 : i32
          %swap3A_124 = arith.index_cast %mul3A_123 : i32 to index
          %swap3A_125 = tpu.vector_load %arg6[%swap3A_124] {strides = array<i32>} : memref<2048xi32, #tpu.memory_space<vmem>>, vector<16xi32>,
          tpu.vector_store %arg6[%swap3A_124], %add3A_117 {strides = array<i32>} : memref<2048xi32, #tpu.memory_space<vmem>>, vector<16xi32>,
          %mul3A_126 = arith.constant 4 : i32
          %mul3A_127 = arith.muli %scan3A_55, %mul3A_126 : i32
          %add3A_128 = arith.constant 2 : i32
          %add3A_129 = arith.addi %mul3A_127, %add3A_128 : i32
          %mul3A_130 = arith.constant 128 : i32
          %mul3A_131 = arith.muli %scan3A_43, %mul3A_130 : i32
          %add3A_132 = arith.addi %mul3A_131, %add3A_129 : i32
          %mul3A_133 = arith.constant 16 : i32
          %mul3A_134 = arith.muli %add3A_132, %mul3A_133 : i32
          %get3A_135 = arith.index_cast %mul3A_134 : i32 to index
          %get3A_136 = tpu.vector_load %arg4[%get3A_135] {strides = array<i32>} : memref<100352xi32, #tpu.memory_space<vmem>>, vector<16xi32>,
          %xor3A_137 = arith.constant -1 : i32
          %xor3A_138 = vector.broadcast %xor3A_137 : i32 to vector<16xi32>
          %xor3A_139 = arith.xori %get3A_136, %xor3A_138 : vector<16xi32>
          %shift_right_logical3A_140 = arith.constant 0 : i32
          %shift_right_logical3A_141 = vector.broadcast %shift_right_logical3A_140 : i32 to vector<16xi32>
          %shift_right_logical3A_142 = arith.shrui %xor3A_139, %shift_right_logical3A_141 : vector<16xi32>
          %and3A_143 = arith.constant 255 : i32
          %and3A_144 = vector.broadcast %and3A_143 : i32 to vector<16xi32>
          %and3A_145 = arith.andi %shift_right_logical3A_142, %and3A_144 : vector<16xi32>
          %broadcast_in_dim3A_146 = arith.constant true
          %broadcast_in_dim3A_147 = vector.broadcast %broadcast_in_dim3A_146 : i1 to vector<16xi1>
          %unique3A_148, %unique3A_149 = tpu.scan_count mask(%broadcast_in_dim3A_147 : vector<16xi1>) value(%and3A_145 : vector<16xi32>) : vector<16xi1>, vector<16xi32>
          %gather3A_150 = tpu.vector_load_idx %arg8[%and3A_145] : memref<256xi32, #tpu.memory_space<vmem>>[vector<16xi32>], vector<16xi32>,
          %add3A_151 = arith.addi %gather3A_150, %unique3A_149 : vector<16xi32>
          %sub3A_152 = arith.constant 1 : i32
          %sub3A_153 = vector.broadcast %sub3A_152 : i32 to vector<16xi32>
          %sub3A_154 = arith.subi %add3A_151, %sub3A_153 : vector<16xi32>
          %add3A_155 = vector.broadcast %mul3A_13 : i32 to vector<16xi32>
          %add3A_156 = arith.addi %sub3A_154, %add3A_155 : vector<16xi32>
          tpu.vector_store_idx %arg8[%and3A_145], %unique3A_149 masked %unique3A_148 {add = true} : memref<256xi32, #tpu.memory_space<vmem>>[vector<16xi32>], vector<16xi32>, vector<16xi1>
          %mul3A_157 = arith.constant 16 : i32
          %mul3A_158 = arith.muli %add3A_129, %mul3A_157 : i32
          %swap3A_159 = arith.index_cast %mul3A_158 : i32 to index
          %swap3A_160 = tpu.vector_load %arg5[%swap3A_159] {strides = array<i32>} : memref<2048xi32, #tpu.memory_space<vmem>>, vector<16xi32>,
          tpu.vector_store %arg5[%swap3A_159], %get3A_136 {strides = array<i32>} : memref<2048xi32, #tpu.memory_space<vmem>>, vector<16xi32>,
          %mul3A_161 = arith.constant 16 : i32
          %mul3A_162 = arith.muli %add3A_129, %mul3A_161 : i32
          %swap3A_163 = arith.index_cast %mul3A_162 : i32 to index
          %swap3A_164 = tpu.vector_load %arg6[%swap3A_163] {strides = array<i32>} : memref<2048xi32, #tpu.memory_space<vmem>>, vector<16xi32>,
          tpu.vector_store %arg6[%swap3A_163], %add3A_156 {strides = array<i32>} : memref<2048xi32, #tpu.memory_space<vmem>>, vector<16xi32>,
          %mul3A_165 = arith.constant 4 : i32
          %mul3A_166 = arith.muli %scan3A_55, %mul3A_165 : i32
          %add3A_167 = arith.constant 3 : i32
          %add3A_168 = arith.addi %mul3A_166, %add3A_167 : i32
          %mul3A_169 = arith.constant 128 : i32
          %mul3A_170 = arith.muli %scan3A_43, %mul3A_169 : i32
          %add3A_171 = arith.addi %mul3A_170, %add3A_168 : i32
          %mul3A_172 = arith.constant 16 : i32
          %mul3A_173 = arith.muli %add3A_171, %mul3A_172 : i32
          %get3A_174 = arith.index_cast %mul3A_173 : i32 to index
          %get3A_175 = tpu.vector_load %arg4[%get3A_174] {strides = array<i32>} : memref<100352xi32, #tpu.memory_space<vmem>>, vector<16xi32>,
          %xor3A_176 = arith.constant -1 : i32
          %xor3A_177 = vector.broadcast %xor3A_176 : i32 to vector<16xi32>
          %xor3A_178 = arith.xori %get3A_175, %xor3A_177 : vector<16xi32>
          %shift_right_logical3A_179 = arith.constant 0 : i32
          %shift_right_logical3A_180 = vector.broadcast %shift_right_logical3A_179 : i32 to vector<16xi32>
          %shift_right_logical3A_181 = arith.shrui %xor3A_178, %shift_right_logical3A_180 : vector<16xi32>
          %and3A_182 = arith.constant 255 : i32
          %and3A_183 = vector.broadcast %and3A_182 : i32 to vector<16xi32>
          %and3A_184 = arith.andi %shift_right_logical3A_181, %and3A_183 : vector<16xi32>
          %broadcast_in_dim3A_185 = arith.constant true
          %broadcast_in_dim3A_186 = vector.broadcast %broadcast_in_dim3A_185 : i1 to vector<16xi1>
          %unique3A_187, %unique3A_188 = tpu.scan_count mask(%broadcast_in_dim3A_186 : vector<16xi1>) value(%and3A_184 : vector<16xi32>) : vector<16xi1>, vector<16xi32>
          %gather3A_189 = tpu.vector_load_idx %arg8[%and3A_184] : memref<256xi32, #tpu.memory_space<vmem>>[vector<16xi32>], vector<16xi32>,
          %add3A_190 = arith.addi %gather3A_189, %unique3A_188 : vector<16xi32>
          %sub3A_191 = arith.constant 1 : i32
          %sub3A_192 = vector.broadcast %sub3A_191 : i32 to vector<16xi32>
          %sub3A_193 = arith.subi %add3A_190, %sub3A_192 : vector<16xi32>
          %add3A_194 = vector.broadcast %mul3A_13 : i32 to vector<16xi32>
          %add3A_195 = arith.addi %sub3A_193, %add3A_194 : vector<16xi32>
          tpu.vector_store_idx %arg8[%and3A_184], %unique3A_188 masked %unique3A_187 {add = true} : memref<256xi32, #tpu.memory_space<vmem>>[vector<16xi32>], vector<16xi32>, vector<16xi1>
          %mul3A_196 = arith.constant 16 : i32
          %mul3A_197 = arith.muli %add3A_168, %mul3A_196 : i32
          %swap3A_198 = arith.index_cast %mul3A_197 : i32 to index
          %swap3A_199 = tpu.vector_load %arg5[%swap3A_198] {strides = array<i32>} : memref<2048xi32, #tpu.memory_space<vmem>>, vector<16xi32>,
          tpu.vector_store %arg5[%swap3A_198], %get3A_175 {strides = array<i32>} : memref<2048xi32, #tpu.memory_space<vmem>>, vector<16xi32>,
          %mul3A_200 = arith.constant 16 : i32
          %mul3A_201 = arith.muli %add3A_168, %mul3A_200 : i32
          %swap3A_202 = arith.index_cast %mul3A_201 : i32 to index
          %swap3A_203 = tpu.vector_load %arg6[%swap3A_202] {strides = array<i32>} : memref<2048xi32, #tpu.memory_space<vmem>>, vector<16xi32>,
          tpu.vector_store %arg6[%swap3A_202], %add3A_195 {strides = array<i32>} : memref<2048xi32, #tpu.memory_space<vmem>>, vector<16xi32>,
          %scan3A_204 = arith.constant 0 : i32
          scf.yield %scan3A_204 : i32
        }
        %scan3A_51 = arith.constant 32 : i32
        %dma_start3A = arith.constant 0 : i32
        %dma_start3A_52 = tpu.memref_slice %arg3[%dma_start3A] : memref<12845056xi32, #tpu.memory_space<hbm>> -> memref<12845056xi32, #tpu.memory_space<hbm>>
        tpu.enqueue_indirect_dma source(%arg5 : memref<2048xi32, #tpu.memory_space<vmem>>) target(%dma_start3A_52 : memref<12845056xi32, #tpu.memory_space<hbm>>) offsets(%arg6 : memref<2048xi32, #tpu.memory_space<vmem>>) semaphore(%arg9 : memref<!tpu.dma_semaphore, #tpu.memory_space<semaphore_mem>>)
        %dma_wait3A = arith.constant 0 : i32
        %dma_wait3A_53 = tpu.memref_slice %arg3[%dma_wait3A] : memref<12845056xi32, #tpu.memory_space<hbm>> -> memref<12845056xi32, #tpu.memory_space<hbm>>
        tpu.wait_indirect_dma semaphore(%arg9 : memref<!tpu.dma_semaphore, #tpu.memory_space<semaphore_mem>>) src(%arg5 : memref<2048xi32, #tpu.memory_space<vmem>>) dst(%dma_wait3A_53 : memref<12845056xi32, #tpu.memory_space<hbm>>)
        %scan3A_54 = arith.constant 0 : i32
        scf.yield %scan3A_54 : i32
      }
      %scan3A_41 = arith.constant 49 : i32
      %scan3A_42 = arith.constant 0 : i32
      scf.yield %scan3A_42 : i32
    }
    %scan3A_6 = arith.constant 4 : i32
    return
  }
}

#map = affine_map<(d0, d1) -> (0)>
module attributes {stable_mosaic.version = 14 : i64} {
  func.func @_radix_pass_kernel(%arg0: i32, %arg1: i32, %arg2: memref<12845056xi32, #tpu.memory_space<hbm>>, %arg3: memref<12845056xi32, #tpu.memory_space<hbm>>, %arg4: memref<100352xi32, #tpu.memory_space<vmem>>, %arg5: memref<2048xi32, #tpu.memory_space<vmem>>, %arg6: memref<2048xi32, #tpu.memory_space<vmem>>, %arg7: memref<4096xi32, #tpu.memory_space<vmem>>, %arg8: memref<256xi32, #tpu.memory_space<vmem>>, %arg9: memref<!tpu.dma_semaphore, #tpu.memory_space<semaphore_mem>>) attributes {dimension_semantics = [#tpu.dimension_semantics<core_parallel>, #tpu.dimension_semantics<subcore_parallel>], iteration_bounds = array<i64: 2, 16>, scalar_prefetch = 0 : i64, scratch_operands = 6 : i64, tpu.core_type = #tpu.core_type<sc_vector_subcore>, window_params = [{transform_indices = #map}, {transform_indices = #map}]} {
    %mul3A = arith.constant 2 : i32
    %mul3A_0 = arith.muli %arg1, %mul3A : i32
    %add3A = arith.addi %mul3A_0, %arg0 : i32
    %iota3A = tpu.iota {dimensions = array<i32: 0>} : vector<16xi32>
    %scan3A = arith.constant 0 : i32
    %scan3A_1 = arith.constant 0 : i32
    %scan3A_2 = arith.constant 4 : i32
    %scan3A_3 = arith.addi %scan3A_1, %scan3A_2 : i32
    %scan3A_4 = arith.constant 1 : i32
    %scan3A_5 = scf.for %scan3A_7 = %scan3A_1 to %scan3A_3 step %scan3A_4 iter_args(%scan3A_8 = %scan3A) -> (i32)  : i32 {
      %mul3A_9 = arith.constant 4 : i32
      %mul3A_10 = arith.muli %add3A, %mul3A_9 : i32
      %add3A_11 = arith.addi %mul3A_10, %scan3A_7 : i32
      %mul3A_12 = arith.constant 100352 : i32
      %mul3A_13 = arith.muli %add3A_11, %mul3A_12 : i32
      "tpu.region"() ({
        %run_scoped3A = tpu.sem_alloc : memref<!tpu.dma_semaphore, #tpu.memory_space<semaphore_mem>>
        %dma_start3A = tpu.memref_slice %arg2[%mul3A_13] : memref<12845056xi32, #tpu.memory_space<hbm>> -> memref<100352xi32, #tpu.memory_space<hbm>>
        %dma_start3A_43 = tpu.memref_slice %arg2[%mul3A_13] : memref<12845056xi32, #tpu.memory_space<hbm>> -> memref<100352xi32, #tpu.memory_space<hbm>>
        tpu.enqueue_dma source(%dma_start3A_43 : memref<100352xi32, #tpu.memory_space<hbm>>) target(%arg4 : memref<100352xi32, #tpu.memory_space<vmem>>) target_semaphore(%run_scoped3A : memref<!tpu.dma_semaphore, #tpu.memory_space<semaphore_mem>>)
        %dma_wait3A = tpu.memref_slice %arg2[%mul3A_13] : memref<12845056xi32, #tpu.memory_space<hbm>> -> memref<100352xi32, #tpu.memory_space<hbm>>
        %dma_wait3A_44 = tpu.memref_slice %arg2[%mul3A_13] : memref<12845056xi32, #tpu.memory_space<hbm>> -> memref<100352xi32, #tpu.memory_space<hbm>>
        tpu.wait_dma2 semaphore(%run_scoped3A : memref<!tpu.dma_semaphore, #tpu.memory_space<semaphore_mem>>) src(%dma_wait3A_44 : memref<100352xi32, #tpu.memory_space<hbm>>) dst(%arg4 : memref<100352xi32, #tpu.memory_space<vmem>>)
        tpu.yield
      }) : () -> ()
      %scan3A_14 = arith.constant 0 : i32
      %scan3A_15 = arith.constant 0 : i32
      %scan3A_16 = arith.constant 256 : i32
      %scan3A_17 = arith.addi %scan3A_15, %scan3A_16 : i32
      %scan3A_18 = arith.constant 1 : i32
      %scan3A_19 = scf.for %scan3A_43 = %scan3A_15 to %scan3A_17 step %scan3A_18 iter_args(%scan3A_44 = %scan3A_14) -> (i32)  : i32 {
        %broadcast_in_dim3A = arith.constant 0 : i32
        %broadcast_in_dim3A_45 = vector.broadcast %broadcast_in_dim3A : i32 to vector<16xi32>
        %mul3A_46 = arith.constant 16 : i32
        %mul3A_47 = arith.muli %scan3A_43, %mul3A_46 : i32
        %swap3A = arith.index_cast %mul3A_47 : i32 to index
        %swap3A_48 = tpu.vector_load %arg7[%swap3A] {strides = array<i32>} : memref<4096xi32, #tpu.memory_space<vmem>>, vector<16xi32>,
        tpu.vector_store %arg7[%swap3A], %broadcast_in_dim3A_45 {strides = array<i32>} : memref<4096xi32, #tpu.memory_space<vmem>>, vector<16xi32>,
        %scan3A_49 = arith.constant 0 : i32
        scf.yield %scan3A_49 : i32
      }
      %scan3A_20 = arith.constant 256 : i32
      %scan3A_21 = arith.constant 0 : i32
      %scan3A_22 = arith.constant 0 : i32
      %scan3A_23 = arith.constant 6272 : i32
      %scan3A_24 = arith.addi %scan3A_22, %scan3A_23 : i32
      %scan3A_25 = arith.constant 1 : i32
      %scan3A_26 = scf.for %scan3A_43 = %scan3A_22 to %scan3A_24 step %scan3A_25 iter_args(%scan3A_44 = %scan3A_21) -> (i32)  : i32 {
        %mul3A_45 = arith.constant 16 : i32
        %mul3A_46 = arith.muli %scan3A_43, %mul3A_45 : i32
        %get3A = arith.index_cast %mul3A_46 : i32 to index
        %get3A_47 = tpu.vector_load %arg4[%get3A] {strides = array<i32>} : memref<100352xi32, #tpu.memory_space<vmem>>, vector<16xi32>,
        %xor3A = arith.constant -1 : i32
        %xor3A_48 = vector.broadcast %xor3A : i32 to vector<16xi32>
        %xor3A_49 = arith.xori %get3A_47, %xor3A_48 : vector<16xi32>
        %shift_right_logical3A = arith.constant 16 : i32
        %shift_right_logical3A_50 = vector.broadcast %shift_right_logical3A : i32 to vector<16xi32>
        %shift_right_logical3A_51 = arith.shrui %xor3A_49, %shift_right_logical3A_50 : vector<16xi32>
        %and3A = arith.constant 255 : i32
        %and3A_52 = vector.broadcast %and3A : i32 to vector<16xi32>
        %and3A_53 = arith.andi %shift_right_logical3A_51, %and3A_52 : vector<16xi32>
        %mul3A_54 = arith.constant 16 : i32
        %mul3A_55 = vector.broadcast %mul3A_54 : i32 to vector<16xi32>
        %mul3A_56 = arith.muli %and3A_53, %mul3A_55 : vector<16xi32>
        %add3A_57 = arith.addi %mul3A_56, %iota3A : vector<16xi32>
        %broadcast_in_dim3A = arith.constant 1 : i32
        %broadcast_in_dim3A_58 = vector.broadcast %broadcast_in_dim3A : i32 to vector<16xi32>
        tpu.vector_store_idx %arg7[%add3A_57], %broadcast_in_dim3A_58 {add = true} : memref<4096xi32, #tpu.memory_space<vmem>>[vector<16xi32>], vector<16xi32>,
        %scan3A_59 = arith.constant 0 : i32
        scf.yield %scan3A_59 : i32
      }
      %scan3A_27 = arith.constant 6272 : i32
      %scan3A_28 = arith.constant 0 : i32
      %scan3A_29 = arith.constant 0 : i32
      %scan3A_30 = arith.constant 16 : i32
      %scan3A_31 = arith.addi %scan3A_29, %scan3A_30 : i32
      %scan3A_32 = arith.constant 1 : i32
      %scan3A_33 = scf.for %scan3A_43 = %scan3A_29 to %scan3A_31 step %scan3A_32 iter_args(%scan3A_44 = %scan3A_28) -> (i32)  : i32 {
        %broadcast_in_dim3A = arith.constant 0 : i32
        %broadcast_in_dim3A_45 = vector.broadcast %broadcast_in_dim3A : i32 to vector<16xi32>
        %mul3A_46 = arith.constant 16 : i32
        %mul3A_47 = arith.muli %scan3A_43, %mul3A_46 : i32
        %add3A_48 = vector.broadcast %mul3A_47 : i32 to vector<16xi32>
        %add3A_49 = arith.addi %add3A_48, %iota3A : vector<16xi32>
        %mul3A_50 = arith.constant 16 : i32
        %mul3A_51 = vector.broadcast %mul3A_50 : i32 to vector<16xi32>
        %mul3A_52 = arith.muli %add3A_49, %mul3A_51 : vector<16xi32>
        %add3A_53 = arith.constant 0 : i32
        %add3A_54 = vector.broadcast %add3A_53 : i32 to vector<16xi32>
        %add3A_55 = arith.addi %mul3A_52, %add3A_54 : vector<16xi32>
        %gather3A = tpu.vector_load_idx %arg7[%add3A_55] : memref<4096xi32, #tpu.memory_space<vmem>>[vector<16xi32>], vector<16xi32>,
        %add3A_56 = arith.addi %broadcast_in_dim3A_45, %gather3A : vector<16xi32>
        %mul3A_57 = arith.constant 16 : i32
        %mul3A_58 = arith.muli %scan3A_43, %mul3A_57 : i32
        %add3A_59 = vector.broadcast %mul3A_58 : i32 to vector<16xi32>
        %add3A_60 = arith.addi %add3A_59, %iota3A : vector<16xi32>
        %mul3A_61 = arith.constant 16 : i32
        %mul3A_62 = vector.broadcast %mul3A_61 : i32 to vector<16xi32>
        %mul3A_63 = arith.muli %add3A_60, %mul3A_62 : vector<16xi32>
        %add3A_64 = arith.constant 1 : i32
        %add3A_65 = vector.broadcast %add3A_64 : i32 to vector<16xi32>
        %add3A_66 = arith.addi %mul3A_63, %add3A_65 : vector<16xi32>
        %gather3A_67 = tpu.vector_load_idx %arg7[%add3A_66] : memref<4096xi32, #tpu.memory_space<vmem>>[vector<16xi32>], vector<16xi32>,
        %add3A_68 = arith.addi %add3A_56, %gather3A_67 : vector<16xi32>
        %mul3A_69 = arith.constant 16 : i32
        %mul3A_70 = arith.muli %scan3A_43, %mul3A_69 : i32
        %add3A_71 = vector.broadcast %mul3A_70 : i32 to vector<16xi32>
        %add3A_72 = arith.addi %add3A_71, %iota3A : vector<16xi32>
        %mul3A_73 = arith.constant 16 : i32
        %mul3A_74 = vector.broadcast %mul3A_73 : i32 to vector<16xi32>
        %mul3A_75 = arith.muli %add3A_72, %mul3A_74 : vector<16xi32>
        %add3A_76 = arith.constant 2 : i32
        %add3A_77 = vector.broadcast %add3A_76 : i32 to vector<16xi32>
        %add3A_78 = arith.addi %mul3A_75, %add3A_77 : vector<16xi32>
        %gather3A_79 = tpu.vector_load_idx %arg7[%add3A_78] : memref<4096xi32, #tpu.memory_space<vmem>>[vector<16xi32>], vector<16xi32>,
        %add3A_80 = arith.addi %add3A_68, %gather3A_79 : vector<16xi32>
        %mul3A_81 = arith.constant 16 : i32
        %mul3A_82 = arith.muli %scan3A_43, %mul3A_81 : i32
        %add3A_83 = vector.broadcast %mul3A_82 : i32 to vector<16xi32>
        %add3A_84 = arith.addi %add3A_83, %iota3A : vector<16xi32>
        %mul3A_85 = arith.constant 16 : i32
        %mul3A_86 = vector.broadcast %mul3A_85 : i32 to vector<16xi32>
        %mul3A_87 = arith.muli %add3A_84, %mul3A_86 : vector<16xi32>
        %add3A_88 = arith.constant 3 : i32
        %add3A_89 = vector.broadcast %add3A_88 : i32 to vector<16xi32>
        %add3A_90 = arith.addi %mul3A_87, %add3A_89 : vector<16xi32>
        %gather3A_91 = tpu.vector_load_idx %arg7[%add3A_90] : memref<4096xi32, #tpu.memory_space<vmem>>[vector<16xi32>], vector<16xi32>,
        %add3A_92 = arith.addi %add3A_80, %gather3A_91 : vector<16xi32>
        %mul3A_93 = arith.constant 16 : i32
        %mul3A_94 = arith.muli %scan3A_43, %mul3A_93 : i32
        %add3A_95 = vector.broadcast %mul3A_94 : i32 to vector<16xi32>
        %add3A_96 = arith.addi %add3A_95, %iota3A : vector<16xi32>
        %mul3A_97 = arith.constant 16 : i32
        %mul3A_98 = vector.broadcast %mul3A_97 : i32 to vector<16xi32>
        %mul3A_99 = arith.muli %add3A_96, %mul3A_98 : vector<16xi32>
        %add3A_100 = arith.constant 4 : i32
        %add3A_101 = vector.broadcast %add3A_100 : i32 to vector<16xi32>
        %add3A_102 = arith.addi %mul3A_99, %add3A_101 : vector<16xi32>
        %gather3A_103 = tpu.vector_load_idx %arg7[%add3A_102] : memref<4096xi32, #tpu.memory_space<vmem>>[vector<16xi32>], vector<16xi32>,
        %add3A_104 = arith.addi %add3A_92, %gather3A_103 : vector<16xi32>
        %mul3A_105 = arith.constant 16 : i32
        %mul3A_106 = arith.muli %scan3A_43, %mul3A_105 : i32
        %add3A_107 = vector.broadcast %mul3A_106 : i32 to vector<16xi32>
        %add3A_108 = arith.addi %add3A_107, %iota3A : vector<16xi32>
        %mul3A_109 = arith.constant 16 : i32
        %mul3A_110 = vector.broadcast %mul3A_109 : i32 to vector<16xi32>
        %mul3A_111 = arith.muli %add3A_108, %mul3A_110 : vector<16xi32>
        %add3A_112 = arith.constant 5 : i32
        %add3A_113 = vector.broadcast %add3A_112 : i32 to vector<16xi32>
        %add3A_114 = arith.addi %mul3A_111, %add3A_113 : vector<16xi32>
        %gather3A_115 = tpu.vector_load_idx %arg7[%add3A_114] : memref<4096xi32, #tpu.memory_space<vmem>>[vector<16xi32>], vector<16xi32>,
        %add3A_116 = arith.addi %add3A_104, %gather3A_115 : vector<16xi32>
        %mul3A_117 = arith.constant 16 : i32
        %mul3A_118 = arith.muli %scan3A_43, %mul3A_117 : i32
        %add3A_119 = vector.broadcast %mul3A_118 : i32 to vector<16xi32>
        %add3A_120 = arith.addi %add3A_119, %iota3A : vector<16xi32>
        %mul3A_121 = arith.constant 16 : i32
        %mul3A_122 = vector.broadcast %mul3A_121 : i32 to vector<16xi32>
        %mul3A_123 = arith.muli %add3A_120, %mul3A_122 : vector<16xi32>
        %add3A_124 = arith.constant 6 : i32
        %add3A_125 = vector.broadcast %add3A_124 : i32 to vector<16xi32>
        %add3A_126 = arith.addi %mul3A_123, %add3A_125 : vector<16xi32>
        %gather3A_127 = tpu.vector_load_idx %arg7[%add3A_126] : memref<4096xi32, #tpu.memory_space<vmem>>[vector<16xi32>], vector<16xi32>,
        %add3A_128 = arith.addi %add3A_116, %gather3A_127 : vector<16xi32>
        %mul3A_129 = arith.constant 16 : i32
        %mul3A_130 = arith.muli %scan3A_43, %mul3A_129 : i32
        %add3A_131 = vector.broadcast %mul3A_130 : i32 to vector<16xi32>
        %add3A_132 = arith.addi %add3A_131, %iota3A : vector<16xi32>
        %mul3A_133 = arith.constant 16 : i32
        %mul3A_134 = vector.broadcast %mul3A_133 : i32 to vector<16xi32>
        %mul3A_135 = arith.muli %add3A_132, %mul3A_134 : vector<16xi32>
        %add3A_136 = arith.constant 7 : i32
        %add3A_137 = vector.broadcast %add3A_136 : i32 to vector<16xi32>
        %add3A_138 = arith.addi %mul3A_135, %add3A_137 : vector<16xi32>
        %gather3A_139 = tpu.vector_load_idx %arg7[%add3A_138] : memref<4096xi32, #tpu.memory_space<vmem>>[vector<16xi32>], vector<16xi32>,
        %add3A_140 = arith.addi %add3A_128, %gather3A_139 : vector<16xi32>
        %mul3A_141 = arith.constant 16 : i32
        %mul3A_142 = arith.muli %scan3A_43, %mul3A_141 : i32
        %add3A_143 = vector.broadcast %mul3A_142 : i32 to vector<16xi32>
        %add3A_144 = arith.addi %add3A_143, %iota3A : vector<16xi32>
        %mul3A_145 = arith.constant 16 : i32
        %mul3A_146 = vector.broadcast %mul3A_145 : i32 to vector<16xi32>
        %mul3A_147 = arith.muli %add3A_144, %mul3A_146 : vector<16xi32>
        %add3A_148 = arith.constant 8 : i32
        %add3A_149 = vector.broadcast %add3A_148 : i32 to vector<16xi32>
        %add3A_150 = arith.addi %mul3A_147, %add3A_149 : vector<16xi32>
        %gather3A_151 = tpu.vector_load_idx %arg7[%add3A_150] : memref<4096xi32, #tpu.memory_space<vmem>>[vector<16xi32>], vector<16xi32>,
        %add3A_152 = arith.addi %add3A_140, %gather3A_151 : vector<16xi32>
        %mul3A_153 = arith.constant 16 : i32
        %mul3A_154 = arith.muli %scan3A_43, %mul3A_153 : i32
        %add3A_155 = vector.broadcast %mul3A_154 : i32 to vector<16xi32>
        %add3A_156 = arith.addi %add3A_155, %iota3A : vector<16xi32>
        %mul3A_157 = arith.constant 16 : i32
        %mul3A_158 = vector.broadcast %mul3A_157 : i32 to vector<16xi32>
        %mul3A_159 = arith.muli %add3A_156, %mul3A_158 : vector<16xi32>
        %add3A_160 = arith.constant 9 : i32
        %add3A_161 = vector.broadcast %add3A_160 : i32 to vector<16xi32>
        %add3A_162 = arith.addi %mul3A_159, %add3A_161 : vector<16xi32>
        %gather3A_163 = tpu.vector_load_idx %arg7[%add3A_162] : memref<4096xi32, #tpu.memory_space<vmem>>[vector<16xi32>], vector<16xi32>,
        %add3A_164 = arith.addi %add3A_152, %gather3A_163 : vector<16xi32>
        %mul3A_165 = arith.constant 16 : i32
        %mul3A_166 = arith.muli %scan3A_43, %mul3A_165 : i32
        %add3A_167 = vector.broadcast %mul3A_166 : i32 to vector<16xi32>
        %add3A_168 = arith.addi %add3A_167, %iota3A : vector<16xi32>
        %mul3A_169 = arith.constant 16 : i32
        %mul3A_170 = vector.broadcast %mul3A_169 : i32 to vector<16xi32>
        %mul3A_171 = arith.muli %add3A_168, %mul3A_170 : vector<16xi32>
        %add3A_172 = arith.constant 10 : i32
        %add3A_173 = vector.broadcast %add3A_172 : i32 to vector<16xi32>
        %add3A_174 = arith.addi %mul3A_171, %add3A_173 : vector<16xi32>
        %gather3A_175 = tpu.vector_load_idx %arg7[%add3A_174] : memref<4096xi32, #tpu.memory_space<vmem>>[vector<16xi32>], vector<16xi32>,
        %add3A_176 = arith.addi %add3A_164, %gather3A_175 : vector<16xi32>
        %mul3A_177 = arith.constant 16 : i32
        %mul3A_178 = arith.muli %scan3A_43, %mul3A_177 : i32
        %add3A_179 = vector.broadcast %mul3A_178 : i32 to vector<16xi32>
        %add3A_180 = arith.addi %add3A_179, %iota3A : vector<16xi32>
        %mul3A_181 = arith.constant 16 : i32
        %mul3A_182 = vector.broadcast %mul3A_181 : i32 to vector<16xi32>
        %mul3A_183 = arith.muli %add3A_180, %mul3A_182 : vector<16xi32>
        %add3A_184 = arith.constant 11 : i32
        %add3A_185 = vector.broadcast %add3A_184 : i32 to vector<16xi32>
        %add3A_186 = arith.addi %mul3A_183, %add3A_185 : vector<16xi32>
        %gather3A_187 = tpu.vector_load_idx %arg7[%add3A_186] : memref<4096xi32, #tpu.memory_space<vmem>>[vector<16xi32>], vector<16xi32>,
        %add3A_188 = arith.addi %add3A_176, %gather3A_187 : vector<16xi32>
        %mul3A_189 = arith.constant 16 : i32
        %mul3A_190 = arith.muli %scan3A_43, %mul3A_189 : i32
        %add3A_191 = vector.broadcast %mul3A_190 : i32 to vector<16xi32>
        %add3A_192 = arith.addi %add3A_191, %iota3A : vector<16xi32>
        %mul3A_193 = arith.constant 16 : i32
        %mul3A_194 = vector.broadcast %mul3A_193 : i32 to vector<16xi32>
        %mul3A_195 = arith.muli %add3A_192, %mul3A_194 : vector<16xi32>
        %add3A_196 = arith.constant 12 : i32
        %add3A_197 = vector.broadcast %add3A_196 : i32 to vector<16xi32>
        %add3A_198 = arith.addi %mul3A_195, %add3A_197 : vector<16xi32>
        %gather3A_199 = tpu.vector_load_idx %arg7[%add3A_198] : memref<4096xi32, #tpu.memory_space<vmem>>[vector<16xi32>], vector<16xi32>,
        %add3A_200 = arith.addi %add3A_188, %gather3A_199 : vector<16xi32>
        %mul3A_201 = arith.constant 16 : i32
        %mul3A_202 = arith.muli %scan3A_43, %mul3A_201 : i32
        %add3A_203 = vector.broadcast %mul3A_202 : i32 to vector<16xi32>
        %add3A_204 = arith.addi %add3A_203, %iota3A : vector<16xi32>
        %mul3A_205 = arith.constant 16 : i32
        %mul3A_206 = vector.broadcast %mul3A_205 : i32 to vector<16xi32>
        %mul3A_207 = arith.muli %add3A_204, %mul3A_206 : vector<16xi32>
        %add3A_208 = arith.constant 13 : i32
        %add3A_209 = vector.broadcast %add3A_208 : i32 to vector<16xi32>
        %add3A_210 = arith.addi %mul3A_207, %add3A_209 : vector<16xi32>
        %gather3A_211 = tpu.vector_load_idx %arg7[%add3A_210] : memref<4096xi32, #tpu.memory_space<vmem>>[vector<16xi32>], vector<16xi32>,
        %add3A_212 = arith.addi %add3A_200, %gather3A_211 : vector<16xi32>
        %mul3A_213 = arith.constant 16 : i32
        %mul3A_214 = arith.muli %scan3A_43, %mul3A_213 : i32
        %add3A_215 = vector.broadcast %mul3A_214 : i32 to vector<16xi32>
        %add3A_216 = arith.addi %add3A_215, %iota3A : vector<16xi32>
        %mul3A_217 = arith.constant 16 : i32
        %mul3A_218 = vector.broadcast %mul3A_217 : i32 to vector<16xi32>
        %mul3A_219 = arith.muli %add3A_216, %mul3A_218 : vector<16xi32>
        %add3A_220 = arith.constant 14 : i32
        %add3A_221 = vector.broadcast %add3A_220 : i32 to vector<16xi32>
        %add3A_222 = arith.addi %mul3A_219, %add3A_221 : vector<16xi32>
        %gather3A_223 = tpu.vector_load_idx %arg7[%add3A_222] : memref<4096xi32, #tpu.memory_space<vmem>>[vector<16xi32>], vector<16xi32>,
        %add3A_224 = arith.addi %add3A_212, %gather3A_223 : vector<16xi32>
        %mul3A_225 = arith.constant 16 : i32
        %mul3A_226 = arith.muli %scan3A_43, %mul3A_225 : i32
        %add3A_227 = vector.broadcast %mul3A_226 : i32 to vector<16xi32>
        %add3A_228 = arith.addi %add3A_227, %iota3A : vector<16xi32>
        %mul3A_229 = arith.constant 16 : i32
        %mul3A_230 = vector.broadcast %mul3A_229 : i32 to vector<16xi32>
        %mul3A_231 = arith.muli %add3A_228, %mul3A_230 : vector<16xi32>
        %add3A_232 = arith.constant 15 : i32
        %add3A_233 = vector.broadcast %add3A_232 : i32 to vector<16xi32>
        %add3A_234 = arith.addi %mul3A_231, %add3A_233 : vector<16xi32>
        %gather3A_235 = tpu.vector_load_idx %arg7[%add3A_234] : memref<4096xi32, #tpu.memory_space<vmem>>[vector<16xi32>], vector<16xi32>,
        %add3A_236 = arith.addi %add3A_224, %gather3A_235 : vector<16xi32>
        %broadcast_in_dim3A_237 = arith.constant true
        %broadcast_in_dim3A_238 = vector.broadcast %broadcast_in_dim3A_237 : i1 to vector<16xi1>
        %masked_cumsum3A = tpu.scan <sum>, %add3A_236 masked %broadcast_in_dim3A_238 : vector<16xi32>, vector<16xi1> -> vector<16xi32>
        %sub3A = arith.subi %masked_cumsum3A, %add3A_236 : vector<16xi32>
        %add3A_239 = vector.broadcast %scan3A_44 : i32 to vector<16xi32>
        %add3A_240 = arith.addi %sub3A, %add3A_239 : vector<16xi32>
        %mul3A_241 = arith.constant 16 : i32
        %mul3A_242 = arith.muli %scan3A_43, %mul3A_241 : i32
        %swap3A = arith.index_cast %mul3A_242 : i32 to index
        %swap3A_243 = tpu.vector_load %arg8[%swap3A] {strides = array<i32>} : memref<256xi32, #tpu.memory_space<vmem>>, vector<16xi32>,
        tpu.vector_store %arg8[%swap3A], %add3A_240 {strides = array<i32>} : memref<256xi32, #tpu.memory_space<vmem>>, vector<16xi32>,
        %reduce_sum3A = arith.constant true
        %reduce_sum3A_244 = vector.broadcast %reduce_sum3A : i1 to vector<16xi1>
        %reduce_sum3A_245 = tpu.scan <sum>, %add3A_236 masked %reduce_sum3A_244 : vector<16xi32>, vector<16xi1> -> vector<16xi32>
        %reduce_sum3A_246 = vector.extract %reduce_sum3A_245[15] : i32 from vector<16xi32>
        %add3A_247 = arith.addi %scan3A_44, %reduce_sum3A_246 : i32
        scf.yield %add3A_247 : i32
      }
      %scan3A_34 = arith.constant 16 : i32
      %scan3A_35 = arith.constant 0 : i32
      %scan3A_36 = arith.constant 0 : i32
      %scan3A_37 = arith.constant 49 : i32
      %scan3A_38 = arith.addi %scan3A_36, %scan3A_37 : i32
      %scan3A_39 = arith.constant 1 : i32
      %scan3A_40 = scf.for %scan3A_43 = %scan3A_36 to %scan3A_38 step %scan3A_39 iter_args(%scan3A_44 = %scan3A_35) -> (i32)  : i32 {
        %scan3A_45 = arith.constant 0 : i32
        %scan3A_46 = arith.constant 0 : i32
        %scan3A_47 = arith.constant 32 : i32
        %scan3A_48 = arith.addi %scan3A_46, %scan3A_47 : i32
        %scan3A_49 = arith.constant 1 : i32
        %scan3A_50 = scf.for %scan3A_55 = %scan3A_46 to %scan3A_48 step %scan3A_49 iter_args(%scan3A_56 = %scan3A_45) -> (i32)  : i32 {
          %mul3A_57 = arith.constant 4 : i32
          %mul3A_58 = arith.muli %scan3A_55, %mul3A_57 : i32
          %add3A_59 = arith.constant 0 : i32
          %add3A_60 = arith.addi %mul3A_58, %add3A_59 : i32
          %mul3A_61 = arith.constant 128 : i32
          %mul3A_62 = arith.muli %scan3A_43, %mul3A_61 : i32
          %add3A_63 = arith.addi %mul3A_62, %add3A_60 : i32
          %mul3A_64 = arith.constant 16 : i32
          %mul3A_65 = arith.muli %add3A_63, %mul3A_64 : i32
          %get3A = arith.index_cast %mul3A_65 : i32 to index
          %get3A_66 = tpu.vector_load %arg4[%get3A] {strides = array<i32>} : memref<100352xi32, #tpu.memory_space<vmem>>, vector<16xi32>,
          %xor3A = arith.constant -1 : i32
          %xor3A_67 = vector.broadcast %xor3A : i32 to vector<16xi32>
          %xor3A_68 = arith.xori %get3A_66, %xor3A_67 : vector<16xi32>
          %shift_right_logical3A = arith.constant 16 : i32
          %shift_right_logical3A_69 = vector.broadcast %shift_right_logical3A : i32 to vector<16xi32>
          %shift_right_logical3A_70 = arith.shrui %xor3A_68, %shift_right_logical3A_69 : vector<16xi32>
          %and3A = arith.constant 255 : i32
          %and3A_71 = vector.broadcast %and3A : i32 to vector<16xi32>
          %and3A_72 = arith.andi %shift_right_logical3A_70, %and3A_71 : vector<16xi32>
          %broadcast_in_dim3A = arith.constant true
          %broadcast_in_dim3A_73 = vector.broadcast %broadcast_in_dim3A : i1 to vector<16xi1>
          %unique3A, %unique3A_74 = tpu.scan_count mask(%broadcast_in_dim3A_73 : vector<16xi1>) value(%and3A_72 : vector<16xi32>) : vector<16xi1>, vector<16xi32>
          %gather3A = tpu.vector_load_idx %arg8[%and3A_72] : memref<256xi32, #tpu.memory_space<vmem>>[vector<16xi32>], vector<16xi32>,
          %add3A_75 = arith.addi %gather3A, %unique3A_74 : vector<16xi32>
          %sub3A = arith.constant 1 : i32
          %sub3A_76 = vector.broadcast %sub3A : i32 to vector<16xi32>
          %sub3A_77 = arith.subi %add3A_75, %sub3A_76 : vector<16xi32>
          %add3A_78 = vector.broadcast %mul3A_13 : i32 to vector<16xi32>
          %add3A_79 = arith.addi %sub3A_77, %add3A_78 : vector<16xi32>
          tpu.vector_store_idx %arg8[%and3A_72], %unique3A_74 masked %unique3A {add = true} : memref<256xi32, #tpu.memory_space<vmem>>[vector<16xi32>], vector<16xi32>, vector<16xi1>
          %mul3A_80 = arith.constant 16 : i32
          %mul3A_81 = arith.muli %add3A_60, %mul3A_80 : i32
          %swap3A = arith.index_cast %mul3A_81 : i32 to index
          %swap3A_82 = tpu.vector_load %arg5[%swap3A] {strides = array<i32>} : memref<2048xi32, #tpu.memory_space<vmem>>, vector<16xi32>,
          tpu.vector_store %arg5[%swap3A], %get3A_66 {strides = array<i32>} : memref<2048xi32, #tpu.memory_space<vmem>>, vector<16xi32>,
          %mul3A_83 = arith.constant 16 : i32
          %mul3A_84 = arith.muli %add3A_60, %mul3A_83 : i32
          %swap3A_85 = arith.index_cast %mul3A_84 : i32 to index
          %swap3A_86 = tpu.vector_load %arg6[%swap3A_85] {strides = array<i32>} : memref<2048xi32, #tpu.memory_space<vmem>>, vector<16xi32>,
          tpu.vector_store %arg6[%swap3A_85], %add3A_79 {strides = array<i32>} : memref<2048xi32, #tpu.memory_space<vmem>>, vector<16xi32>,
          %mul3A_87 = arith.constant 4 : i32
          %mul3A_88 = arith.muli %scan3A_55, %mul3A_87 : i32
          %add3A_89 = arith.constant 1 : i32
          %add3A_90 = arith.addi %mul3A_88, %add3A_89 : i32
          %mul3A_91 = arith.constant 128 : i32
          %mul3A_92 = arith.muli %scan3A_43, %mul3A_91 : i32
          %add3A_93 = arith.addi %mul3A_92, %add3A_90 : i32
          %mul3A_94 = arith.constant 16 : i32
          %mul3A_95 = arith.muli %add3A_93, %mul3A_94 : i32
          %get3A_96 = arith.index_cast %mul3A_95 : i32 to index
          %get3A_97 = tpu.vector_load %arg4[%get3A_96] {strides = array<i32>} : memref<100352xi32, #tpu.memory_space<vmem>>, vector<16xi32>,
          %xor3A_98 = arith.constant -1 : i32
          %xor3A_99 = vector.broadcast %xor3A_98 : i32 to vector<16xi32>
          %xor3A_100 = arith.xori %get3A_97, %xor3A_99 : vector<16xi32>
          %shift_right_logical3A_101 = arith.constant 16 : i32
          %shift_right_logical3A_102 = vector.broadcast %shift_right_logical3A_101 : i32 to vector<16xi32>
          %shift_right_logical3A_103 = arith.shrui %xor3A_100, %shift_right_logical3A_102 : vector<16xi32>
          %and3A_104 = arith.constant 255 : i32
          %and3A_105 = vector.broadcast %and3A_104 : i32 to vector<16xi32>
          %and3A_106 = arith.andi %shift_right_logical3A_103, %and3A_105 : vector<16xi32>
          %broadcast_in_dim3A_107 = arith.constant true
          %broadcast_in_dim3A_108 = vector.broadcast %broadcast_in_dim3A_107 : i1 to vector<16xi1>
          %unique3A_109, %unique3A_110 = tpu.scan_count mask(%broadcast_in_dim3A_108 : vector<16xi1>) value(%and3A_106 : vector<16xi32>) : vector<16xi1>, vector<16xi32>
          %gather3A_111 = tpu.vector_load_idx %arg8[%and3A_106] : memref<256xi32, #tpu.memory_space<vmem>>[vector<16xi32>], vector<16xi32>,
          %add3A_112 = arith.addi %gather3A_111, %unique3A_110 : vector<16xi32>
          %sub3A_113 = arith.constant 1 : i32
          %sub3A_114 = vector.broadcast %sub3A_113 : i32 to vector<16xi32>
          %sub3A_115 = arith.subi %add3A_112, %sub3A_114 : vector<16xi32>
          %add3A_116 = vector.broadcast %mul3A_13 : i32 to vector<16xi32>
          %add3A_117 = arith.addi %sub3A_115, %add3A_116 : vector<16xi32>
          tpu.vector_store_idx %arg8[%and3A_106], %unique3A_110 masked %unique3A_109 {add = true} : memref<256xi32, #tpu.memory_space<vmem>>[vector<16xi32>], vector<16xi32>, vector<16xi1>
          %mul3A_118 = arith.constant 16 : i32
          %mul3A_119 = arith.muli %add3A_90, %mul3A_118 : i32
          %swap3A_120 = arith.index_cast %mul3A_119 : i32 to index
          %swap3A_121 = tpu.vector_load %arg5[%swap3A_120] {strides = array<i32>} : memref<2048xi32, #tpu.memory_space<vmem>>, vector<16xi32>,
          tpu.vector_store %arg5[%swap3A_120], %get3A_97 {strides = array<i32>} : memref<2048xi32, #tpu.memory_space<vmem>>, vector<16xi32>,
          %mul3A_122 = arith.constant 16 : i32
          %mul3A_123 = arith.muli %add3A_90, %mul3A_122 : i32
          %swap3A_124 = arith.index_cast %mul3A_123 : i32 to index
          %swap3A_125 = tpu.vector_load %arg6[%swap3A_124] {strides = array<i32>} : memref<2048xi32, #tpu.memory_space<vmem>>, vector<16xi32>,
          tpu.vector_store %arg6[%swap3A_124], %add3A_117 {strides = array<i32>} : memref<2048xi32, #tpu.memory_space<vmem>>, vector<16xi32>,
          %mul3A_126 = arith.constant 4 : i32
          %mul3A_127 = arith.muli %scan3A_55, %mul3A_126 : i32
          %add3A_128 = arith.constant 2 : i32
          %add3A_129 = arith.addi %mul3A_127, %add3A_128 : i32
          %mul3A_130 = arith.constant 128 : i32
          %mul3A_131 = arith.muli %scan3A_43, %mul3A_130 : i32
          %add3A_132 = arith.addi %mul3A_131, %add3A_129 : i32
          %mul3A_133 = arith.constant 16 : i32
          %mul3A_134 = arith.muli %add3A_132, %mul3A_133 : i32
          %get3A_135 = arith.index_cast %mul3A_134 : i32 to index
          %get3A_136 = tpu.vector_load %arg4[%get3A_135] {strides = array<i32>} : memref<100352xi32, #tpu.memory_space<vmem>>, vector<16xi32>,
          %xor3A_137 = arith.constant -1 : i32
          %xor3A_138 = vector.broadcast %xor3A_137 : i32 to vector<16xi32>
          %xor3A_139 = arith.xori %get3A_136, %xor3A_138 : vector<16xi32>
          %shift_right_logical3A_140 = arith.constant 16 : i32
          %shift_right_logical3A_141 = vector.broadcast %shift_right_logical3A_140 : i32 to vector<16xi32>
          %shift_right_logical3A_142 = arith.shrui %xor3A_139, %shift_right_logical3A_141 : vector<16xi32>
          %and3A_143 = arith.constant 255 : i32
          %and3A_144 = vector.broadcast %and3A_143 : i32 to vector<16xi32>
          %and3A_145 = arith.andi %shift_right_logical3A_142, %and3A_144 : vector<16xi32>
          %broadcast_in_dim3A_146 = arith.constant true
          %broadcast_in_dim3A_147 = vector.broadcast %broadcast_in_dim3A_146 : i1 to vector<16xi1>
          %unique3A_148, %unique3A_149 = tpu.scan_count mask(%broadcast_in_dim3A_147 : vector<16xi1>) value(%and3A_145 : vector<16xi32>) : vector<16xi1>, vector<16xi32>
          %gather3A_150 = tpu.vector_load_idx %arg8[%and3A_145] : memref<256xi32, #tpu.memory_space<vmem>>[vector<16xi32>], vector<16xi32>,
          %add3A_151 = arith.addi %gather3A_150, %unique3A_149 : vector<16xi32>
          %sub3A_152 = arith.constant 1 : i32
          %sub3A_153 = vector.broadcast %sub3A_152 : i32 to vector<16xi32>
          %sub3A_154 = arith.subi %add3A_151, %sub3A_153 : vector<16xi32>
          %add3A_155 = vector.broadcast %mul3A_13 : i32 to vector<16xi32>
          %add3A_156 = arith.addi %sub3A_154, %add3A_155 : vector<16xi32>
          tpu.vector_store_idx %arg8[%and3A_145], %unique3A_149 masked %unique3A_148 {add = true} : memref<256xi32, #tpu.memory_space<vmem>>[vector<16xi32>], vector<16xi32>, vector<16xi1>
          %mul3A_157 = arith.constant 16 : i32
          %mul3A_158 = arith.muli %add3A_129, %mul3A_157 : i32
          %swap3A_159 = arith.index_cast %mul3A_158 : i32 to index
          %swap3A_160 = tpu.vector_load %arg5[%swap3A_159] {strides = array<i32>} : memref<2048xi32, #tpu.memory_space<vmem>>, vector<16xi32>,
          tpu.vector_store %arg5[%swap3A_159], %get3A_136 {strides = array<i32>} : memref<2048xi32, #tpu.memory_space<vmem>>, vector<16xi32>,
          %mul3A_161 = arith.constant 16 : i32
          %mul3A_162 = arith.muli %add3A_129, %mul3A_161 : i32
          %swap3A_163 = arith.index_cast %mul3A_162 : i32 to index
          %swap3A_164 = tpu.vector_load %arg6[%swap3A_163] {strides = array<i32>} : memref<2048xi32, #tpu.memory_space<vmem>>, vector<16xi32>,
          tpu.vector_store %arg6[%swap3A_163], %add3A_156 {strides = array<i32>} : memref<2048xi32, #tpu.memory_space<vmem>>, vector<16xi32>,
          %mul3A_165 = arith.constant 4 : i32
          %mul3A_166 = arith.muli %scan3A_55, %mul3A_165 : i32
          %add3A_167 = arith.constant 3 : i32
          %add3A_168 = arith.addi %mul3A_166, %add3A_167 : i32
          %mul3A_169 = arith.constant 128 : i32
          %mul3A_170 = arith.muli %scan3A_43, %mul3A_169 : i32
          %add3A_171 = arith.addi %mul3A_170, %add3A_168 : i32
          %mul3A_172 = arith.constant 16 : i32
          %mul3A_173 = arith.muli %add3A_171, %mul3A_172 : i32
          %get3A_174 = arith.index_cast %mul3A_173 : i32 to index
          %get3A_175 = tpu.vector_load %arg4[%get3A_174] {strides = array<i32>} : memref<100352xi32, #tpu.memory_space<vmem>>, vector<16xi32>,
          %xor3A_176 = arith.constant -1 : i32
          %xor3A_177 = vector.broadcast %xor3A_176 : i32 to vector<16xi32>
          %xor3A_178 = arith.xori %get3A_175, %xor3A_177 : vector<16xi32>
          %shift_right_logical3A_179 = arith.constant 16 : i32
          %shift_right_logical3A_180 = vector.broadcast %shift_right_logical3A_179 : i32 to vector<16xi32>
          %shift_right_logical3A_181 = arith.shrui %xor3A_178, %shift_right_logical3A_180 : vector<16xi32>
          %and3A_182 = arith.constant 255 : i32
          %and3A_183 = vector.broadcast %and3A_182 : i32 to vector<16xi32>
          %and3A_184 = arith.andi %shift_right_logical3A_181, %and3A_183 : vector<16xi32>
          %broadcast_in_dim3A_185 = arith.constant true
          %broadcast_in_dim3A_186 = vector.broadcast %broadcast_in_dim3A_185 : i1 to vector<16xi1>
          %unique3A_187, %unique3A_188 = tpu.scan_count mask(%broadcast_in_dim3A_186 : vector<16xi1>) value(%and3A_184 : vector<16xi32>) : vector<16xi1>, vector<16xi32>
          %gather3A_189 = tpu.vector_load_idx %arg8[%and3A_184] : memref<256xi32, #tpu.memory_space<vmem>>[vector<16xi32>], vector<16xi32>,
          %add3A_190 = arith.addi %gather3A_189, %unique3A_188 : vector<16xi32>
          %sub3A_191 = arith.constant 1 : i32
          %sub3A_192 = vector.broadcast %sub3A_191 : i32 to vector<16xi32>
          %sub3A_193 = arith.subi %add3A_190, %sub3A_192 : vector<16xi32>
          %add3A_194 = vector.broadcast %mul3A_13 : i32 to vector<16xi32>
          %add3A_195 = arith.addi %sub3A_193, %add3A_194 : vector<16xi32>
          tpu.vector_store_idx %arg8[%and3A_184], %unique3A_188 masked %unique3A_187 {add = true} : memref<256xi32, #tpu.memory_space<vmem>>[vector<16xi32>], vector<16xi32>, vector<16xi1>
          %mul3A_196 = arith.constant 16 : i32
          %mul3A_197 = arith.muli %add3A_168, %mul3A_196 : i32
          %swap3A_198 = arith.index_cast %mul3A_197 : i32 to index
          %swap3A_199 = tpu.vector_load %arg5[%swap3A_198] {strides = array<i32>} : memref<2048xi32, #tpu.memory_space<vmem>>, vector<16xi32>,
          tpu.vector_store %arg5[%swap3A_198], %get3A_175 {strides = array<i32>} : memref<2048xi32, #tpu.memory_space<vmem>>, vector<16xi32>,
          %mul3A_200 = arith.constant 16 : i32
          %mul3A_201 = arith.muli %add3A_168, %mul3A_200 : i32
          %swap3A_202 = arith.index_cast %mul3A_201 : i32 to index
          %swap3A_203 = tpu.vector_load %arg6[%swap3A_202] {strides = array<i32>} : memref<2048xi32, #tpu.memory_space<vmem>>, vector<16xi32>,
          tpu.vector_store %arg6[%swap3A_202], %add3A_195 {strides = array<i32>} : memref<2048xi32, #tpu.memory_space<vmem>>, vector<16xi32>,
          %scan3A_204 = arith.constant 0 : i32
          scf.yield %scan3A_204 : i32
        }
        %scan3A_51 = arith.constant 32 : i32
        %dma_start3A = arith.constant 0 : i32
        %dma_start3A_52 = tpu.memref_slice %arg3[%dma_start3A] : memref<12845056xi32, #tpu.memory_space<hbm>> -> memref<12845056xi32, #tpu.memory_space<hbm>>
        tpu.enqueue_indirect_dma source(%arg5 : memref<2048xi32, #tpu.memory_space<vmem>>) target(%dma_start3A_52 : memref<12845056xi32, #tpu.memory_space<hbm>>) offsets(%arg6 : memref<2048xi32, #tpu.memory_space<vmem>>) semaphore(%arg9 : memref<!tpu.dma_semaphore, #tpu.memory_space<semaphore_mem>>)
        %dma_wait3A = arith.constant 0 : i32
        %dma_wait3A_53 = tpu.memref_slice %arg3[%dma_wait3A] : memref<12845056xi32, #tpu.memory_space<hbm>> -> memref<12845056xi32, #tpu.memory_space<hbm>>
        tpu.wait_indirect_dma semaphore(%arg9 : memref<!tpu.dma_semaphore, #tpu.memory_space<semaphore_mem>>) src(%arg5 : memref<2048xi32, #tpu.memory_space<vmem>>) dst(%dma_wait3A_53 : memref<12845056xi32, #tpu.memory_space<hbm>>)
        %scan3A_54 = arith.constant 0 : i32
        scf.yield %scan3A_54 : i32
      }
      %scan3A_41 = arith.constant 49 : i32
      %scan3A_42 = arith.constant 0 : i32
      scf.yield %scan3A_42 : i32
    }
    %scan3A_6 = arith.constant 4 : i32
    return
  }
}

#map = affine_map<(d0, d1) -> (0)>
module attributes {stable_mosaic.version = 14 : i64} {
  func.func @_radix_pass_kernel(%arg0: i32, %arg1: i32, %arg2: memref<12845056xi32, #tpu.memory_space<hbm>>, %arg3: memref<12845056xi32, #tpu.memory_space<hbm>>, %arg4: memref<100352xi32, #tpu.memory_space<vmem>>, %arg5: memref<2048xi32, #tpu.memory_space<vmem>>, %arg6: memref<2048xi32, #tpu.memory_space<vmem>>, %arg7: memref<4096xi32, #tpu.memory_space<vmem>>, %arg8: memref<256xi32, #tpu.memory_space<vmem>>, %arg9: memref<!tpu.dma_semaphore, #tpu.memory_space<semaphore_mem>>) attributes {dimension_semantics = [#tpu.dimension_semantics<core_parallel>, #tpu.dimension_semantics<subcore_parallel>], iteration_bounds = array<i64: 2, 16>, scalar_prefetch = 0 : i64, scratch_operands = 6 : i64, tpu.core_type = #tpu.core_type<sc_vector_subcore>, window_params = [{transform_indices = #map}, {transform_indices = #map}]} {
    %mul3A = arith.constant 2 : i32
    %mul3A_0 = arith.muli %arg1, %mul3A : i32
    %add3A = arith.addi %mul3A_0, %arg0 : i32
    %iota3A = tpu.iota {dimensions = array<i32: 0>} : vector<16xi32>
    %scan3A = arith.constant 0 : i32
    %scan3A_1 = arith.constant 0 : i32
    %scan3A_2 = arith.constant 4 : i32
    %scan3A_3 = arith.addi %scan3A_1, %scan3A_2 : i32
    %scan3A_4 = arith.constant 1 : i32
    %scan3A_5 = scf.for %scan3A_7 = %scan3A_1 to %scan3A_3 step %scan3A_4 iter_args(%scan3A_8 = %scan3A) -> (i32)  : i32 {
      %mul3A_9 = arith.constant 4 : i32
      %mul3A_10 = arith.muli %add3A, %mul3A_9 : i32
      %add3A_11 = arith.addi %mul3A_10, %scan3A_7 : i32
      %mul3A_12 = arith.constant 100352 : i32
      %mul3A_13 = arith.muli %add3A_11, %mul3A_12 : i32
      "tpu.region"() ({
        %run_scoped3A = tpu.sem_alloc : memref<!tpu.dma_semaphore, #tpu.memory_space<semaphore_mem>>
        %dma_start3A = tpu.memref_slice %arg2[%mul3A_13] : memref<12845056xi32, #tpu.memory_space<hbm>> -> memref<100352xi32, #tpu.memory_space<hbm>>
        %dma_start3A_43 = tpu.memref_slice %arg2[%mul3A_13] : memref<12845056xi32, #tpu.memory_space<hbm>> -> memref<100352xi32, #tpu.memory_space<hbm>>
        tpu.enqueue_dma source(%dma_start3A_43 : memref<100352xi32, #tpu.memory_space<hbm>>) target(%arg4 : memref<100352xi32, #tpu.memory_space<vmem>>) target_semaphore(%run_scoped3A : memref<!tpu.dma_semaphore, #tpu.memory_space<semaphore_mem>>)
        %dma_wait3A = tpu.memref_slice %arg2[%mul3A_13] : memref<12845056xi32, #tpu.memory_space<hbm>> -> memref<100352xi32, #tpu.memory_space<hbm>>
        %dma_wait3A_44 = tpu.memref_slice %arg2[%mul3A_13] : memref<12845056xi32, #tpu.memory_space<hbm>> -> memref<100352xi32, #tpu.memory_space<hbm>>
        tpu.wait_dma2 semaphore(%run_scoped3A : memref<!tpu.dma_semaphore, #tpu.memory_space<semaphore_mem>>) src(%dma_wait3A_44 : memref<100352xi32, #tpu.memory_space<hbm>>) dst(%arg4 : memref<100352xi32, #tpu.memory_space<vmem>>)
        tpu.yield
      }) : () -> ()
      %scan3A_14 = arith.constant 0 : i32
      %scan3A_15 = arith.constant 0 : i32
      %scan3A_16 = arith.constant 256 : i32
      %scan3A_17 = arith.addi %scan3A_15, %scan3A_16 : i32
      %scan3A_18 = arith.constant 1 : i32
      %scan3A_19 = scf.for %scan3A_43 = %scan3A_15 to %scan3A_17 step %scan3A_18 iter_args(%scan3A_44 = %scan3A_14) -> (i32)  : i32 {
        %broadcast_in_dim3A = arith.constant 0 : i32
        %broadcast_in_dim3A_45 = vector.broadcast %broadcast_in_dim3A : i32 to vector<16xi32>
        %mul3A_46 = arith.constant 16 : i32
        %mul3A_47 = arith.muli %scan3A_43, %mul3A_46 : i32
        %swap3A = arith.index_cast %mul3A_47 : i32 to index
        %swap3A_48 = tpu.vector_load %arg7[%swap3A] {strides = array<i32>} : memref<4096xi32, #tpu.memory_space<vmem>>, vector<16xi32>,
        tpu.vector_store %arg7[%swap3A], %broadcast_in_dim3A_45 {strides = array<i32>} : memref<4096xi32, #tpu.memory_space<vmem>>, vector<16xi32>,
        %scan3A_49 = arith.constant 0 : i32
        scf.yield %scan3A_49 : i32
      }
      %scan3A_20 = arith.constant 256 : i32
      %scan3A_21 = arith.constant 0 : i32
      %scan3A_22 = arith.constant 0 : i32
      %scan3A_23 = arith.constant 6272 : i32
      %scan3A_24 = arith.addi %scan3A_22, %scan3A_23 : i32
      %scan3A_25 = arith.constant 1 : i32
      %scan3A_26 = scf.for %scan3A_43 = %scan3A_22 to %scan3A_24 step %scan3A_25 iter_args(%scan3A_44 = %scan3A_21) -> (i32)  : i32 {
        %mul3A_45 = arith.constant 16 : i32
        %mul3A_46 = arith.muli %scan3A_43, %mul3A_45 : i32
        %get3A = arith.index_cast %mul3A_46 : i32 to index
        %get3A_47 = tpu.vector_load %arg4[%get3A] {strides = array<i32>} : memref<100352xi32, #tpu.memory_space<vmem>>, vector<16xi32>,
        %xor3A = arith.constant -1 : i32
        %xor3A_48 = vector.broadcast %xor3A : i32 to vector<16xi32>
        %xor3A_49 = arith.xori %get3A_47, %xor3A_48 : vector<16xi32>
        %shift_right_logical3A = arith.constant 8 : i32
        %shift_right_logical3A_50 = vector.broadcast %shift_right_logical3A : i32 to vector<16xi32>
        %shift_right_logical3A_51 = arith.shrui %xor3A_49, %shift_right_logical3A_50 : vector<16xi32>
        %and3A = arith.constant 255 : i32
        %and3A_52 = vector.broadcast %and3A : i32 to vector<16xi32>
        %and3A_53 = arith.andi %shift_right_logical3A_51, %and3A_52 : vector<16xi32>
        %mul3A_54 = arith.constant 16 : i32
        %mul3A_55 = vector.broadcast %mul3A_54 : i32 to vector<16xi32>
        %mul3A_56 = arith.muli %and3A_53, %mul3A_55 : vector<16xi32>
        %add3A_57 = arith.addi %mul3A_56, %iota3A : vector<16xi32>
        %broadcast_in_dim3A = arith.constant 1 : i32
        %broadcast_in_dim3A_58 = vector.broadcast %broadcast_in_dim3A : i32 to vector<16xi32>
        tpu.vector_store_idx %arg7[%add3A_57], %broadcast_in_dim3A_58 {add = true} : memref<4096xi32, #tpu.memory_space<vmem>>[vector<16xi32>], vector<16xi32>,
        %scan3A_59 = arith.constant 0 : i32
        scf.yield %scan3A_59 : i32
      }
      %scan3A_27 = arith.constant 6272 : i32
      %scan3A_28 = arith.constant 0 : i32
      %scan3A_29 = arith.constant 0 : i32
      %scan3A_30 = arith.constant 16 : i32
      %scan3A_31 = arith.addi %scan3A_29, %scan3A_30 : i32
      %scan3A_32 = arith.constant 1 : i32
      %scan3A_33 = scf.for %scan3A_43 = %scan3A_29 to %scan3A_31 step %scan3A_32 iter_args(%scan3A_44 = %scan3A_28) -> (i32)  : i32 {
        %broadcast_in_dim3A = arith.constant 0 : i32
        %broadcast_in_dim3A_45 = vector.broadcast %broadcast_in_dim3A : i32 to vector<16xi32>
        %mul3A_46 = arith.constant 16 : i32
        %mul3A_47 = arith.muli %scan3A_43, %mul3A_46 : i32
        %add3A_48 = vector.broadcast %mul3A_47 : i32 to vector<16xi32>
        %add3A_49 = arith.addi %add3A_48, %iota3A : vector<16xi32>
        %mul3A_50 = arith.constant 16 : i32
        %mul3A_51 = vector.broadcast %mul3A_50 : i32 to vector<16xi32>
        %mul3A_52 = arith.muli %add3A_49, %mul3A_51 : vector<16xi32>
        %add3A_53 = arith.constant 0 : i32
        %add3A_54 = vector.broadcast %add3A_53 : i32 to vector<16xi32>
        %add3A_55 = arith.addi %mul3A_52, %add3A_54 : vector<16xi32>
        %gather3A = tpu.vector_load_idx %arg7[%add3A_55] : memref<4096xi32, #tpu.memory_space<vmem>>[vector<16xi32>], vector<16xi32>,
        %add3A_56 = arith.addi %broadcast_in_dim3A_45, %gather3A : vector<16xi32>
        %mul3A_57 = arith.constant 16 : i32
        %mul3A_58 = arith.muli %scan3A_43, %mul3A_57 : i32
        %add3A_59 = vector.broadcast %mul3A_58 : i32 to vector<16xi32>
        %add3A_60 = arith.addi %add3A_59, %iota3A : vector<16xi32>
        %mul3A_61 = arith.constant 16 : i32
        %mul3A_62 = vector.broadcast %mul3A_61 : i32 to vector<16xi32>
        %mul3A_63 = arith.muli %add3A_60, %mul3A_62 : vector<16xi32>
        %add3A_64 = arith.constant 1 : i32
        %add3A_65 = vector.broadcast %add3A_64 : i32 to vector<16xi32>
        %add3A_66 = arith.addi %mul3A_63, %add3A_65 : vector<16xi32>
        %gather3A_67 = tpu.vector_load_idx %arg7[%add3A_66] : memref<4096xi32, #tpu.memory_space<vmem>>[vector<16xi32>], vector<16xi32>,
        %add3A_68 = arith.addi %add3A_56, %gather3A_67 : vector<16xi32>
        %mul3A_69 = arith.constant 16 : i32
        %mul3A_70 = arith.muli %scan3A_43, %mul3A_69 : i32
        %add3A_71 = vector.broadcast %mul3A_70 : i32 to vector<16xi32>
        %add3A_72 = arith.addi %add3A_71, %iota3A : vector<16xi32>
        %mul3A_73 = arith.constant 16 : i32
        %mul3A_74 = vector.broadcast %mul3A_73 : i32 to vector<16xi32>
        %mul3A_75 = arith.muli %add3A_72, %mul3A_74 : vector<16xi32>
        %add3A_76 = arith.constant 2 : i32
        %add3A_77 = vector.broadcast %add3A_76 : i32 to vector<16xi32>
        %add3A_78 = arith.addi %mul3A_75, %add3A_77 : vector<16xi32>
        %gather3A_79 = tpu.vector_load_idx %arg7[%add3A_78] : memref<4096xi32, #tpu.memory_space<vmem>>[vector<16xi32>], vector<16xi32>,
        %add3A_80 = arith.addi %add3A_68, %gather3A_79 : vector<16xi32>
        %mul3A_81 = arith.constant 16 : i32
        %mul3A_82 = arith.muli %scan3A_43, %mul3A_81 : i32
        %add3A_83 = vector.broadcast %mul3A_82 : i32 to vector<16xi32>
        %add3A_84 = arith.addi %add3A_83, %iota3A : vector<16xi32>
        %mul3A_85 = arith.constant 16 : i32
        %mul3A_86 = vector.broadcast %mul3A_85 : i32 to vector<16xi32>
        %mul3A_87 = arith.muli %add3A_84, %mul3A_86 : vector<16xi32>
        %add3A_88 = arith.constant 3 : i32
        %add3A_89 = vector.broadcast %add3A_88 : i32 to vector<16xi32>
        %add3A_90 = arith.addi %mul3A_87, %add3A_89 : vector<16xi32>
        %gather3A_91 = tpu.vector_load_idx %arg7[%add3A_90] : memref<4096xi32, #tpu.memory_space<vmem>>[vector<16xi32>], vector<16xi32>,
        %add3A_92 = arith.addi %add3A_80, %gather3A_91 : vector<16xi32>
        %mul3A_93 = arith.constant 16 : i32
        %mul3A_94 = arith.muli %scan3A_43, %mul3A_93 : i32
        %add3A_95 = vector.broadcast %mul3A_94 : i32 to vector<16xi32>
        %add3A_96 = arith.addi %add3A_95, %iota3A : vector<16xi32>
        %mul3A_97 = arith.constant 16 : i32
        %mul3A_98 = vector.broadcast %mul3A_97 : i32 to vector<16xi32>
        %mul3A_99 = arith.muli %add3A_96, %mul3A_98 : vector<16xi32>
        %add3A_100 = arith.constant 4 : i32
        %add3A_101 = vector.broadcast %add3A_100 : i32 to vector<16xi32>
        %add3A_102 = arith.addi %mul3A_99, %add3A_101 : vector<16xi32>
        %gather3A_103 = tpu.vector_load_idx %arg7[%add3A_102] : memref<4096xi32, #tpu.memory_space<vmem>>[vector<16xi32>], vector<16xi32>,
        %add3A_104 = arith.addi %add3A_92, %gather3A_103 : vector<16xi32>
        %mul3A_105 = arith.constant 16 : i32
        %mul3A_106 = arith.muli %scan3A_43, %mul3A_105 : i32
        %add3A_107 = vector.broadcast %mul3A_106 : i32 to vector<16xi32>
        %add3A_108 = arith.addi %add3A_107, %iota3A : vector<16xi32>
        %mul3A_109 = arith.constant 16 : i32
        %mul3A_110 = vector.broadcast %mul3A_109 : i32 to vector<16xi32>
        %mul3A_111 = arith.muli %add3A_108, %mul3A_110 : vector<16xi32>
        %add3A_112 = arith.constant 5 : i32
        %add3A_113 = vector.broadcast %add3A_112 : i32 to vector<16xi32>
        %add3A_114 = arith.addi %mul3A_111, %add3A_113 : vector<16xi32>
        %gather3A_115 = tpu.vector_load_idx %arg7[%add3A_114] : memref<4096xi32, #tpu.memory_space<vmem>>[vector<16xi32>], vector<16xi32>,
        %add3A_116 = arith.addi %add3A_104, %gather3A_115 : vector<16xi32>
        %mul3A_117 = arith.constant 16 : i32
        %mul3A_118 = arith.muli %scan3A_43, %mul3A_117 : i32
        %add3A_119 = vector.broadcast %mul3A_118 : i32 to vector<16xi32>
        %add3A_120 = arith.addi %add3A_119, %iota3A : vector<16xi32>
        %mul3A_121 = arith.constant 16 : i32
        %mul3A_122 = vector.broadcast %mul3A_121 : i32 to vector<16xi32>
        %mul3A_123 = arith.muli %add3A_120, %mul3A_122 : vector<16xi32>
        %add3A_124 = arith.constant 6 : i32
        %add3A_125 = vector.broadcast %add3A_124 : i32 to vector<16xi32>
        %add3A_126 = arith.addi %mul3A_123, %add3A_125 : vector<16xi32>
        %gather3A_127 = tpu.vector_load_idx %arg7[%add3A_126] : memref<4096xi32, #tpu.memory_space<vmem>>[vector<16xi32>], vector<16xi32>,
        %add3A_128 = arith.addi %add3A_116, %gather3A_127 : vector<16xi32>
        %mul3A_129 = arith.constant 16 : i32
        %mul3A_130 = arith.muli %scan3A_43, %mul3A_129 : i32
        %add3A_131 = vector.broadcast %mul3A_130 : i32 to vector<16xi32>
        %add3A_132 = arith.addi %add3A_131, %iota3A : vector<16xi32>
        %mul3A_133 = arith.constant 16 : i32
        %mul3A_134 = vector.broadcast %mul3A_133 : i32 to vector<16xi32>
        %mul3A_135 = arith.muli %add3A_132, %mul3A_134 : vector<16xi32>
        %add3A_136 = arith.constant 7 : i32
        %add3A_137 = vector.broadcast %add3A_136 : i32 to vector<16xi32>
        %add3A_138 = arith.addi %mul3A_135, %add3A_137 : vector<16xi32>
        %gather3A_139 = tpu.vector_load_idx %arg7[%add3A_138] : memref<4096xi32, #tpu.memory_space<vmem>>[vector<16xi32>], vector<16xi32>,
        %add3A_140 = arith.addi %add3A_128, %gather3A_139 : vector<16xi32>
        %mul3A_141 = arith.constant 16 : i32
        %mul3A_142 = arith.muli %scan3A_43, %mul3A_141 : i32
        %add3A_143 = vector.broadcast %mul3A_142 : i32 to vector<16xi32>
        %add3A_144 = arith.addi %add3A_143, %iota3A : vector<16xi32>
        %mul3A_145 = arith.constant 16 : i32
        %mul3A_146 = vector.broadcast %mul3A_145 : i32 to vector<16xi32>
        %mul3A_147 = arith.muli %add3A_144, %mul3A_146 : vector<16xi32>
        %add3A_148 = arith.constant 8 : i32
        %add3A_149 = vector.broadcast %add3A_148 : i32 to vector<16xi32>
        %add3A_150 = arith.addi %mul3A_147, %add3A_149 : vector<16xi32>
        %gather3A_151 = tpu.vector_load_idx %arg7[%add3A_150] : memref<4096xi32, #tpu.memory_space<vmem>>[vector<16xi32>], vector<16xi32>,
        %add3A_152 = arith.addi %add3A_140, %gather3A_151 : vector<16xi32>
        %mul3A_153 = arith.constant 16 : i32
        %mul3A_154 = arith.muli %scan3A_43, %mul3A_153 : i32
        %add3A_155 = vector.broadcast %mul3A_154 : i32 to vector<16xi32>
        %add3A_156 = arith.addi %add3A_155, %iota3A : vector<16xi32>
        %mul3A_157 = arith.constant 16 : i32
        %mul3A_158 = vector.broadcast %mul3A_157 : i32 to vector<16xi32>
        %mul3A_159 = arith.muli %add3A_156, %mul3A_158 : vector<16xi32>
        %add3A_160 = arith.constant 9 : i32
        %add3A_161 = vector.broadcast %add3A_160 : i32 to vector<16xi32>
        %add3A_162 = arith.addi %mul3A_159, %add3A_161 : vector<16xi32>
        %gather3A_163 = tpu.vector_load_idx %arg7[%add3A_162] : memref<4096xi32, #tpu.memory_space<vmem>>[vector<16xi32>], vector<16xi32>,
        %add3A_164 = arith.addi %add3A_152, %gather3A_163 : vector<16xi32>
        %mul3A_165 = arith.constant 16 : i32
        %mul3A_166 = arith.muli %scan3A_43, %mul3A_165 : i32
        %add3A_167 = vector.broadcast %mul3A_166 : i32 to vector<16xi32>
        %add3A_168 = arith.addi %add3A_167, %iota3A : vector<16xi32>
        %mul3A_169 = arith.constant 16 : i32
        %mul3A_170 = vector.broadcast %mul3A_169 : i32 to vector<16xi32>
        %mul3A_171 = arith.muli %add3A_168, %mul3A_170 : vector<16xi32>
        %add3A_172 = arith.constant 10 : i32
        %add3A_173 = vector.broadcast %add3A_172 : i32 to vector<16xi32>
        %add3A_174 = arith.addi %mul3A_171, %add3A_173 : vector<16xi32>
        %gather3A_175 = tpu.vector_load_idx %arg7[%add3A_174] : memref<4096xi32, #tpu.memory_space<vmem>>[vector<16xi32>], vector<16xi32>,
        %add3A_176 = arith.addi %add3A_164, %gather3A_175 : vector<16xi32>
        %mul3A_177 = arith.constant 16 : i32
        %mul3A_178 = arith.muli %scan3A_43, %mul3A_177 : i32
        %add3A_179 = vector.broadcast %mul3A_178 : i32 to vector<16xi32>
        %add3A_180 = arith.addi %add3A_179, %iota3A : vector<16xi32>
        %mul3A_181 = arith.constant 16 : i32
        %mul3A_182 = vector.broadcast %mul3A_181 : i32 to vector<16xi32>
        %mul3A_183 = arith.muli %add3A_180, %mul3A_182 : vector<16xi32>
        %add3A_184 = arith.constant 11 : i32
        %add3A_185 = vector.broadcast %add3A_184 : i32 to vector<16xi32>
        %add3A_186 = arith.addi %mul3A_183, %add3A_185 : vector<16xi32>
        %gather3A_187 = tpu.vector_load_idx %arg7[%add3A_186] : memref<4096xi32, #tpu.memory_space<vmem>>[vector<16xi32>], vector<16xi32>,
        %add3A_188 = arith.addi %add3A_176, %gather3A_187 : vector<16xi32>
        %mul3A_189 = arith.constant 16 : i32
        %mul3A_190 = arith.muli %scan3A_43, %mul3A_189 : i32
        %add3A_191 = vector.broadcast %mul3A_190 : i32 to vector<16xi32>
        %add3A_192 = arith.addi %add3A_191, %iota3A : vector<16xi32>
        %mul3A_193 = arith.constant 16 : i32
        %mul3A_194 = vector.broadcast %mul3A_193 : i32 to vector<16xi32>
        %mul3A_195 = arith.muli %add3A_192, %mul3A_194 : vector<16xi32>
        %add3A_196 = arith.constant 12 : i32
        %add3A_197 = vector.broadcast %add3A_196 : i32 to vector<16xi32>
        %add3A_198 = arith.addi %mul3A_195, %add3A_197 : vector<16xi32>
        %gather3A_199 = tpu.vector_load_idx %arg7[%add3A_198] : memref<4096xi32, #tpu.memory_space<vmem>>[vector<16xi32>], vector<16xi32>,
        %add3A_200 = arith.addi %add3A_188, %gather3A_199 : vector<16xi32>
        %mul3A_201 = arith.constant 16 : i32
        %mul3A_202 = arith.muli %scan3A_43, %mul3A_201 : i32
        %add3A_203 = vector.broadcast %mul3A_202 : i32 to vector<16xi32>
        %add3A_204 = arith.addi %add3A_203, %iota3A : vector<16xi32>
        %mul3A_205 = arith.constant 16 : i32
        %mul3A_206 = vector.broadcast %mul3A_205 : i32 to vector<16xi32>
        %mul3A_207 = arith.muli %add3A_204, %mul3A_206 : vector<16xi32>
        %add3A_208 = arith.constant 13 : i32
        %add3A_209 = vector.broadcast %add3A_208 : i32 to vector<16xi32>
        %add3A_210 = arith.addi %mul3A_207, %add3A_209 : vector<16xi32>
        %gather3A_211 = tpu.vector_load_idx %arg7[%add3A_210] : memref<4096xi32, #tpu.memory_space<vmem>>[vector<16xi32>], vector<16xi32>,
        %add3A_212 = arith.addi %add3A_200, %gather3A_211 : vector<16xi32>
        %mul3A_213 = arith.constant 16 : i32
        %mul3A_214 = arith.muli %scan3A_43, %mul3A_213 : i32
        %add3A_215 = vector.broadcast %mul3A_214 : i32 to vector<16xi32>
        %add3A_216 = arith.addi %add3A_215, %iota3A : vector<16xi32>
        %mul3A_217 = arith.constant 16 : i32
        %mul3A_218 = vector.broadcast %mul3A_217 : i32 to vector<16xi32>
        %mul3A_219 = arith.muli %add3A_216, %mul3A_218 : vector<16xi32>
        %add3A_220 = arith.constant 14 : i32
        %add3A_221 = vector.broadcast %add3A_220 : i32 to vector<16xi32>
        %add3A_222 = arith.addi %mul3A_219, %add3A_221 : vector<16xi32>
        %gather3A_223 = tpu.vector_load_idx %arg7[%add3A_222] : memref<4096xi32, #tpu.memory_space<vmem>>[vector<16xi32>], vector<16xi32>,
        %add3A_224 = arith.addi %add3A_212, %gather3A_223 : vector<16xi32>
        %mul3A_225 = arith.constant 16 : i32
        %mul3A_226 = arith.muli %scan3A_43, %mul3A_225 : i32
        %add3A_227 = vector.broadcast %mul3A_226 : i32 to vector<16xi32>
        %add3A_228 = arith.addi %add3A_227, %iota3A : vector<16xi32>
        %mul3A_229 = arith.constant 16 : i32
        %mul3A_230 = vector.broadcast %mul3A_229 : i32 to vector<16xi32>
        %mul3A_231 = arith.muli %add3A_228, %mul3A_230 : vector<16xi32>
        %add3A_232 = arith.constant 15 : i32
        %add3A_233 = vector.broadcast %add3A_232 : i32 to vector<16xi32>
        %add3A_234 = arith.addi %mul3A_231, %add3A_233 : vector<16xi32>
        %gather3A_235 = tpu.vector_load_idx %arg7[%add3A_234] : memref<4096xi32, #tpu.memory_space<vmem>>[vector<16xi32>], vector<16xi32>,
        %add3A_236 = arith.addi %add3A_224, %gather3A_235 : vector<16xi32>
        %broadcast_in_dim3A_237 = arith.constant true
        %broadcast_in_dim3A_238 = vector.broadcast %broadcast_in_dim3A_237 : i1 to vector<16xi1>
        %masked_cumsum3A = tpu.scan <sum>, %add3A_236 masked %broadcast_in_dim3A_238 : vector<16xi32>, vector<16xi1> -> vector<16xi32>
        %sub3A = arith.subi %masked_cumsum3A, %add3A_236 : vector<16xi32>
        %add3A_239 = vector.broadcast %scan3A_44 : i32 to vector<16xi32>
        %add3A_240 = arith.addi %sub3A, %add3A_239 : vector<16xi32>
        %mul3A_241 = arith.constant 16 : i32
        %mul3A_242 = arith.muli %scan3A_43, %mul3A_241 : i32
        %swap3A = arith.index_cast %mul3A_242 : i32 to index
        %swap3A_243 = tpu.vector_load %arg8[%swap3A] {strides = array<i32>} : memref<256xi32, #tpu.memory_space<vmem>>, vector<16xi32>,
        tpu.vector_store %arg8[%swap3A], %add3A_240 {strides = array<i32>} : memref<256xi32, #tpu.memory_space<vmem>>, vector<16xi32>,
        %reduce_sum3A = arith.constant true
        %reduce_sum3A_244 = vector.broadcast %reduce_sum3A : i1 to vector<16xi1>
        %reduce_sum3A_245 = tpu.scan <sum>, %add3A_236 masked %reduce_sum3A_244 : vector<16xi32>, vector<16xi1> -> vector<16xi32>
        %reduce_sum3A_246 = vector.extract %reduce_sum3A_245[15] : i32 from vector<16xi32>
        %add3A_247 = arith.addi %scan3A_44, %reduce_sum3A_246 : i32
        scf.yield %add3A_247 : i32
      }
      %scan3A_34 = arith.constant 16 : i32
      %scan3A_35 = arith.constant 0 : i32
      %scan3A_36 = arith.constant 0 : i32
      %scan3A_37 = arith.constant 49 : i32
      %scan3A_38 = arith.addi %scan3A_36, %scan3A_37 : i32
      %scan3A_39 = arith.constant 1 : i32
      %scan3A_40 = scf.for %scan3A_43 = %scan3A_36 to %scan3A_38 step %scan3A_39 iter_args(%scan3A_44 = %scan3A_35) -> (i32)  : i32 {
        %scan3A_45 = arith.constant 0 : i32
        %scan3A_46 = arith.constant 0 : i32
        %scan3A_47 = arith.constant 32 : i32
        %scan3A_48 = arith.addi %scan3A_46, %scan3A_47 : i32
        %scan3A_49 = arith.constant 1 : i32
        %scan3A_50 = scf.for %scan3A_55 = %scan3A_46 to %scan3A_48 step %scan3A_49 iter_args(%scan3A_56 = %scan3A_45) -> (i32)  : i32 {
          %mul3A_57 = arith.constant 4 : i32
          %mul3A_58 = arith.muli %scan3A_55, %mul3A_57 : i32
          %add3A_59 = arith.constant 0 : i32
          %add3A_60 = arith.addi %mul3A_58, %add3A_59 : i32
          %mul3A_61 = arith.constant 128 : i32
          %mul3A_62 = arith.muli %scan3A_43, %mul3A_61 : i32
          %add3A_63 = arith.addi %mul3A_62, %add3A_60 : i32
          %mul3A_64 = arith.constant 16 : i32
          %mul3A_65 = arith.muli %add3A_63, %mul3A_64 : i32
          %get3A = arith.index_cast %mul3A_65 : i32 to index
          %get3A_66 = tpu.vector_load %arg4[%get3A] {strides = array<i32>} : memref<100352xi32, #tpu.memory_space<vmem>>, vector<16xi32>,
          %xor3A = arith.constant -1 : i32
          %xor3A_67 = vector.broadcast %xor3A : i32 to vector<16xi32>
          %xor3A_68 = arith.xori %get3A_66, %xor3A_67 : vector<16xi32>
          %shift_right_logical3A = arith.constant 8 : i32
          %shift_right_logical3A_69 = vector.broadcast %shift_right_logical3A : i32 to vector<16xi32>
          %shift_right_logical3A_70 = arith.shrui %xor3A_68, %shift_right_logical3A_69 : vector<16xi32>
          %and3A = arith.constant 255 : i32
          %and3A_71 = vector.broadcast %and3A : i32 to vector<16xi32>
          %and3A_72 = arith.andi %shift_right_logical3A_70, %and3A_71 : vector<16xi32>
          %broadcast_in_dim3A = arith.constant true
          %broadcast_in_dim3A_73 = vector.broadcast %broadcast_in_dim3A : i1 to vector<16xi1>
          %unique3A, %unique3A_74 = tpu.scan_count mask(%broadcast_in_dim3A_73 : vector<16xi1>) value(%and3A_72 : vector<16xi32>) : vector<16xi1>, vector<16xi32>
          %gather3A = tpu.vector_load_idx %arg8[%and3A_72] : memref<256xi32, #tpu.memory_space<vmem>>[vector<16xi32>], vector<16xi32>,
          %add3A_75 = arith.addi %gather3A, %unique3A_74 : vector<16xi32>
          %sub3A = arith.constant 1 : i32
          %sub3A_76 = vector.broadcast %sub3A : i32 to vector<16xi32>
          %sub3A_77 = arith.subi %add3A_75, %sub3A_76 : vector<16xi32>
          %add3A_78 = vector.broadcast %mul3A_13 : i32 to vector<16xi32>
          %add3A_79 = arith.addi %sub3A_77, %add3A_78 : vector<16xi32>
          tpu.vector_store_idx %arg8[%and3A_72], %unique3A_74 masked %unique3A {add = true} : memref<256xi32, #tpu.memory_space<vmem>>[vector<16xi32>], vector<16xi32>, vector<16xi1>
          %mul3A_80 = arith.constant 16 : i32
          %mul3A_81 = arith.muli %add3A_60, %mul3A_80 : i32
          %swap3A = arith.index_cast %mul3A_81 : i32 to index
          %swap3A_82 = tpu.vector_load %arg5[%swap3A] {strides = array<i32>} : memref<2048xi32, #tpu.memory_space<vmem>>, vector<16xi32>,
          tpu.vector_store %arg5[%swap3A], %get3A_66 {strides = array<i32>} : memref<2048xi32, #tpu.memory_space<vmem>>, vector<16xi32>,
          %mul3A_83 = arith.constant 16 : i32
          %mul3A_84 = arith.muli %add3A_60, %mul3A_83 : i32
          %swap3A_85 = arith.index_cast %mul3A_84 : i32 to index
          %swap3A_86 = tpu.vector_load %arg6[%swap3A_85] {strides = array<i32>} : memref<2048xi32, #tpu.memory_space<vmem>>, vector<16xi32>,
          tpu.vector_store %arg6[%swap3A_85], %add3A_79 {strides = array<i32>} : memref<2048xi32, #tpu.memory_space<vmem>>, vector<16xi32>,
          %mul3A_87 = arith.constant 4 : i32
          %mul3A_88 = arith.muli %scan3A_55, %mul3A_87 : i32
          %add3A_89 = arith.constant 1 : i32
          %add3A_90 = arith.addi %mul3A_88, %add3A_89 : i32
          %mul3A_91 = arith.constant 128 : i32
          %mul3A_92 = arith.muli %scan3A_43, %mul3A_91 : i32
          %add3A_93 = arith.addi %mul3A_92, %add3A_90 : i32
          %mul3A_94 = arith.constant 16 : i32
          %mul3A_95 = arith.muli %add3A_93, %mul3A_94 : i32
          %get3A_96 = arith.index_cast %mul3A_95 : i32 to index
          %get3A_97 = tpu.vector_load %arg4[%get3A_96] {strides = array<i32>} : memref<100352xi32, #tpu.memory_space<vmem>>, vector<16xi32>,
          %xor3A_98 = arith.constant -1 : i32
          %xor3A_99 = vector.broadcast %xor3A_98 : i32 to vector<16xi32>
          %xor3A_100 = arith.xori %get3A_97, %xor3A_99 : vector<16xi32>
          %shift_right_logical3A_101 = arith.constant 8 : i32
          %shift_right_logical3A_102 = vector.broadcast %shift_right_logical3A_101 : i32 to vector<16xi32>
          %shift_right_logical3A_103 = arith.shrui %xor3A_100, %shift_right_logical3A_102 : vector<16xi32>
          %and3A_104 = arith.constant 255 : i32
          %and3A_105 = vector.broadcast %and3A_104 : i32 to vector<16xi32>
          %and3A_106 = arith.andi %shift_right_logical3A_103, %and3A_105 : vector<16xi32>
          %broadcast_in_dim3A_107 = arith.constant true
          %broadcast_in_dim3A_108 = vector.broadcast %broadcast_in_dim3A_107 : i1 to vector<16xi1>
          %unique3A_109, %unique3A_110 = tpu.scan_count mask(%broadcast_in_dim3A_108 : vector<16xi1>) value(%and3A_106 : vector<16xi32>) : vector<16xi1>, vector<16xi32>
          %gather3A_111 = tpu.vector_load_idx %arg8[%and3A_106] : memref<256xi32, #tpu.memory_space<vmem>>[vector<16xi32>], vector<16xi32>,
          %add3A_112 = arith.addi %gather3A_111, %unique3A_110 : vector<16xi32>
          %sub3A_113 = arith.constant 1 : i32
          %sub3A_114 = vector.broadcast %sub3A_113 : i32 to vector<16xi32>
          %sub3A_115 = arith.subi %add3A_112, %sub3A_114 : vector<16xi32>
          %add3A_116 = vector.broadcast %mul3A_13 : i32 to vector<16xi32>
          %add3A_117 = arith.addi %sub3A_115, %add3A_116 : vector<16xi32>
          tpu.vector_store_idx %arg8[%and3A_106], %unique3A_110 masked %unique3A_109 {add = true} : memref<256xi32, #tpu.memory_space<vmem>>[vector<16xi32>], vector<16xi32>, vector<16xi1>
          %mul3A_118 = arith.constant 16 : i32
          %mul3A_119 = arith.muli %add3A_90, %mul3A_118 : i32
          %swap3A_120 = arith.index_cast %mul3A_119 : i32 to index
          %swap3A_121 = tpu.vector_load %arg5[%swap3A_120] {strides = array<i32>} : memref<2048xi32, #tpu.memory_space<vmem>>, vector<16xi32>,
          tpu.vector_store %arg5[%swap3A_120], %get3A_97 {strides = array<i32>} : memref<2048xi32, #tpu.memory_space<vmem>>, vector<16xi32>,
          %mul3A_122 = arith.constant 16 : i32
          %mul3A_123 = arith.muli %add3A_90, %mul3A_122 : i32
          %swap3A_124 = arith.index_cast %mul3A_123 : i32 to index
          %swap3A_125 = tpu.vector_load %arg6[%swap3A_124] {strides = array<i32>} : memref<2048xi32, #tpu.memory_space<vmem>>, vector<16xi32>,
          tpu.vector_store %arg6[%swap3A_124], %add3A_117 {strides = array<i32>} : memref<2048xi32, #tpu.memory_space<vmem>>, vector<16xi32>,
          %mul3A_126 = arith.constant 4 : i32
          %mul3A_127 = arith.muli %scan3A_55, %mul3A_126 : i32
          %add3A_128 = arith.constant 2 : i32
          %add3A_129 = arith.addi %mul3A_127, %add3A_128 : i32
          %mul3A_130 = arith.constant 128 : i32
          %mul3A_131 = arith.muli %scan3A_43, %mul3A_130 : i32
          %add3A_132 = arith.addi %mul3A_131, %add3A_129 : i32
          %mul3A_133 = arith.constant 16 : i32
          %mul3A_134 = arith.muli %add3A_132, %mul3A_133 : i32
          %get3A_135 = arith.index_cast %mul3A_134 : i32 to index
          %get3A_136 = tpu.vector_load %arg4[%get3A_135] {strides = array<i32>} : memref<100352xi32, #tpu.memory_space<vmem>>, vector<16xi32>,
          %xor3A_137 = arith.constant -1 : i32
          %xor3A_138 = vector.broadcast %xor3A_137 : i32 to vector<16xi32>
          %xor3A_139 = arith.xori %get3A_136, %xor3A_138 : vector<16xi32>
          %shift_right_logical3A_140 = arith.constant 8 : i32
          %shift_right_logical3A_141 = vector.broadcast %shift_right_logical3A_140 : i32 to vector<16xi32>
          %shift_right_logical3A_142 = arith.shrui %xor3A_139, %shift_right_logical3A_141 : vector<16xi32>
          %and3A_143 = arith.constant 255 : i32
          %and3A_144 = vector.broadcast %and3A_143 : i32 to vector<16xi32>
          %and3A_145 = arith.andi %shift_right_logical3A_142, %and3A_144 : vector<16xi32>
          %broadcast_in_dim3A_146 = arith.constant true
          %broadcast_in_dim3A_147 = vector.broadcast %broadcast_in_dim3A_146 : i1 to vector<16xi1>
          %unique3A_148, %unique3A_149 = tpu.scan_count mask(%broadcast_in_dim3A_147 : vector<16xi1>) value(%and3A_145 : vector<16xi32>) : vector<16xi1>, vector<16xi32>
          %gather3A_150 = tpu.vector_load_idx %arg8[%and3A_145] : memref<256xi32, #tpu.memory_space<vmem>>[vector<16xi32>], vector<16xi32>,
          %add3A_151 = arith.addi %gather3A_150, %unique3A_149 : vector<16xi32>
          %sub3A_152 = arith.constant 1 : i32
          %sub3A_153 = vector.broadcast %sub3A_152 : i32 to vector<16xi32>
          %sub3A_154 = arith.subi %add3A_151, %sub3A_153 : vector<16xi32>
          %add3A_155 = vector.broadcast %mul3A_13 : i32 to vector<16xi32>
          %add3A_156 = arith.addi %sub3A_154, %add3A_155 : vector<16xi32>
          tpu.vector_store_idx %arg8[%and3A_145], %unique3A_149 masked %unique3A_148 {add = true} : memref<256xi32, #tpu.memory_space<vmem>>[vector<16xi32>], vector<16xi32>, vector<16xi1>
          %mul3A_157 = arith.constant 16 : i32
          %mul3A_158 = arith.muli %add3A_129, %mul3A_157 : i32
          %swap3A_159 = arith.index_cast %mul3A_158 : i32 to index
          %swap3A_160 = tpu.vector_load %arg5[%swap3A_159] {strides = array<i32>} : memref<2048xi32, #tpu.memory_space<vmem>>, vector<16xi32>,
          tpu.vector_store %arg5[%swap3A_159], %get3A_136 {strides = array<i32>} : memref<2048xi32, #tpu.memory_space<vmem>>, vector<16xi32>,
          %mul3A_161 = arith.constant 16 : i32
          %mul3A_162 = arith.muli %add3A_129, %mul3A_161 : i32
          %swap3A_163 = arith.index_cast %mul3A_162 : i32 to index
          %swap3A_164 = tpu.vector_load %arg6[%swap3A_163] {strides = array<i32>} : memref<2048xi32, #tpu.memory_space<vmem>>, vector<16xi32>,
          tpu.vector_store %arg6[%swap3A_163], %add3A_156 {strides = array<i32>} : memref<2048xi32, #tpu.memory_space<vmem>>, vector<16xi32>,
          %mul3A_165 = arith.constant 4 : i32
          %mul3A_166 = arith.muli %scan3A_55, %mul3A_165 : i32
          %add3A_167 = arith.constant 3 : i32
          %add3A_168 = arith.addi %mul3A_166, %add3A_167 : i32
          %mul3A_169 = arith.constant 128 : i32
          %mul3A_170 = arith.muli %scan3A_43, %mul3A_169 : i32
          %add3A_171 = arith.addi %mul3A_170, %add3A_168 : i32
          %mul3A_172 = arith.constant 16 : i32
          %mul3A_173 = arith.muli %add3A_171, %mul3A_172 : i32
          %get3A_174 = arith.index_cast %mul3A_173 : i32 to index
          %get3A_175 = tpu.vector_load %arg4[%get3A_174] {strides = array<i32>} : memref<100352xi32, #tpu.memory_space<vmem>>, vector<16xi32>,
          %xor3A_176 = arith.constant -1 : i32
          %xor3A_177 = vector.broadcast %xor3A_176 : i32 to vector<16xi32>
          %xor3A_178 = arith.xori %get3A_175, %xor3A_177 : vector<16xi32>
          %shift_right_logical3A_179 = arith.constant 8 : i32
          %shift_right_logical3A_180 = vector.broadcast %shift_right_logical3A_179 : i32 to vector<16xi32>
          %shift_right_logical3A_181 = arith.shrui %xor3A_178, %shift_right_logical3A_180 : vector<16xi32>
          %and3A_182 = arith.constant 255 : i32
          %and3A_183 = vector.broadcast %and3A_182 : i32 to vector<16xi32>
          %and3A_184 = arith.andi %shift_right_logical3A_181, %and3A_183 : vector<16xi32>
          %broadcast_in_dim3A_185 = arith.constant true
          %broadcast_in_dim3A_186 = vector.broadcast %broadcast_in_dim3A_185 : i1 to vector<16xi1>
          %unique3A_187, %unique3A_188 = tpu.scan_count mask(%broadcast_in_dim3A_186 : vector<16xi1>) value(%and3A_184 : vector<16xi32>) : vector<16xi1>, vector<16xi32>
          %gather3A_189 = tpu.vector_load_idx %arg8[%and3A_184] : memref<256xi32, #tpu.memory_space<vmem>>[vector<16xi32>], vector<16xi32>,
          %add3A_190 = arith.addi %gather3A_189, %unique3A_188 : vector<16xi32>
          %sub3A_191 = arith.constant 1 : i32
          %sub3A_192 = vector.broadcast %sub3A_191 : i32 to vector<16xi32>
          %sub3A_193 = arith.subi %add3A_190, %sub3A_192 : vector<16xi32>
          %add3A_194 = vector.broadcast %mul3A_13 : i32 to vector<16xi32>
          %add3A_195 = arith.addi %sub3A_193, %add3A_194 : vector<16xi32>
          tpu.vector_store_idx %arg8[%and3A_184], %unique3A_188 masked %unique3A_187 {add = true} : memref<256xi32, #tpu.memory_space<vmem>>[vector<16xi32>], vector<16xi32>, vector<16xi1>
          %mul3A_196 = arith.constant 16 : i32
          %mul3A_197 = arith.muli %add3A_168, %mul3A_196 : i32
          %swap3A_198 = arith.index_cast %mul3A_197 : i32 to index
          %swap3A_199 = tpu.vector_load %arg5[%swap3A_198] {strides = array<i32>} : memref<2048xi32, #tpu.memory_space<vmem>>, vector<16xi32>,
          tpu.vector_store %arg5[%swap3A_198], %get3A_175 {strides = array<i32>} : memref<2048xi32, #tpu.memory_space<vmem>>, vector<16xi32>,
          %mul3A_200 = arith.constant 16 : i32
          %mul3A_201 = arith.muli %add3A_168, %mul3A_200 : i32
          %swap3A_202 = arith.index_cast %mul3A_201 : i32 to index
          %swap3A_203 = tpu.vector_load %arg6[%swap3A_202] {strides = array<i32>} : memref<2048xi32, #tpu.memory_space<vmem>>, vector<16xi32>,
          tpu.vector_store %arg6[%swap3A_202], %add3A_195 {strides = array<i32>} : memref<2048xi32, #tpu.memory_space<vmem>>, vector<16xi32>,
          %scan3A_204 = arith.constant 0 : i32
          scf.yield %scan3A_204 : i32
        }
        %scan3A_51 = arith.constant 32 : i32
        %dma_start3A = arith.constant 0 : i32
        %dma_start3A_52 = tpu.memref_slice %arg3[%dma_start3A] : memref<12845056xi32, #tpu.memory_space<hbm>> -> memref<12845056xi32, #tpu.memory_space<hbm>>
        tpu.enqueue_indirect_dma source(%arg5 : memref<2048xi32, #tpu.memory_space<vmem>>) target(%dma_start3A_52 : memref<12845056xi32, #tpu.memory_space<hbm>>) offsets(%arg6 : memref<2048xi32, #tpu.memory_space<vmem>>) semaphore(%arg9 : memref<!tpu.dma_semaphore, #tpu.memory_space<semaphore_mem>>)
        %dma_wait3A = arith.constant 0 : i32
        %dma_wait3A_53 = tpu.memref_slice %arg3[%dma_wait3A] : memref<12845056xi32, #tpu.memory_space<hbm>> -> memref<12845056xi32, #tpu.memory_space<hbm>>
        tpu.wait_indirect_dma semaphore(%arg9 : memref<!tpu.dma_semaphore, #tpu.memory_space<semaphore_mem>>) src(%arg5 : memref<2048xi32, #tpu.memory_space<vmem>>) dst(%dma_wait3A_53 : memref<12845056xi32, #tpu.memory_space<hbm>>)
        %scan3A_54 = arith.constant 0 : i32
        scf.yield %scan3A_54 : i32
      }
      %scan3A_41 = arith.constant 49 : i32
      %scan3A_42 = arith.constant 0 : i32
      scf.yield %scan3A_42 : i32
    }
    %scan3A_6 = arith.constant 4 : i32
    return
  }
}

#map = affine_map<(d0, d1) -> (0)>
module attributes {stable_mosaic.version = 14 : i64} {
  func.func @_radix_pass_kernel(%arg0: i32, %arg1: i32, %arg2: memref<12845056xi32, #tpu.memory_space<hbm>>, %arg3: memref<12845056xi32, #tpu.memory_space<hbm>>, %arg4: memref<100352xi32, #tpu.memory_space<vmem>>, %arg5: memref<2048xi32, #tpu.memory_space<vmem>>, %arg6: memref<2048xi32, #tpu.memory_space<vmem>>, %arg7: memref<4096xi32, #tpu.memory_space<vmem>>, %arg8: memref<256xi32, #tpu.memory_space<vmem>>, %arg9: memref<!tpu.dma_semaphore, #tpu.memory_space<semaphore_mem>>) attributes {dimension_semantics = [#tpu.dimension_semantics<core_parallel>, #tpu.dimension_semantics<subcore_parallel>], iteration_bounds = array<i64: 2, 16>, scalar_prefetch = 0 : i64, scratch_operands = 6 : i64, tpu.core_type = #tpu.core_type<sc_vector_subcore>, window_params = [{transform_indices = #map}, {transform_indices = #map}]} {
    %mul3A = arith.constant 2 : i32
    %mul3A_0 = arith.muli %arg1, %mul3A : i32
    %add3A = arith.addi %mul3A_0, %arg0 : i32
    %iota3A = tpu.iota {dimensions = array<i32: 0>} : vector<16xi32>
    %scan3A = arith.constant 0 : i32
    %scan3A_1 = arith.constant 0 : i32
    %scan3A_2 = arith.constant 4 : i32
    %scan3A_3 = arith.addi %scan3A_1, %scan3A_2 : i32
    %scan3A_4 = arith.constant 1 : i32
    %scan3A_5 = scf.for %scan3A_7 = %scan3A_1 to %scan3A_3 step %scan3A_4 iter_args(%scan3A_8 = %scan3A) -> (i32)  : i32 {
      %mul3A_9 = arith.constant 4 : i32
      %mul3A_10 = arith.muli %add3A, %mul3A_9 : i32
      %add3A_11 = arith.addi %mul3A_10, %scan3A_7 : i32
      %mul3A_12 = arith.constant 100352 : i32
      %mul3A_13 = arith.muli %add3A_11, %mul3A_12 : i32
      "tpu.region"() ({
        %run_scoped3A = tpu.sem_alloc : memref<!tpu.dma_semaphore, #tpu.memory_space<semaphore_mem>>
        %dma_start3A = tpu.memref_slice %arg2[%mul3A_13] : memref<12845056xi32, #tpu.memory_space<hbm>> -> memref<100352xi32, #tpu.memory_space<hbm>>
        %dma_start3A_43 = tpu.memref_slice %arg2[%mul3A_13] : memref<12845056xi32, #tpu.memory_space<hbm>> -> memref<100352xi32, #tpu.memory_space<hbm>>
        tpu.enqueue_dma source(%dma_start3A_43 : memref<100352xi32, #tpu.memory_space<hbm>>) target(%arg4 : memref<100352xi32, #tpu.memory_space<vmem>>) target_semaphore(%run_scoped3A : memref<!tpu.dma_semaphore, #tpu.memory_space<semaphore_mem>>)
        %dma_wait3A = tpu.memref_slice %arg2[%mul3A_13] : memref<12845056xi32, #tpu.memory_space<hbm>> -> memref<100352xi32, #tpu.memory_space<hbm>>
        %dma_wait3A_44 = tpu.memref_slice %arg2[%mul3A_13] : memref<12845056xi32, #tpu.memory_space<hbm>> -> memref<100352xi32, #tpu.memory_space<hbm>>
        tpu.wait_dma2 semaphore(%run_scoped3A : memref<!tpu.dma_semaphore, #tpu.memory_space<semaphore_mem>>) src(%dma_wait3A_44 : memref<100352xi32, #tpu.memory_space<hbm>>) dst(%arg4 : memref<100352xi32, #tpu.memory_space<vmem>>)
        tpu.yield
      }) : () -> ()
      %scan3A_14 = arith.constant 0 : i32
      %scan3A_15 = arith.constant 0 : i32
      %scan3A_16 = arith.constant 256 : i32
      %scan3A_17 = arith.addi %scan3A_15, %scan3A_16 : i32
      %scan3A_18 = arith.constant 1 : i32
      %scan3A_19 = scf.for %scan3A_43 = %scan3A_15 to %scan3A_17 step %scan3A_18 iter_args(%scan3A_44 = %scan3A_14) -> (i32)  : i32 {
        %broadcast_in_dim3A = arith.constant 0 : i32
        %broadcast_in_dim3A_45 = vector.broadcast %broadcast_in_dim3A : i32 to vector<16xi32>
        %mul3A_46 = arith.constant 16 : i32
        %mul3A_47 = arith.muli %scan3A_43, %mul3A_46 : i32
        %swap3A = arith.index_cast %mul3A_47 : i32 to index
        %swap3A_48 = tpu.vector_load %arg7[%swap3A] {strides = array<i32>} : memref<4096xi32, #tpu.memory_space<vmem>>, vector<16xi32>,
        tpu.vector_store %arg7[%swap3A], %broadcast_in_dim3A_45 {strides = array<i32>} : memref<4096xi32, #tpu.memory_space<vmem>>, vector<16xi32>,
        %scan3A_49 = arith.constant 0 : i32
        scf.yield %scan3A_49 : i32
      }
      %scan3A_20 = arith.constant 256 : i32
      %scan3A_21 = arith.constant 0 : i32
      %scan3A_22 = arith.constant 0 : i32
      %scan3A_23 = arith.constant 6272 : i32
      %scan3A_24 = arith.addi %scan3A_22, %scan3A_23 : i32
      %scan3A_25 = arith.constant 1 : i32
      %scan3A_26 = scf.for %scan3A_43 = %scan3A_22 to %scan3A_24 step %scan3A_25 iter_args(%scan3A_44 = %scan3A_21) -> (i32)  : i32 {
        %mul3A_45 = arith.constant 16 : i32
        %mul3A_46 = arith.muli %scan3A_43, %mul3A_45 : i32
        %get3A = arith.index_cast %mul3A_46 : i32 to index
        %get3A_47 = tpu.vector_load %arg4[%get3A] {strides = array<i32>} : memref<100352xi32, #tpu.memory_space<vmem>>, vector<16xi32>,
        %xor3A = arith.constant -1 : i32
        %xor3A_48 = vector.broadcast %xor3A : i32 to vector<16xi32>
        %xor3A_49 = arith.xori %get3A_47, %xor3A_48 : vector<16xi32>
        %shift_right_logical3A = arith.constant 24 : i32
        %shift_right_logical3A_50 = vector.broadcast %shift_right_logical3A : i32 to vector<16xi32>
        %shift_right_logical3A_51 = arith.shrui %xor3A_49, %shift_right_logical3A_50 : vector<16xi32>
        %and3A = arith.constant 255 : i32
        %and3A_52 = vector.broadcast %and3A : i32 to vector<16xi32>
        %and3A_53 = arith.andi %shift_right_logical3A_51, %and3A_52 : vector<16xi32>
        %mul3A_54 = arith.constant 16 : i32
        %mul3A_55 = vector.broadcast %mul3A_54 : i32 to vector<16xi32>
        %mul3A_56 = arith.muli %and3A_53, %mul3A_55 : vector<16xi32>
        %add3A_57 = arith.addi %mul3A_56, %iota3A : vector<16xi32>
        %broadcast_in_dim3A = arith.constant 1 : i32
        %broadcast_in_dim3A_58 = vector.broadcast %broadcast_in_dim3A : i32 to vector<16xi32>
        tpu.vector_store_idx %arg7[%add3A_57], %broadcast_in_dim3A_58 {add = true} : memref<4096xi32, #tpu.memory_space<vmem>>[vector<16xi32>], vector<16xi32>,
        %scan3A_59 = arith.constant 0 : i32
        scf.yield %scan3A_59 : i32
      }
      %scan3A_27 = arith.constant 6272 : i32
      %scan3A_28 = arith.constant 0 : i32
      %scan3A_29 = arith.constant 0 : i32
      %scan3A_30 = arith.constant 16 : i32
      %scan3A_31 = arith.addi %scan3A_29, %scan3A_30 : i32
      %scan3A_32 = arith.constant 1 : i32
      %scan3A_33 = scf.for %scan3A_43 = %scan3A_29 to %scan3A_31 step %scan3A_32 iter_args(%scan3A_44 = %scan3A_28) -> (i32)  : i32 {
        %broadcast_in_dim3A = arith.constant 0 : i32
        %broadcast_in_dim3A_45 = vector.broadcast %broadcast_in_dim3A : i32 to vector<16xi32>
        %mul3A_46 = arith.constant 16 : i32
        %mul3A_47 = arith.muli %scan3A_43, %mul3A_46 : i32
        %add3A_48 = vector.broadcast %mul3A_47 : i32 to vector<16xi32>
        %add3A_49 = arith.addi %add3A_48, %iota3A : vector<16xi32>
        %mul3A_50 = arith.constant 16 : i32
        %mul3A_51 = vector.broadcast %mul3A_50 : i32 to vector<16xi32>
        %mul3A_52 = arith.muli %add3A_49, %mul3A_51 : vector<16xi32>
        %add3A_53 = arith.constant 0 : i32
        %add3A_54 = vector.broadcast %add3A_53 : i32 to vector<16xi32>
        %add3A_55 = arith.addi %mul3A_52, %add3A_54 : vector<16xi32>
        %gather3A = tpu.vector_load_idx %arg7[%add3A_55] : memref<4096xi32, #tpu.memory_space<vmem>>[vector<16xi32>], vector<16xi32>,
        %add3A_56 = arith.addi %broadcast_in_dim3A_45, %gather3A : vector<16xi32>
        %mul3A_57 = arith.constant 16 : i32
        %mul3A_58 = arith.muli %scan3A_43, %mul3A_57 : i32
        %add3A_59 = vector.broadcast %mul3A_58 : i32 to vector<16xi32>
        %add3A_60 = arith.addi %add3A_59, %iota3A : vector<16xi32>
        %mul3A_61 = arith.constant 16 : i32
        %mul3A_62 = vector.broadcast %mul3A_61 : i32 to vector<16xi32>
        %mul3A_63 = arith.muli %add3A_60, %mul3A_62 : vector<16xi32>
        %add3A_64 = arith.constant 1 : i32
        %add3A_65 = vector.broadcast %add3A_64 : i32 to vector<16xi32>
        %add3A_66 = arith.addi %mul3A_63, %add3A_65 : vector<16xi32>
        %gather3A_67 = tpu.vector_load_idx %arg7[%add3A_66] : memref<4096xi32, #tpu.memory_space<vmem>>[vector<16xi32>], vector<16xi32>,
        %add3A_68 = arith.addi %add3A_56, %gather3A_67 : vector<16xi32>
        %mul3A_69 = arith.constant 16 : i32
        %mul3A_70 = arith.muli %scan3A_43, %mul3A_69 : i32
        %add3A_71 = vector.broadcast %mul3A_70 : i32 to vector<16xi32>
        %add3A_72 = arith.addi %add3A_71, %iota3A : vector<16xi32>
        %mul3A_73 = arith.constant 16 : i32
        %mul3A_74 = vector.broadcast %mul3A_73 : i32 to vector<16xi32>
        %mul3A_75 = arith.muli %add3A_72, %mul3A_74 : vector<16xi32>
        %add3A_76 = arith.constant 2 : i32
        %add3A_77 = vector.broadcast %add3A_76 : i32 to vector<16xi32>
        %add3A_78 = arith.addi %mul3A_75, %add3A_77 : vector<16xi32>
        %gather3A_79 = tpu.vector_load_idx %arg7[%add3A_78] : memref<4096xi32, #tpu.memory_space<vmem>>[vector<16xi32>], vector<16xi32>,
        %add3A_80 = arith.addi %add3A_68, %gather3A_79 : vector<16xi32>
        %mul3A_81 = arith.constant 16 : i32
        %mul3A_82 = arith.muli %scan3A_43, %mul3A_81 : i32
        %add3A_83 = vector.broadcast %mul3A_82 : i32 to vector<16xi32>
        %add3A_84 = arith.addi %add3A_83, %iota3A : vector<16xi32>
        %mul3A_85 = arith.constant 16 : i32
        %mul3A_86 = vector.broadcast %mul3A_85 : i32 to vector<16xi32>
        %mul3A_87 = arith.muli %add3A_84, %mul3A_86 : vector<16xi32>
        %add3A_88 = arith.constant 3 : i32
        %add3A_89 = vector.broadcast %add3A_88 : i32 to vector<16xi32>
        %add3A_90 = arith.addi %mul3A_87, %add3A_89 : vector<16xi32>
        %gather3A_91 = tpu.vector_load_idx %arg7[%add3A_90] : memref<4096xi32, #tpu.memory_space<vmem>>[vector<16xi32>], vector<16xi32>,
        %add3A_92 = arith.addi %add3A_80, %gather3A_91 : vector<16xi32>
        %mul3A_93 = arith.constant 16 : i32
        %mul3A_94 = arith.muli %scan3A_43, %mul3A_93 : i32
        %add3A_95 = vector.broadcast %mul3A_94 : i32 to vector<16xi32>
        %add3A_96 = arith.addi %add3A_95, %iota3A : vector<16xi32>
        %mul3A_97 = arith.constant 16 : i32
        %mul3A_98 = vector.broadcast %mul3A_97 : i32 to vector<16xi32>
        %mul3A_99 = arith.muli %add3A_96, %mul3A_98 : vector<16xi32>
        %add3A_100 = arith.constant 4 : i32
        %add3A_101 = vector.broadcast %add3A_100 : i32 to vector<16xi32>
        %add3A_102 = arith.addi %mul3A_99, %add3A_101 : vector<16xi32>
        %gather3A_103 = tpu.vector_load_idx %arg7[%add3A_102] : memref<4096xi32, #tpu.memory_space<vmem>>[vector<16xi32>], vector<16xi32>,
        %add3A_104 = arith.addi %add3A_92, %gather3A_103 : vector<16xi32>
        %mul3A_105 = arith.constant 16 : i32
        %mul3A_106 = arith.muli %scan3A_43, %mul3A_105 : i32
        %add3A_107 = vector.broadcast %mul3A_106 : i32 to vector<16xi32>
        %add3A_108 = arith.addi %add3A_107, %iota3A : vector<16xi32>
        %mul3A_109 = arith.constant 16 : i32
        %mul3A_110 = vector.broadcast %mul3A_109 : i32 to vector<16xi32>
        %mul3A_111 = arith.muli %add3A_108, %mul3A_110 : vector<16xi32>
        %add3A_112 = arith.constant 5 : i32
        %add3A_113 = vector.broadcast %add3A_112 : i32 to vector<16xi32>
        %add3A_114 = arith.addi %mul3A_111, %add3A_113 : vector<16xi32>
        %gather3A_115 = tpu.vector_load_idx %arg7[%add3A_114] : memref<4096xi32, #tpu.memory_space<vmem>>[vector<16xi32>], vector<16xi32>,
        %add3A_116 = arith.addi %add3A_104, %gather3A_115 : vector<16xi32>
        %mul3A_117 = arith.constant 16 : i32
        %mul3A_118 = arith.muli %scan3A_43, %mul3A_117 : i32
        %add3A_119 = vector.broadcast %mul3A_118 : i32 to vector<16xi32>
        %add3A_120 = arith.addi %add3A_119, %iota3A : vector<16xi32>
        %mul3A_121 = arith.constant 16 : i32
        %mul3A_122 = vector.broadcast %mul3A_121 : i32 to vector<16xi32>
        %mul3A_123 = arith.muli %add3A_120, %mul3A_122 : vector<16xi32>
        %add3A_124 = arith.constant 6 : i32
        %add3A_125 = vector.broadcast %add3A_124 : i32 to vector<16xi32>
        %add3A_126 = arith.addi %mul3A_123, %add3A_125 : vector<16xi32>
        %gather3A_127 = tpu.vector_load_idx %arg7[%add3A_126] : memref<4096xi32, #tpu.memory_space<vmem>>[vector<16xi32>], vector<16xi32>,
        %add3A_128 = arith.addi %add3A_116, %gather3A_127 : vector<16xi32>
        %mul3A_129 = arith.constant 16 : i32
        %mul3A_130 = arith.muli %scan3A_43, %mul3A_129 : i32
        %add3A_131 = vector.broadcast %mul3A_130 : i32 to vector<16xi32>
        %add3A_132 = arith.addi %add3A_131, %iota3A : vector<16xi32>
        %mul3A_133 = arith.constant 16 : i32
        %mul3A_134 = vector.broadcast %mul3A_133 : i32 to vector<16xi32>
        %mul3A_135 = arith.muli %add3A_132, %mul3A_134 : vector<16xi32>
        %add3A_136 = arith.constant 7 : i32
        %add3A_137 = vector.broadcast %add3A_136 : i32 to vector<16xi32>
        %add3A_138 = arith.addi %mul3A_135, %add3A_137 : vector<16xi32>
        %gather3A_139 = tpu.vector_load_idx %arg7[%add3A_138] : memref<4096xi32, #tpu.memory_space<vmem>>[vector<16xi32>], vector<16xi32>,
        %add3A_140 = arith.addi %add3A_128, %gather3A_139 : vector<16xi32>
        %mul3A_141 = arith.constant 16 : i32
        %mul3A_142 = arith.muli %scan3A_43, %mul3A_141 : i32
        %add3A_143 = vector.broadcast %mul3A_142 : i32 to vector<16xi32>
        %add3A_144 = arith.addi %add3A_143, %iota3A : vector<16xi32>
        %mul3A_145 = arith.constant 16 : i32
        %mul3A_146 = vector.broadcast %mul3A_145 : i32 to vector<16xi32>
        %mul3A_147 = arith.muli %add3A_144, %mul3A_146 : vector<16xi32>
        %add3A_148 = arith.constant 8 : i32
        %add3A_149 = vector.broadcast %add3A_148 : i32 to vector<16xi32>
        %add3A_150 = arith.addi %mul3A_147, %add3A_149 : vector<16xi32>
        %gather3A_151 = tpu.vector_load_idx %arg7[%add3A_150] : memref<4096xi32, #tpu.memory_space<vmem>>[vector<16xi32>], vector<16xi32>,
        %add3A_152 = arith.addi %add3A_140, %gather3A_151 : vector<16xi32>
        %mul3A_153 = arith.constant 16 : i32
        %mul3A_154 = arith.muli %scan3A_43, %mul3A_153 : i32
        %add3A_155 = vector.broadcast %mul3A_154 : i32 to vector<16xi32>
        %add3A_156 = arith.addi %add3A_155, %iota3A : vector<16xi32>
        %mul3A_157 = arith.constant 16 : i32
        %mul3A_158 = vector.broadcast %mul3A_157 : i32 to vector<16xi32>
        %mul3A_159 = arith.muli %add3A_156, %mul3A_158 : vector<16xi32>
        %add3A_160 = arith.constant 9 : i32
        %add3A_161 = vector.broadcast %add3A_160 : i32 to vector<16xi32>
        %add3A_162 = arith.addi %mul3A_159, %add3A_161 : vector<16xi32>
        %gather3A_163 = tpu.vector_load_idx %arg7[%add3A_162] : memref<4096xi32, #tpu.memory_space<vmem>>[vector<16xi32>], vector<16xi32>,
        %add3A_164 = arith.addi %add3A_152, %gather3A_163 : vector<16xi32>
        %mul3A_165 = arith.constant 16 : i32
        %mul3A_166 = arith.muli %scan3A_43, %mul3A_165 : i32
        %add3A_167 = vector.broadcast %mul3A_166 : i32 to vector<16xi32>
        %add3A_168 = arith.addi %add3A_167, %iota3A : vector<16xi32>
        %mul3A_169 = arith.constant 16 : i32
        %mul3A_170 = vector.broadcast %mul3A_169 : i32 to vector<16xi32>
        %mul3A_171 = arith.muli %add3A_168, %mul3A_170 : vector<16xi32>
        %add3A_172 = arith.constant 10 : i32
        %add3A_173 = vector.broadcast %add3A_172 : i32 to vector<16xi32>
        %add3A_174 = arith.addi %mul3A_171, %add3A_173 : vector<16xi32>
        %gather3A_175 = tpu.vector_load_idx %arg7[%add3A_174] : memref<4096xi32, #tpu.memory_space<vmem>>[vector<16xi32>], vector<16xi32>,
        %add3A_176 = arith.addi %add3A_164, %gather3A_175 : vector<16xi32>
        %mul3A_177 = arith.constant 16 : i32
        %mul3A_178 = arith.muli %scan3A_43, %mul3A_177 : i32
        %add3A_179 = vector.broadcast %mul3A_178 : i32 to vector<16xi32>
        %add3A_180 = arith.addi %add3A_179, %iota3A : vector<16xi32>
        %mul3A_181 = arith.constant 16 : i32
        %mul3A_182 = vector.broadcast %mul3A_181 : i32 to vector<16xi32>
        %mul3A_183 = arith.muli %add3A_180, %mul3A_182 : vector<16xi32>
        %add3A_184 = arith.constant 11 : i32
        %add3A_185 = vector.broadcast %add3A_184 : i32 to vector<16xi32>
        %add3A_186 = arith.addi %mul3A_183, %add3A_185 : vector<16xi32>
        %gather3A_187 = tpu.vector_load_idx %arg7[%add3A_186] : memref<4096xi32, #tpu.memory_space<vmem>>[vector<16xi32>], vector<16xi32>,
        %add3A_188 = arith.addi %add3A_176, %gather3A_187 : vector<16xi32>
        %mul3A_189 = arith.constant 16 : i32
        %mul3A_190 = arith.muli %scan3A_43, %mul3A_189 : i32
        %add3A_191 = vector.broadcast %mul3A_190 : i32 to vector<16xi32>
        %add3A_192 = arith.addi %add3A_191, %iota3A : vector<16xi32>
        %mul3A_193 = arith.constant 16 : i32
        %mul3A_194 = vector.broadcast %mul3A_193 : i32 to vector<16xi32>
        %mul3A_195 = arith.muli %add3A_192, %mul3A_194 : vector<16xi32>
        %add3A_196 = arith.constant 12 : i32
        %add3A_197 = vector.broadcast %add3A_196 : i32 to vector<16xi32>
        %add3A_198 = arith.addi %mul3A_195, %add3A_197 : vector<16xi32>
        %gather3A_199 = tpu.vector_load_idx %arg7[%add3A_198] : memref<4096xi32, #tpu.memory_space<vmem>>[vector<16xi32>], vector<16xi32>,
        %add3A_200 = arith.addi %add3A_188, %gather3A_199 : vector<16xi32>
        %mul3A_201 = arith.constant 16 : i32
        %mul3A_202 = arith.muli %scan3A_43, %mul3A_201 : i32
        %add3A_203 = vector.broadcast %mul3A_202 : i32 to vector<16xi32>
        %add3A_204 = arith.addi %add3A_203, %iota3A : vector<16xi32>
        %mul3A_205 = arith.constant 16 : i32
        %mul3A_206 = vector.broadcast %mul3A_205 : i32 to vector<16xi32>
        %mul3A_207 = arith.muli %add3A_204, %mul3A_206 : vector<16xi32>
        %add3A_208 = arith.constant 13 : i32
        %add3A_209 = vector.broadcast %add3A_208 : i32 to vector<16xi32>
        %add3A_210 = arith.addi %mul3A_207, %add3A_209 : vector<16xi32>
        %gather3A_211 = tpu.vector_load_idx %arg7[%add3A_210] : memref<4096xi32, #tpu.memory_space<vmem>>[vector<16xi32>], vector<16xi32>,
        %add3A_212 = arith.addi %add3A_200, %gather3A_211 : vector<16xi32>
        %mul3A_213 = arith.constant 16 : i32
        %mul3A_214 = arith.muli %scan3A_43, %mul3A_213 : i32
        %add3A_215 = vector.broadcast %mul3A_214 : i32 to vector<16xi32>
        %add3A_216 = arith.addi %add3A_215, %iota3A : vector<16xi32>
        %mul3A_217 = arith.constant 16 : i32
        %mul3A_218 = vector.broadcast %mul3A_217 : i32 to vector<16xi32>
        %mul3A_219 = arith.muli %add3A_216, %mul3A_218 : vector<16xi32>
        %add3A_220 = arith.constant 14 : i32
        %add3A_221 = vector.broadcast %add3A_220 : i32 to vector<16xi32>
        %add3A_222 = arith.addi %mul3A_219, %add3A_221 : vector<16xi32>
        %gather3A_223 = tpu.vector_load_idx %arg7[%add3A_222] : memref<4096xi32, #tpu.memory_space<vmem>>[vector<16xi32>], vector<16xi32>,
        %add3A_224 = arith.addi %add3A_212, %gather3A_223 : vector<16xi32>
        %mul3A_225 = arith.constant 16 : i32
        %mul3A_226 = arith.muli %scan3A_43, %mul3A_225 : i32
        %add3A_227 = vector.broadcast %mul3A_226 : i32 to vector<16xi32>
        %add3A_228 = arith.addi %add3A_227, %iota3A : vector<16xi32>
        %mul3A_229 = arith.constant 16 : i32
        %mul3A_230 = vector.broadcast %mul3A_229 : i32 to vector<16xi32>
        %mul3A_231 = arith.muli %add3A_228, %mul3A_230 : vector<16xi32>
        %add3A_232 = arith.constant 15 : i32
        %add3A_233 = vector.broadcast %add3A_232 : i32 to vector<16xi32>
        %add3A_234 = arith.addi %mul3A_231, %add3A_233 : vector<16xi32>
        %gather3A_235 = tpu.vector_load_idx %arg7[%add3A_234] : memref<4096xi32, #tpu.memory_space<vmem>>[vector<16xi32>], vector<16xi32>,
        %add3A_236 = arith.addi %add3A_224, %gather3A_235 : vector<16xi32>
        %broadcast_in_dim3A_237 = arith.constant true
        %broadcast_in_dim3A_238 = vector.broadcast %broadcast_in_dim3A_237 : i1 to vector<16xi1>
        %masked_cumsum3A = tpu.scan <sum>, %add3A_236 masked %broadcast_in_dim3A_238 : vector<16xi32>, vector<16xi1> -> vector<16xi32>
        %sub3A = arith.subi %masked_cumsum3A, %add3A_236 : vector<16xi32>
        %add3A_239 = vector.broadcast %scan3A_44 : i32 to vector<16xi32>
        %add3A_240 = arith.addi %sub3A, %add3A_239 : vector<16xi32>
        %mul3A_241 = arith.constant 16 : i32
        %mul3A_242 = arith.muli %scan3A_43, %mul3A_241 : i32
        %swap3A = arith.index_cast %mul3A_242 : i32 to index
        %swap3A_243 = tpu.vector_load %arg8[%swap3A] {strides = array<i32>} : memref<256xi32, #tpu.memory_space<vmem>>, vector<16xi32>,
        tpu.vector_store %arg8[%swap3A], %add3A_240 {strides = array<i32>} : memref<256xi32, #tpu.memory_space<vmem>>, vector<16xi32>,
        %reduce_sum3A = arith.constant true
        %reduce_sum3A_244 = vector.broadcast %reduce_sum3A : i1 to vector<16xi1>
        %reduce_sum3A_245 = tpu.scan <sum>, %add3A_236 masked %reduce_sum3A_244 : vector<16xi32>, vector<16xi1> -> vector<16xi32>
        %reduce_sum3A_246 = vector.extract %reduce_sum3A_245[15] : i32 from vector<16xi32>
        %add3A_247 = arith.addi %scan3A_44, %reduce_sum3A_246 : i32
        scf.yield %add3A_247 : i32
      }
      %scan3A_34 = arith.constant 16 : i32
      %scan3A_35 = arith.constant 0 : i32
      %scan3A_36 = arith.constant 0 : i32
      %scan3A_37 = arith.constant 49 : i32
      %scan3A_38 = arith.addi %scan3A_36, %scan3A_37 : i32
      %scan3A_39 = arith.constant 1 : i32
      %scan3A_40 = scf.for %scan3A_43 = %scan3A_36 to %scan3A_38 step %scan3A_39 iter_args(%scan3A_44 = %scan3A_35) -> (i32)  : i32 {
        %scan3A_45 = arith.constant 0 : i32
        %scan3A_46 = arith.constant 0 : i32
        %scan3A_47 = arith.constant 32 : i32
        %scan3A_48 = arith.addi %scan3A_46, %scan3A_47 : i32
        %scan3A_49 = arith.constant 1 : i32
        %scan3A_50 = scf.for %scan3A_55 = %scan3A_46 to %scan3A_48 step %scan3A_49 iter_args(%scan3A_56 = %scan3A_45) -> (i32)  : i32 {
          %mul3A_57 = arith.constant 4 : i32
          %mul3A_58 = arith.muli %scan3A_55, %mul3A_57 : i32
          %add3A_59 = arith.constant 0 : i32
          %add3A_60 = arith.addi %mul3A_58, %add3A_59 : i32
          %mul3A_61 = arith.constant 128 : i32
          %mul3A_62 = arith.muli %scan3A_43, %mul3A_61 : i32
          %add3A_63 = arith.addi %mul3A_62, %add3A_60 : i32
          %mul3A_64 = arith.constant 16 : i32
          %mul3A_65 = arith.muli %add3A_63, %mul3A_64 : i32
          %get3A = arith.index_cast %mul3A_65 : i32 to index
          %get3A_66 = tpu.vector_load %arg4[%get3A] {strides = array<i32>} : memref<100352xi32, #tpu.memory_space<vmem>>, vector<16xi32>,
          %xor3A = arith.constant -1 : i32
          %xor3A_67 = vector.broadcast %xor3A : i32 to vector<16xi32>
          %xor3A_68 = arith.xori %get3A_66, %xor3A_67 : vector<16xi32>
          %shift_right_logical3A = arith.constant 24 : i32
          %shift_right_logical3A_69 = vector.broadcast %shift_right_logical3A : i32 to vector<16xi32>
          %shift_right_logical3A_70 = arith.shrui %xor3A_68, %shift_right_logical3A_69 : vector<16xi32>
          %and3A = arith.constant 255 : i32
          %and3A_71 = vector.broadcast %and3A : i32 to vector<16xi32>
          %and3A_72 = arith.andi %shift_right_logical3A_70, %and3A_71 : vector<16xi32>
          %broadcast_in_dim3A = arith.constant true
          %broadcast_in_dim3A_73 = vector.broadcast %broadcast_in_dim3A : i1 to vector<16xi1>
          %unique3A, %unique3A_74 = tpu.scan_count mask(%broadcast_in_dim3A_73 : vector<16xi1>) value(%and3A_72 : vector<16xi32>) : vector<16xi1>, vector<16xi32>
          %gather3A = tpu.vector_load_idx %arg8[%and3A_72] : memref<256xi32, #tpu.memory_space<vmem>>[vector<16xi32>], vector<16xi32>,
          %add3A_75 = arith.addi %gather3A, %unique3A_74 : vector<16xi32>
          %sub3A = arith.constant 1 : i32
          %sub3A_76 = vector.broadcast %sub3A : i32 to vector<16xi32>
          %sub3A_77 = arith.subi %add3A_75, %sub3A_76 : vector<16xi32>
          %add3A_78 = vector.broadcast %mul3A_13 : i32 to vector<16xi32>
          %add3A_79 = arith.addi %sub3A_77, %add3A_78 : vector<16xi32>
          tpu.vector_store_idx %arg8[%and3A_72], %unique3A_74 masked %unique3A {add = true} : memref<256xi32, #tpu.memory_space<vmem>>[vector<16xi32>], vector<16xi32>, vector<16xi1>
          %mul3A_80 = arith.constant 16 : i32
          %mul3A_81 = arith.muli %add3A_60, %mul3A_80 : i32
          %swap3A = arith.index_cast %mul3A_81 : i32 to index
          %swap3A_82 = tpu.vector_load %arg5[%swap3A] {strides = array<i32>} : memref<2048xi32, #tpu.memory_space<vmem>>, vector<16xi32>,
          tpu.vector_store %arg5[%swap3A], %get3A_66 {strides = array<i32>} : memref<2048xi32, #tpu.memory_space<vmem>>, vector<16xi32>,
          %mul3A_83 = arith.constant 16 : i32
          %mul3A_84 = arith.muli %add3A_60, %mul3A_83 : i32
          %swap3A_85 = arith.index_cast %mul3A_84 : i32 to index
          %swap3A_86 = tpu.vector_load %arg6[%swap3A_85] {strides = array<i32>} : memref<2048xi32, #tpu.memory_space<vmem>>, vector<16xi32>,
          tpu.vector_store %arg6[%swap3A_85], %add3A_79 {strides = array<i32>} : memref<2048xi32, #tpu.memory_space<vmem>>, vector<16xi32>,
          %mul3A_87 = arith.constant 4 : i32
          %mul3A_88 = arith.muli %scan3A_55, %mul3A_87 : i32
          %add3A_89 = arith.constant 1 : i32
          %add3A_90 = arith.addi %mul3A_88, %add3A_89 : i32
          %mul3A_91 = arith.constant 128 : i32
          %mul3A_92 = arith.muli %scan3A_43, %mul3A_91 : i32
          %add3A_93 = arith.addi %mul3A_92, %add3A_90 : i32
          %mul3A_94 = arith.constant 16 : i32
          %mul3A_95 = arith.muli %add3A_93, %mul3A_94 : i32
          %get3A_96 = arith.index_cast %mul3A_95 : i32 to index
          %get3A_97 = tpu.vector_load %arg4[%get3A_96] {strides = array<i32>} : memref<100352xi32, #tpu.memory_space<vmem>>, vector<16xi32>,
          %xor3A_98 = arith.constant -1 : i32
          %xor3A_99 = vector.broadcast %xor3A_98 : i32 to vector<16xi32>
          %xor3A_100 = arith.xori %get3A_97, %xor3A_99 : vector<16xi32>
          %shift_right_logical3A_101 = arith.constant 24 : i32
          %shift_right_logical3A_102 = vector.broadcast %shift_right_logical3A_101 : i32 to vector<16xi32>
          %shift_right_logical3A_103 = arith.shrui %xor3A_100, %shift_right_logical3A_102 : vector<16xi32>
          %and3A_104 = arith.constant 255 : i32
          %and3A_105 = vector.broadcast %and3A_104 : i32 to vector<16xi32>
          %and3A_106 = arith.andi %shift_right_logical3A_103, %and3A_105 : vector<16xi32>
          %broadcast_in_dim3A_107 = arith.constant true
          %broadcast_in_dim3A_108 = vector.broadcast %broadcast_in_dim3A_107 : i1 to vector<16xi1>
          %unique3A_109, %unique3A_110 = tpu.scan_count mask(%broadcast_in_dim3A_108 : vector<16xi1>) value(%and3A_106 : vector<16xi32>) : vector<16xi1>, vector<16xi32>
          %gather3A_111 = tpu.vector_load_idx %arg8[%and3A_106] : memref<256xi32, #tpu.memory_space<vmem>>[vector<16xi32>], vector<16xi32>,
          %add3A_112 = arith.addi %gather3A_111, %unique3A_110 : vector<16xi32>
          %sub3A_113 = arith.constant 1 : i32
          %sub3A_114 = vector.broadcast %sub3A_113 : i32 to vector<16xi32>
          %sub3A_115 = arith.subi %add3A_112, %sub3A_114 : vector<16xi32>
          %add3A_116 = vector.broadcast %mul3A_13 : i32 to vector<16xi32>
          %add3A_117 = arith.addi %sub3A_115, %add3A_116 : vector<16xi32>
          tpu.vector_store_idx %arg8[%and3A_106], %unique3A_110 masked %unique3A_109 {add = true} : memref<256xi32, #tpu.memory_space<vmem>>[vector<16xi32>], vector<16xi32>, vector<16xi1>
          %mul3A_118 = arith.constant 16 : i32
          %mul3A_119 = arith.muli %add3A_90, %mul3A_118 : i32
          %swap3A_120 = arith.index_cast %mul3A_119 : i32 to index
          %swap3A_121 = tpu.vector_load %arg5[%swap3A_120] {strides = array<i32>} : memref<2048xi32, #tpu.memory_space<vmem>>, vector<16xi32>,
          tpu.vector_store %arg5[%swap3A_120], %get3A_97 {strides = array<i32>} : memref<2048xi32, #tpu.memory_space<vmem>>, vector<16xi32>,
          %mul3A_122 = arith.constant 16 : i32
          %mul3A_123 = arith.muli %add3A_90, %mul3A_122 : i32
          %swap3A_124 = arith.index_cast %mul3A_123 : i32 to index
          %swap3A_125 = tpu.vector_load %arg6[%swap3A_124] {strides = array<i32>} : memref<2048xi32, #tpu.memory_space<vmem>>, vector<16xi32>,
          tpu.vector_store %arg6[%swap3A_124], %add3A_117 {strides = array<i32>} : memref<2048xi32, #tpu.memory_space<vmem>>, vector<16xi32>,
          %mul3A_126 = arith.constant 4 : i32
          %mul3A_127 = arith.muli %scan3A_55, %mul3A_126 : i32
          %add3A_128 = arith.constant 2 : i32
          %add3A_129 = arith.addi %mul3A_127, %add3A_128 : i32
          %mul3A_130 = arith.constant 128 : i32
          %mul3A_131 = arith.muli %scan3A_43, %mul3A_130 : i32
          %add3A_132 = arith.addi %mul3A_131, %add3A_129 : i32
          %mul3A_133 = arith.constant 16 : i32
          %mul3A_134 = arith.muli %add3A_132, %mul3A_133 : i32
          %get3A_135 = arith.index_cast %mul3A_134 : i32 to index
          %get3A_136 = tpu.vector_load %arg4[%get3A_135] {strides = array<i32>} : memref<100352xi32, #tpu.memory_space<vmem>>, vector<16xi32>,
          %xor3A_137 = arith.constant -1 : i32
          %xor3A_138 = vector.broadcast %xor3A_137 : i32 to vector<16xi32>
          %xor3A_139 = arith.xori %get3A_136, %xor3A_138 : vector<16xi32>
          %shift_right_logical3A_140 = arith.constant 24 : i32
          %shift_right_logical3A_141 = vector.broadcast %shift_right_logical3A_140 : i32 to vector<16xi32>
          %shift_right_logical3A_142 = arith.shrui %xor3A_139, %shift_right_logical3A_141 : vector<16xi32>
          %and3A_143 = arith.constant 255 : i32
          %and3A_144 = vector.broadcast %and3A_143 : i32 to vector<16xi32>
          %and3A_145 = arith.andi %shift_right_logical3A_142, %and3A_144 : vector<16xi32>
          %broadcast_in_dim3A_146 = arith.constant true
          %broadcast_in_dim3A_147 = vector.broadcast %broadcast_in_dim3A_146 : i1 to vector<16xi1>
          %unique3A_148, %unique3A_149 = tpu.scan_count mask(%broadcast_in_dim3A_147 : vector<16xi1>) value(%and3A_145 : vector<16xi32>) : vector<16xi1>, vector<16xi32>
          %gather3A_150 = tpu.vector_load_idx %arg8[%and3A_145] : memref<256xi32, #tpu.memory_space<vmem>>[vector<16xi32>], vector<16xi32>,
          %add3A_151 = arith.addi %gather3A_150, %unique3A_149 : vector<16xi32>
          %sub3A_152 = arith.constant 1 : i32
          %sub3A_153 = vector.broadcast %sub3A_152 : i32 to vector<16xi32>
          %sub3A_154 = arith.subi %add3A_151, %sub3A_153 : vector<16xi32>
          %add3A_155 = vector.broadcast %mul3A_13 : i32 to vector<16xi32>
          %add3A_156 = arith.addi %sub3A_154, %add3A_155 : vector<16xi32>
          tpu.vector_store_idx %arg8[%and3A_145], %unique3A_149 masked %unique3A_148 {add = true} : memref<256xi32, #tpu.memory_space<vmem>>[vector<16xi32>], vector<16xi32>, vector<16xi1>
          %mul3A_157 = arith.constant 16 : i32
          %mul3A_158 = arith.muli %add3A_129, %mul3A_157 : i32
          %swap3A_159 = arith.index_cast %mul3A_158 : i32 to index
          %swap3A_160 = tpu.vector_load %arg5[%swap3A_159] {strides = array<i32>} : memref<2048xi32, #tpu.memory_space<vmem>>, vector<16xi32>,
          tpu.vector_store %arg5[%swap3A_159], %get3A_136 {strides = array<i32>} : memref<2048xi32, #tpu.memory_space<vmem>>, vector<16xi32>,
          %mul3A_161 = arith.constant 16 : i32
          %mul3A_162 = arith.muli %add3A_129, %mul3A_161 : i32
          %swap3A_163 = arith.index_cast %mul3A_162 : i32 to index
          %swap3A_164 = tpu.vector_load %arg6[%swap3A_163] {strides = array<i32>} : memref<2048xi32, #tpu.memory_space<vmem>>, vector<16xi32>,
          tpu.vector_store %arg6[%swap3A_163], %add3A_156 {strides = array<i32>} : memref<2048xi32, #tpu.memory_space<vmem>>, vector<16xi32>,
          %mul3A_165 = arith.constant 4 : i32
          %mul3A_166 = arith.muli %scan3A_55, %mul3A_165 : i32
          %add3A_167 = arith.constant 3 : i32
          %add3A_168 = arith.addi %mul3A_166, %add3A_167 : i32
          %mul3A_169 = arith.constant 128 : i32
          %mul3A_170 = arith.muli %scan3A_43, %mul3A_169 : i32
          %add3A_171 = arith.addi %mul3A_170, %add3A_168 : i32
          %mul3A_172 = arith.constant 16 : i32
          %mul3A_173 = arith.muli %add3A_171, %mul3A_172 : i32
          %get3A_174 = arith.index_cast %mul3A_173 : i32 to index
          %get3A_175 = tpu.vector_load %arg4[%get3A_174] {strides = array<i32>} : memref<100352xi32, #tpu.memory_space<vmem>>, vector<16xi32>,
          %xor3A_176 = arith.constant -1 : i32
          %xor3A_177 = vector.broadcast %xor3A_176 : i32 to vector<16xi32>
          %xor3A_178 = arith.xori %get3A_175, %xor3A_177 : vector<16xi32>
          %shift_right_logical3A_179 = arith.constant 24 : i32
          %shift_right_logical3A_180 = vector.broadcast %shift_right_logical3A_179 : i32 to vector<16xi32>
          %shift_right_logical3A_181 = arith.shrui %xor3A_178, %shift_right_logical3A_180 : vector<16xi32>
          %and3A_182 = arith.constant 255 : i32
          %and3A_183 = vector.broadcast %and3A_182 : i32 to vector<16xi32>
          %and3A_184 = arith.andi %shift_right_logical3A_181, %and3A_183 : vector<16xi32>
          %broadcast_in_dim3A_185 = arith.constant true
          %broadcast_in_dim3A_186 = vector.broadcast %broadcast_in_dim3A_185 : i1 to vector<16xi1>
          %unique3A_187, %unique3A_188 = tpu.scan_count mask(%broadcast_in_dim3A_186 : vector<16xi1>) value(%and3A_184 : vector<16xi32>) : vector<16xi1>, vector<16xi32>
          %gather3A_189 = tpu.vector_load_idx %arg8[%and3A_184] : memref<256xi32, #tpu.memory_space<vmem>>[vector<16xi32>], vector<16xi32>,
          %add3A_190 = arith.addi %gather3A_189, %unique3A_188 : vector<16xi32>
          %sub3A_191 = arith.constant 1 : i32
          %sub3A_192 = vector.broadcast %sub3A_191 : i32 to vector<16xi32>
          %sub3A_193 = arith.subi %add3A_190, %sub3A_192 : vector<16xi32>
          %add3A_194 = vector.broadcast %mul3A_13 : i32 to vector<16xi32>
          %add3A_195 = arith.addi %sub3A_193, %add3A_194 : vector<16xi32>
          tpu.vector_store_idx %arg8[%and3A_184], %unique3A_188 masked %unique3A_187 {add = true} : memref<256xi32, #tpu.memory_space<vmem>>[vector<16xi32>], vector<16xi32>, vector<16xi1>
          %mul3A_196 = arith.constant 16 : i32
          %mul3A_197 = arith.muli %add3A_168, %mul3A_196 : i32
          %swap3A_198 = arith.index_cast %mul3A_197 : i32 to index
          %swap3A_199 = tpu.vector_load %arg5[%swap3A_198] {strides = array<i32>} : memref<2048xi32, #tpu.memory_space<vmem>>, vector<16xi32>,
          tpu.vector_store %arg5[%swap3A_198], %get3A_175 {strides = array<i32>} : memref<2048xi32, #tpu.memory_space<vmem>>, vector<16xi32>,
          %mul3A_200 = arith.constant 16 : i32
          %mul3A_201 = arith.muli %add3A_168, %mul3A_200 : i32
          %swap3A_202 = arith.index_cast %mul3A_201 : i32 to index
          %swap3A_203 = tpu.vector_load %arg6[%swap3A_202] {strides = array<i32>} : memref<2048xi32, #tpu.memory_space<vmem>>, vector<16xi32>,
          tpu.vector_store %arg6[%swap3A_202], %add3A_195 {strides = array<i32>} : memref<2048xi32, #tpu.memory_space<vmem>>, vector<16xi32>,
          %scan3A_204 = arith.constant 0 : i32
          scf.yield %scan3A_204 : i32
        }
        %scan3A_51 = arith.constant 32 : i32
        %dma_start3A = arith.constant 0 : i32
        %dma_start3A_52 = tpu.memref_slice %arg3[%dma_start3A] : memref<12845056xi32, #tpu.memory_space<hbm>> -> memref<12845056xi32, #tpu.memory_space<hbm>>
        tpu.enqueue_indirect_dma source(%arg5 : memref<2048xi32, #tpu.memory_space<vmem>>) target(%dma_start3A_52 : memref<12845056xi32, #tpu.memory_space<hbm>>) offsets(%arg6 : memref<2048xi32, #tpu.memory_space<vmem>>) semaphore(%arg9 : memref<!tpu.dma_semaphore, #tpu.memory_space<semaphore_mem>>)
        %dma_wait3A = arith.constant 0 : i32
        %dma_wait3A_53 = tpu.memref_slice %arg3[%dma_wait3A] : memref<12845056xi32, #tpu.memory_space<hbm>> -> memref<12845056xi32, #tpu.memory_space<hbm>>
        tpu.wait_indirect_dma semaphore(%arg9 : memref<!tpu.dma_semaphore, #tpu.memory_space<semaphore_mem>>) src(%arg5 : memref<2048xi32, #tpu.memory_space<vmem>>) dst(%dma_wait3A_53 : memref<12845056xi32, #tpu.memory_space<hbm>>)
        %scan3A_54 = arith.constant 0 : i32
        scf.yield %scan3A_54 : i32
      }
      %scan3A_41 = arith.constant 49 : i32
      %scan3A_42 = arith.constant 0 : i32
      scf.yield %scan3A_42 : i32
    }
    %scan3A_6 = arith.constant 4 : i32
    return
  }
}

module attributes {stable_mosaic.version = 14 : i64} {
  func.func @_sample_body(%arg0: i32, %arg1: memref<8x100000xf32, #tpu.memory_space<vmem>>, %arg2: memref<8x100000xf32, #tpu.memory_space<vmem>>, %arg3: memref<8x100000xf32, #tpu.memory_space<vmem>>, %arg4: memref<8x128xi32, #tpu.memory_space<vmem>>) attributes {dimension_semantics = [#tpu.dimension_semantics<arbitrary>], iteration_bounds = array<i64: 16>, scalar_prefetch = 0 : i64, scratch_operands = 0 : i64, tpu.core_type = #tpu.core_type<tc>, window_params = [{transform_indices = @transform_0, window_bounds = array<i64: 8, 100000>}, {transform_indices = @transform_1, window_bounds = array<i64: 8, 100000>}, {transform_indices = @transform_2, window_bounds = array<i64: 8, 100000>}, {transform_indices = @transform_3, window_bounds = array<i64: 8, 128>}]} {
    %get3A = arith.constant 0 : index
    %get3A_0 = arith.constant 0 : index
    %get3A_1 = vector.load %arg2[%get3A, %get3A_0] : memref<8x100000xf32, #tpu.memory_space<vmem>>, vector<8x100000xf32>
    %broadcast_in_dim3A = arith.constant 0.000000e+00 : f32
    %broadcast_in_dim3A_2 = vector.broadcast %broadcast_in_dim3A : f32 to vector<8x1xf32>
    %slice3A = vector.extract_strided_slice %get3A_1 {offsets = [0, 0], sizes = [8, 99999], strides = [1, 1]} : vector<8x100000xf32> to vector<8x99999xf32>
    %concatenate3A = tpu.concatenate %broadcast_in_dim3A_2, %slice3A in 1 : vector<8x1xf32>, vector<8x99999xf32> -> vector<8x100000xf32>
    %add3A = arith.addf %get3A_1, %concatenate3A : vector<8x100000xf32>
    %broadcast_in_dim3A_3 = arith.constant 0.000000e+00 : f32
    %broadcast_in_dim3A_4 = vector.broadcast %broadcast_in_dim3A_3 : f32 to vector<8x2xf32>
    %slice3A_5 = vector.extract_strided_slice %add3A {offsets = [0, 0], sizes = [8, 99998], strides = [1, 1]} : vector<8x100000xf32> to vector<8x99998xf32>
    %concatenate3A_6 = tpu.concatenate %broadcast_in_dim3A_4, %slice3A_5 in 1 : vector<8x2xf32>, vector<8x99998xf32> -> vector<8x100000xf32>
    %add3A_7 = arith.addf %add3A, %concatenate3A_6 : vector<8x100000xf32>
    %broadcast_in_dim3A_8 = arith.constant 0.000000e+00 : f32
    %broadcast_in_dim3A_9 = vector.broadcast %broadcast_in_dim3A_8 : f32 to vector<8x4xf32>
    %slice3A_10 = vector.extract_strided_slice %add3A_7 {offsets = [0, 0], sizes = [8, 99996], strides = [1, 1]} : vector<8x100000xf32> to vector<8x99996xf32>
    %concatenate3A_11 = tpu.concatenate %broadcast_in_dim3A_9, %slice3A_10 in 1 : vector<8x4xf32>, vector<8x99996xf32> -> vector<8x100000xf32>
    %add3A_12 = arith.addf %add3A_7, %concatenate3A_11 : vector<8x100000xf32>
    %broadcast_in_dim3A_13 = arith.constant 0.000000e+00 : f32
    %broadcast_in_dim3A_14 = vector.broadcast %broadcast_in_dim3A_13 : f32 to vector<8x8xf32>
    %slice3A_15 = vector.extract_strided_slice %add3A_12 {offsets = [0, 0], sizes = [8, 99992], strides = [1, 1]} : vector<8x100000xf32> to vector<8x99992xf32>
    %concatenate3A_16 = tpu.concatenate %broadcast_in_dim3A_14, %slice3A_15 in 1 : vector<8x8xf32>, vector<8x99992xf32> -> vector<8x100000xf32>
    %add3A_17 = arith.addf %add3A_12, %concatenate3A_16 : vector<8x100000xf32>
    %broadcast_in_dim3A_18 = arith.constant 0.000000e+00 : f32
    %broadcast_in_dim3A_19 = vector.broadcast %broadcast_in_dim3A_18 : f32 to vector<8x16xf32>
    %slice3A_20 = vector.extract_strided_slice %add3A_17 {offsets = [0, 0], sizes = [8, 99984], strides = [1, 1]} : vector<8x100000xf32> to vector<8x99984xf32>
    %concatenate3A_21 = tpu.concatenate %broadcast_in_dim3A_19, %slice3A_20 in 1 : vector<8x16xf32>, vector<8x99984xf32> -> vector<8x100000xf32>
    %add3A_22 = arith.addf %add3A_17, %concatenate3A_21 : vector<8x100000xf32>
    %broadcast_in_dim3A_23 = arith.constant 0.000000e+00 : f32
    %broadcast_in_dim3A_24 = vector.broadcast %broadcast_in_dim3A_23 : f32 to vector<8x32xf32>
    %slice3A_25 = vector.extract_strided_slice %add3A_22 {offsets = [0, 0], sizes = [8, 99968], strides = [1, 1]} : vector<8x100000xf32> to vector<8x99968xf32>
    %concatenate3A_26 = tpu.concatenate %broadcast_in_dim3A_24, %slice3A_25 in 1 : vector<8x32xf32>, vector<8x99968xf32> -> vector<8x100000xf32>
    %add3A_27 = arith.addf %add3A_22, %concatenate3A_26 : vector<8x100000xf32>
    %broadcast_in_dim3A_28 = arith.constant 0.000000e+00 : f32
    %broadcast_in_dim3A_29 = vector.broadcast %broadcast_in_dim3A_28 : f32 to vector<8x64xf32>
    %slice3A_30 = vector.extract_strided_slice %add3A_27 {offsets = [0, 0], sizes = [8, 99936], strides = [1, 1]} : vector<8x100000xf32> to vector<8x99936xf32>
    %concatenate3A_31 = tpu.concatenate %broadcast_in_dim3A_29, %slice3A_30 in 1 : vector<8x64xf32>, vector<8x99936xf32> -> vector<8x100000xf32>
    %add3A_32 = arith.addf %add3A_27, %concatenate3A_31 : vector<8x100000xf32>
    %broadcast_in_dim3A_33 = arith.constant 0.000000e+00 : f32
    %broadcast_in_dim3A_34 = vector.broadcast %broadcast_in_dim3A_33 : f32 to vector<8x128xf32>
    %slice3A_35 = vector.extract_strided_slice %add3A_32 {offsets = [0, 0], sizes = [8, 99872], strides = [1, 1]} : vector<8x100000xf32> to vector<8x99872xf32>
    %concatenate3A_36 = tpu.concatenate %broadcast_in_dim3A_34, %slice3A_35 in 1 : vector<8x128xf32>, vector<8x99872xf32> -> vector<8x100000xf32>
    %add3A_37 = arith.addf %add3A_32, %concatenate3A_36 : vector<8x100000xf32>
    %broadcast_in_dim3A_38 = arith.constant 0.000000e+00 : f32
    %broadcast_in_dim3A_39 = vector.broadcast %broadcast_in_dim3A_38 : f32 to vector<8x256xf32>
    %slice3A_40 = vector.extract_strided_slice %add3A_37 {offsets = [0, 0], sizes = [8, 99744], strides = [1, 1]} : vector<8x100000xf32> to vector<8x99744xf32>
    %concatenate3A_41 = tpu.concatenate %broadcast_in_dim3A_39, %slice3A_40 in 1 : vector<8x256xf32>, vector<8x99744xf32> -> vector<8x100000xf32>
    %add3A_42 = arith.addf %add3A_37, %concatenate3A_41 : vector<8x100000xf32>
    %broadcast_in_dim3A_43 = arith.constant 0.000000e+00 : f32
    %broadcast_in_dim3A_44 = vector.broadcast %broadcast_in_dim3A_43 : f32 to vector<8x512xf32>
    %slice3A_45 = vector.extract_strided_slice %add3A_42 {offsets = [0, 0], sizes = [8, 99488], strides = [1, 1]} : vector<8x100000xf32> to vector<8x99488xf32>
    %concatenate3A_46 = tpu.concatenate %broadcast_in_dim3A_44, %slice3A_45 in 1 : vector<8x512xf32>, vector<8x99488xf32> -> vector<8x100000xf32>
    %add3A_47 = arith.addf %add3A_42, %concatenate3A_46 : vector<8x100000xf32>
    %broadcast_in_dim3A_48 = arith.constant 0.000000e+00 : f32
    %broadcast_in_dim3A_49 = vector.broadcast %broadcast_in_dim3A_48 : f32 to vector<8x1024xf32>
    %slice3A_50 = vector.extract_strided_slice %add3A_47 {offsets = [0, 0], sizes = [8, 98976], strides = [1, 1]} : vector<8x100000xf32> to vector<8x98976xf32>
    %concatenate3A_51 = tpu.concatenate %broadcast_in_dim3A_49, %slice3A_50 in 1 : vector<8x1024xf32>, vector<8x98976xf32> -> vector<8x100000xf32>
    %add3A_52 = arith.addf %add3A_47, %concatenate3A_51 : vector<8x100000xf32>
    %broadcast_in_dim3A_53 = arith.constant 0.000000e+00 : f32
    %broadcast_in_dim3A_54 = vector.broadcast %broadcast_in_dim3A_53 : f32 to vector<8x2048xf32>
    %slice3A_55 = vector.extract_strided_slice %add3A_52 {offsets = [0, 0], sizes = [8, 97952], strides = [1, 1]} : vector<8x100000xf32> to vector<8x97952xf32>
    %concatenate3A_56 = tpu.concatenate %broadcast_in_dim3A_54, %slice3A_55 in 1 : vector<8x2048xf32>, vector<8x97952xf32> -> vector<8x100000xf32>
    %add3A_57 = arith.addf %add3A_52, %concatenate3A_56 : vector<8x100000xf32>
    %broadcast_in_dim3A_58 = arith.constant 0.000000e+00 : f32
    %broadcast_in_dim3A_59 = vector.broadcast %broadcast_in_dim3A_58 : f32 to vector<8x4096xf32>
    %slice3A_60 = vector.extract_strided_slice %add3A_57 {offsets = [0, 0], sizes = [8, 95904], strides = [1, 1]} : vector<8x100000xf32> to vector<8x95904xf32>
    %concatenate3A_61 = tpu.concatenate %broadcast_in_dim3A_59, %slice3A_60 in 1 : vector<8x4096xf32>, vector<8x95904xf32> -> vector<8x100000xf32>
    %add3A_62 = arith.addf %add3A_57, %concatenate3A_61 : vector<8x100000xf32>
    %broadcast_in_dim3A_63 = arith.constant 0.000000e+00 : f32
    %broadcast_in_dim3A_64 = vector.broadcast %broadcast_in_dim3A_63 : f32 to vector<8x8192xf32>
    %slice3A_65 = vector.extract_strided_slice %add3A_62 {offsets = [0, 0], sizes = [8, 91808], strides = [1, 1]} : vector<8x100000xf32> to vector<8x91808xf32>
    %concatenate3A_66 = tpu.concatenate %broadcast_in_dim3A_64, %slice3A_65 in 1 : vector<8x8192xf32>, vector<8x91808xf32> -> vector<8x100000xf32>
    %add3A_67 = arith.addf %add3A_62, %concatenate3A_66 : vector<8x100000xf32>
    %broadcast_in_dim3A_68 = arith.constant 0.000000e+00 : f32
    %broadcast_in_dim3A_69 = vector.broadcast %broadcast_in_dim3A_68 : f32 to vector<8x16384xf32>
    %slice3A_70 = vector.extract_strided_slice %add3A_67 {offsets = [0, 0], sizes = [8, 83616], strides = [1, 1]} : vector<8x100000xf32> to vector<8x83616xf32>
    %concatenate3A_71 = tpu.concatenate %broadcast_in_dim3A_69, %slice3A_70 in 1 : vector<8x16384xf32>, vector<8x83616xf32> -> vector<8x100000xf32>
    %add3A_72 = arith.addf %add3A_67, %concatenate3A_71 : vector<8x100000xf32>
    %broadcast_in_dim3A_73 = arith.constant 0.000000e+00 : f32
    %broadcast_in_dim3A_74 = vector.broadcast %broadcast_in_dim3A_73 : f32 to vector<8x32768xf32>
    %slice3A_75 = vector.extract_strided_slice %add3A_72 {offsets = [0, 0], sizes = [8, 67232], strides = [1, 1]} : vector<8x100000xf32> to vector<8x67232xf32>
    %concatenate3A_76 = tpu.concatenate %broadcast_in_dim3A_74, %slice3A_75 in 1 : vector<8x32768xf32>, vector<8x67232xf32> -> vector<8x100000xf32>
    %add3A_77 = arith.addf %add3A_72, %concatenate3A_76 : vector<8x100000xf32>
    %broadcast_in_dim3A_78 = arith.constant 0.000000e+00 : f32
    %broadcast_in_dim3A_79 = vector.broadcast %broadcast_in_dim3A_78 : f32 to vector<8x65536xf32>
    %slice3A_80 = vector.extract_strided_slice %add3A_77 {offsets = [0, 0], sizes = [8, 34464], strides = [1, 1]} : vector<8x100000xf32> to vector<8x34464xf32>
    %concatenate3A_81 = tpu.concatenate %broadcast_in_dim3A_79, %slice3A_80 in 1 : vector<8x65536xf32>, vector<8x34464xf32> -> vector<8x100000xf32>
    %add3A_82 = arith.addf %add3A_77, %concatenate3A_81 : vector<8x100000xf32>
    %sub3A = arith.subf %add3A_82, %get3A_1 : vector<8x100000xf32>
    %gt3A = arith.constant 0.899999976 : f32
    %gt3A_83 = vector.broadcast %gt3A : f32 to vector<8x100000xf32>
    %gt3A_84 = arith.cmpf ogt, %sub3A, %gt3A_83 : vector<8x100000xf32>
    %jit3A = arith.constant 0.000000e+00 : f32
    %broadcast_in_dim3A_85 = vector.broadcast %jit3A : f32 to vector<8x100000xf32>
    %select_n3A = arith.select %gt3A_84, %broadcast_in_dim3A_85, %get3A_1 : vector<8x100000xi1>, vector<8x100000xf32>
    %reduce_sum3A = arith.constant dense<0.000000e+00> : vector<8xf32>
    %reduce_sum3A_86 = vector.multi_reduction <add>, %select_n3A, %reduce_sum3A [1] : vector<8x100000xf32> to vector<8xf32>
    %broadcast_in_dim3A_87 = vector.shape_cast %reduce_sum3A_86 : vector<8xf32> to vector<8x1xf32>
    %div3A = vector.broadcast %broadcast_in_dim3A_87 : vector<8x1xf32> to vector<8x100000xf32>
    %div3A_88 = arith.divf %select_n3A, %div3A : vector<8x100000xf32>
    %add3A_89 = arith.constant 9.99999968E-21 : f32
    %add3A_90 = vector.broadcast %add3A_89 : f32 to vector<8x100000xf32>
    %add3A_91 = arith.addf %div3A_88, %add3A_90 : vector<8x100000xf32>
    %log3A = math.log %add3A_91 : vector<8x100000xf32>
    %get3A_92 = arith.constant 0 : index
    %get3A_93 = arith.constant 0 : index
    %get3A_94 = vector.load %arg3[%get3A_92, %get3A_93] : memref<8x100000xf32, #tpu.memory_space<vmem>>, vector<8x100000xf32>
    %add3A_95 = arith.addf %log3A, %get3A_94 : vector<8x100000xf32>
    %iota3A = tpu.iota {dimensions = array<i32: 1>} : vector<8x100000xi32>
    %reduce_max3A = arith.constant dense<0xFF800000> : vector<8xf32>
    %reduce_max3A_96 = vector.multi_reduction <maximumf>, %add3A_95, %reduce_max3A [1] : vector<8x100000xf32> to vector<8xf32>
    %broadcast_in_dim3A_97 = vector.shape_cast %reduce_max3A_96 : vector<8xf32> to vector<8x1xf32>
    %eq3A = vector.broadcast %broadcast_in_dim3A_97 : vector<8x1xf32> to vector<8x100000xf32>
    %eq3A_98 = arith.cmpf oeq, %add3A_95, %eq3A : vector<8x100000xf32>
    %jit3A_99 = arith.constant 1073741824 : i32
    %broadcast_in_dim3A_100 = vector.broadcast %jit3A_99 : i32 to vector<8x100000xi32>
    %select_n3A_101 = arith.select %eq3A_98, %iota3A, %broadcast_in_dim3A_100 : vector<8x100000xi1>, vector<8x100000xi32>
    %reduce_min3A = arith.constant dense<2147483647> : vector<8xi32>
    %reduce_min3A_102 = vector.multi_reduction <minsi>, %select_n3A_101, %reduce_min3A [1] : vector<8x100000xi32> to vector<8xi32>
    %broadcast_in_dim3A_103 = vector.shape_cast %reduce_min3A_102 : vector<8xi32> to vector<8x1xi32>
    %eq3A_104 = vector.broadcast %broadcast_in_dim3A_103 : vector<8x1xi32> to vector<8x100000xi32>
    %eq3A_105 = arith.cmpi eq, %iota3A, %eq3A_104 : vector<8x100000xi32>
    %jit3A_106 = arith.constant 0.000000e+00 : f32
    %broadcast_in_dim3A_107 = vector.broadcast %jit3A_106 : f32 to vector<8x100000xf32>
    %select_n3A_108 = arith.select %eq3A_105, %get3A_1, %broadcast_in_dim3A_107 : vector<8x100000xi1>, vector<8x100000xf32>
    %reduce_sum3A_109 = arith.constant dense<0.000000e+00> : vector<8xf32>
    %reduce_sum3A_110 = vector.multi_reduction <add>, %select_n3A_108, %reduce_sum3A_109 [1] : vector<8x100000xf32> to vector<8xf32>
    %broadcast_in_dim3A_111 = vector.shape_cast %reduce_sum3A_110 : vector<8xf32> to vector<8x1xf32>
    %get3A_112 = arith.constant 0 : index
    %get3A_113 = arith.constant 0 : index
    %get3A_114 = vector.load %arg1[%get3A_112, %get3A_113] : memref<8x100000xf32, #tpu.memory_space<vmem>>, vector<8x100000xf32>
    %gt3A_115 = vector.broadcast %broadcast_in_dim3A_111 : vector<8x1xf32> to vector<8x100000xf32>
    %gt3A_116 = arith.cmpf ogt, %get3A_114, %gt3A_115 : vector<8x100000xf32>
    %convert_element_type3A = arith.extui %gt3A_116 : vector<8x100000xi1> to vector<8x100000xi32>
    %reduce_sum3A_117 = arith.constant dense<0> : vector<8xi32>
    %reduce_sum3A_118 = vector.multi_reduction <add>, %convert_element_type3A, %reduce_sum3A_117 [1] : vector<8x100000xi32> to vector<8xi32>
    %broadcast_in_dim3A_119 = vector.shape_cast %reduce_sum3A_118 : vector<8xi32> to vector<8x1xi32>
    %sub3A_120 = arith.subi %broadcast_in_dim3A_103, %broadcast_in_dim3A_119 : vector<8x1xi32>
    %eq3A_121 = vector.broadcast %broadcast_in_dim3A_111 : vector<8x1xf32> to vector<8x100000xf32>
    %eq3A_122 = arith.cmpf oeq, %get3A_114, %eq3A_121 : vector<8x100000xf32>
    %convert_element_type3A_123 = arith.extui %eq3A_122 : vector<8x100000xi1> to vector<8x100000xi32>
    %broadcast_in_dim3A_124 = arith.constant 0 : i32
    %broadcast_in_dim3A_125 = vector.broadcast %broadcast_in_dim3A_124 : i32 to vector<8x1xi32>
    %slice3A_126 = vector.extract_strided_slice %convert_element_type3A_123 {offsets = [0, 0], sizes = [8, 99999], strides = [1, 1]} : vector<8x100000xi32> to vector<8x99999xi32>
    %concatenate3A_127 = tpu.concatenate %broadcast_in_dim3A_125, %slice3A_126 in 1 : vector<8x1xi32>, vector<8x99999xi32> -> vector<8x100000xi32>
    %add3A_128 = arith.addi %convert_element_type3A_123, %concatenate3A_127 : vector<8x100000xi32>
    %broadcast_in_dim3A_129 = arith.constant 0 : i32
    %broadcast_in_dim3A_130 = vector.broadcast %broadcast_in_dim3A_129 : i32 to vector<8x2xi32>
    %slice3A_131 = vector.extract_strided_slice %add3A_128 {offsets = [0, 0], sizes = [8, 99998], strides = [1, 1]} : vector<8x100000xi32> to vector<8x99998xi32>
    %concatenate3A_132 = tpu.concatenate %broadcast_in_dim3A_130, %slice3A_131 in 1 : vector<8x2xi32>, vector<8x99998xi32> -> vector<8x100000xi32>
    %add3A_133 = arith.addi %add3A_128, %concatenate3A_132 : vector<8x100000xi32>
    %broadcast_in_dim3A_134 = arith.constant 0 : i32
    %broadcast_in_dim3A_135 = vector.broadcast %broadcast_in_dim3A_134 : i32 to vector<8x4xi32>
    %slice3A_136 = vector.extract_strided_slice %add3A_133 {offsets = [0, 0], sizes = [8, 99996], strides = [1, 1]} : vector<8x100000xi32> to vector<8x99996xi32>
    %concatenate3A_137 = tpu.concatenate %broadcast_in_dim3A_135, %slice3A_136 in 1 : vector<8x4xi32>, vector<8x99996xi32> -> vector<8x100000xi32>
    %add3A_138 = arith.addi %add3A_133, %concatenate3A_137 : vector<8x100000xi32>
    %broadcast_in_dim3A_139 = arith.constant 0 : i32
    %broadcast_in_dim3A_140 = vector.broadcast %broadcast_in_dim3A_139 : i32 to vector<8x8xi32>
    %slice3A_141 = vector.extract_strided_slice %add3A_138 {offsets = [0, 0], sizes = [8, 99992], strides = [1, 1]} : vector<8x100000xi32> to vector<8x99992xi32>
    %concatenate3A_142 = tpu.concatenate %broadcast_in_dim3A_140, %slice3A_141 in 1 : vector<8x8xi32>, vector<8x99992xi32> -> vector<8x100000xi32>
    %add3A_143 = arith.addi %add3A_138, %concatenate3A_142 : vector<8x100000xi32>
    %broadcast_in_dim3A_144 = arith.constant 0 : i32
    %broadcast_in_dim3A_145 = vector.broadcast %broadcast_in_dim3A_144 : i32 to vector<8x16xi32>
    %slice3A_146 = vector.extract_strided_slice %add3A_143 {offsets = [0, 0], sizes = [8, 99984], strides = [1, 1]} : vector<8x100000xi32> to vector<8x99984xi32>
    %concatenate3A_147 = tpu.concatenate %broadcast_in_dim3A_145, %slice3A_146 in 1 : vector<8x16xi32>, vector<8x99984xi32> -> vector<8x100000xi32>
    %add3A_148 = arith.addi %add3A_143, %concatenate3A_147 : vector<8x100000xi32>
    %broadcast_in_dim3A_149 = arith.constant 0 : i32
    %broadcast_in_dim3A_150 = vector.broadcast %broadcast_in_dim3A_149 : i32 to vector<8x32xi32>
    %slice3A_151 = vector.extract_strided_slice %add3A_148 {offsets = [0, 0], sizes = [8, 99968], strides = [1, 1]} : vector<8x100000xi32> to vector<8x99968xi32>
    %concatenate3A_152 = tpu.concatenate %broadcast_in_dim3A_150, %slice3A_151 in 1 : vector<8x32xi32>, vector<8x99968xi32> -> vector<8x100000xi32>
    %add3A_153 = arith.addi %add3A_148, %concatenate3A_152 : vector<8x100000xi32>
    %broadcast_in_dim3A_154 = arith.constant 0 : i32
    %broadcast_in_dim3A_155 = vector.broadcast %broadcast_in_dim3A_154 : i32 to vector<8x64xi32>
    %slice3A_156 = vector.extract_strided_slice %add3A_153 {offsets = [0, 0], sizes = [8, 99936], strides = [1, 1]} : vector<8x100000xi32> to vector<8x99936xi32>
    %concatenate3A_157 = tpu.concatenate %broadcast_in_dim3A_155, %slice3A_156 in 1 : vector<8x64xi32>, vector<8x99936xi32> -> vector<8x100000xi32>
    %add3A_158 = arith.addi %add3A_153, %concatenate3A_157 : vector<8x100000xi32>
    %broadcast_in_dim3A_159 = arith.constant 0 : i32
    %broadcast_in_dim3A_160 = vector.broadcast %broadcast_in_dim3A_159 : i32 to vector<8x128xi32>
    %slice3A_161 = vector.extract_strided_slice %add3A_158 {offsets = [0, 0], sizes = [8, 99872], strides = [1, 1]} : vector<8x100000xi32> to vector<8x99872xi32>
    %concatenate3A_162 = tpu.concatenate %broadcast_in_dim3A_160, %slice3A_161 in 1 : vector<8x128xi32>, vector<8x99872xi32> -> vector<8x100000xi32>
    %add3A_163 = arith.addi %add3A_158, %concatenate3A_162 : vector<8x100000xi32>
    %broadcast_in_dim3A_164 = arith.constant 0 : i32
    %broadcast_in_dim3A_165 = vector.broadcast %broadcast_in_dim3A_164 : i32 to vector<8x256xi32>
    %slice3A_166 = vector.extract_strided_slice %add3A_163 {offsets = [0, 0], sizes = [8, 99744], strides = [1, 1]} : vector<8x100000xi32> to vector<8x99744xi32>
    %concatenate3A_167 = tpu.concatenate %broadcast_in_dim3A_165, %slice3A_166 in 1 : vector<8x256xi32>, vector<8x99744xi32> -> vector<8x100000xi32>
    %add3A_168 = arith.addi %add3A_163, %concatenate3A_167 : vector<8x100000xi32>
    %broadcast_in_dim3A_169 = arith.constant 0 : i32
    %broadcast_in_dim3A_170 = vector.broadcast %broadcast_in_dim3A_169 : i32 to vector<8x512xi32>
    %slice3A_171 = vector.extract_strided_slice %add3A_168 {offsets = [0, 0], sizes = [8, 99488], strides = [1, 1]} : vector<8x100000xi32> to vector<8x99488xi32>
    %concatenate3A_172 = tpu.concatenate %broadcast_in_dim3A_170, %slice3A_171 in 1 : vector<8x512xi32>, vector<8x99488xi32> -> vector<8x100000xi32>
    %add3A_173 = arith.addi %add3A_168, %concatenate3A_172 : vector<8x100000xi32>
    %broadcast_in_dim3A_174 = arith.constant 0 : i32
    %broadcast_in_dim3A_175 = vector.broadcast %broadcast_in_dim3A_174 : i32 to vector<8x1024xi32>
    %slice3A_176 = vector.extract_strided_slice %add3A_173 {offsets = [0, 0], sizes = [8, 98976], strides = [1, 1]} : vector<8x100000xi32> to vector<8x98976xi32>
    %concatenate3A_177 = tpu.concatenate %broadcast_in_dim3A_175, %slice3A_176 in 1 : vector<8x1024xi32>, vector<8x98976xi32> -> vector<8x100000xi32>
    %add3A_178 = arith.addi %add3A_173, %concatenate3A_177 : vector<8x100000xi32>
    %broadcast_in_dim3A_179 = arith.constant 0 : i32
    %broadcast_in_dim3A_180 = vector.broadcast %broadcast_in_dim3A_179 : i32 to vector<8x2048xi32>
    %slice3A_181 = vector.extract_strided_slice %add3A_178 {offsets = [0, 0], sizes = [8, 97952], strides = [1, 1]} : vector<8x100000xi32> to vector<8x97952xi32>
    %concatenate3A_182 = tpu.concatenate %broadcast_in_dim3A_180, %slice3A_181 in 1 : vector<8x2048xi32>, vector<8x97952xi32> -> vector<8x100000xi32>
    %add3A_183 = arith.addi %add3A_178, %concatenate3A_182 : vector<8x100000xi32>
    %broadcast_in_dim3A_184 = arith.constant 0 : i32
    %broadcast_in_dim3A_185 = vector.broadcast %broadcast_in_dim3A_184 : i32 to vector<8x4096xi32>
    %slice3A_186 = vector.extract_strided_slice %add3A_183 {offsets = [0, 0], sizes = [8, 95904], strides = [1, 1]} : vector<8x100000xi32> to vector<8x95904xi32>
    %concatenate3A_187 = tpu.concatenate %broadcast_in_dim3A_185, %slice3A_186 in 1 : vector<8x4096xi32>, vector<8x95904xi32> -> vector<8x100000xi32>
    %add3A_188 = arith.addi %add3A_183, %concatenate3A_187 : vector<8x100000xi32>
    %broadcast_in_dim3A_189 = arith.constant 0 : i32
    %broadcast_in_dim3A_190 = vector.broadcast %broadcast_in_dim3A_189 : i32 to vector<8x8192xi32>
    %slice3A_191 = vector.extract_strided_slice %add3A_188 {offsets = [0, 0], sizes = [8, 91808], strides = [1, 1]} : vector<8x100000xi32> to vector<8x91808xi32>
    %concatenate3A_192 = tpu.concatenate %broadcast_in_dim3A_190, %slice3A_191 in 1 : vector<8x8192xi32>, vector<8x91808xi32> -> vector<8x100000xi32>
    %add3A_193 = arith.addi %add3A_188, %concatenate3A_192 : vector<8x100000xi32>
    %broadcast_in_dim3A_194 = arith.constant 0 : i32
    %broadcast_in_dim3A_195 = vector.broadcast %broadcast_in_dim3A_194 : i32 to vector<8x16384xi32>
    %slice3A_196 = vector.extract_strided_slice %add3A_193 {offsets = [0, 0], sizes = [8, 83616], strides = [1, 1]} : vector<8x100000xi32> to vector<8x83616xi32>
    %concatenate3A_197 = tpu.concatenate %broadcast_in_dim3A_195, %slice3A_196 in 1 : vector<8x16384xi32>, vector<8x83616xi32> -> vector<8x100000xi32>
    %add3A_198 = arith.addi %add3A_193, %concatenate3A_197 : vector<8x100000xi32>
    %broadcast_in_dim3A_199 = arith.constant 0 : i32
    %broadcast_in_dim3A_200 = vector.broadcast %broadcast_in_dim3A_199 : i32 to vector<8x32768xi32>
    %slice3A_201 = vector.extract_strided_slice %add3A_198 {offsets = [0, 0], sizes = [8, 67232], strides = [1, 1]} : vector<8x100000xi32> to vector<8x67232xi32>
    %concatenate3A_202 = tpu.concatenate %broadcast_in_dim3A_200, %slice3A_201 in 1 : vector<8x32768xi32>, vector<8x67232xi32> -> vector<8x100000xi32>
    %add3A_203 = arith.addi %add3A_198, %concatenate3A_202 : vector<8x100000xi32>
    %broadcast_in_dim3A_204 = arith.constant 0 : i32
    %broadcast_in_dim3A_205 = vector.broadcast %broadcast_in_dim3A_204 : i32 to vector<8x65536xi32>
    %slice3A_206 = vector.extract_strided_slice %add3A_203 {offsets = [0, 0], sizes = [8, 34464], strides = [1, 1]} : vector<8x100000xi32> to vector<8x34464xi32>
    %concatenate3A_207 = tpu.concatenate %broadcast_in_dim3A_205, %slice3A_206 in 1 : vector<8x65536xi32>, vector<8x34464xi32> -> vector<8x100000xi32>
    %add3A_208 = arith.addi %add3A_203, %concatenate3A_207 : vector<8x100000xi32>
    %add3A_209 = arith.constant 1 : i32
    %add3A_210 = vector.broadcast %add3A_209 : i32 to vector<8x1xi32>
    %add3A_211 = arith.addi %sub3A_120, %add3A_210 : vector<8x1xi32>
    %eq3A_212 = vector.broadcast %add3A_211 : vector<8x1xi32> to vector<8x100000xi32>
    %eq3A_213 = arith.cmpi eq, %add3A_208, %eq3A_212 : vector<8x100000xi32>
    %and3A = arith.andi %eq3A_122, %eq3A_213 : vector<8x100000xi1>
    %jit3A_214 = arith.constant 1073741824 : i32
    %broadcast_in_dim3A_215 = vector.broadcast %jit3A_214 : i32 to vector<8x100000xi32>
    %select_n3A_216 = arith.select %and3A, %iota3A, %broadcast_in_dim3A_215 : vector<8x100000xi1>, vector<8x100000xi32>
    %reduce_min3A_217 = arith.constant dense<2147483647> : vector<8xi32>
    %reduce_min3A_218 = vector.multi_reduction <minsi>, %select_n3A_216, %reduce_min3A_217 [1] : vector<8x100000xi32> to vector<8xi32>
    %broadcast_in_dim3A_219 = vector.shape_cast %reduce_min3A_218 : vector<8xi32> to vector<8x1xi32>
    %broadcast_in_dim3A_220 = vector.shape_cast %broadcast_in_dim3A_219 : vector<8x1xi32> to vector<8x1xi32>
    %broadcast_in_dim3A_221 = vector.broadcast %broadcast_in_dim3A_220 : vector<8x1xi32> to vector<8x128xi32>
    %swap3A = arith.constant 0 : index
    %swap3A_222 = arith.constant 0 : index
    %swap3A_223 = vector.load %arg4[%swap3A, %swap3A_222] : memref<8x128xi32, #tpu.memory_space<vmem>>, vector<8x128xi32>
    tpu.vector_store %arg4[%swap3A, %swap3A_222], %broadcast_in_dim3A_221 {strides = array<i32>} : memref<8x128xi32, #tpu.memory_space<vmem>>, vector<8x128xi32>,
    return
  }
  func.func @transform_0(%arg0: i32) -> (i32, i32) {
    %c0_i32 = arith.constant 0 : i32
    %c0_i32_0 = arith.constant 0 : i32
    return %arg0, %c0_i32 : i32, i32
  }
  func.func @transform_1(%arg0: i32) -> (i32, i32) {
    %c0_i32 = arith.constant 0 : i32
    %c0_i32_0 = arith.constant 0 : i32
    return %arg0, %c0_i32 : i32, i32
  }
  func.func @transform_2(%arg0: i32) -> (i32, i32) {
    %c0_i32 = arith.constant 0 : i32
    %c0_i32_0 = arith.constant 0 : i32
    return %arg0, %c0_i32 : i32, i32
  }
  func.func @transform_3(%arg0: i32) -> (i32, i32) {
    %c0_i32 = arith.constant 0 : i32
    %c0_i32_0 = arith.constant 0 : i32
    return %arg0, %c0_i32 : i32, i32
  }
}

</mosaic_0001>

<sc_bundles>
// kernel: kernel.10.cloned.1.call-start
scs
__scs_entry_jumppad:
0x0: {  	(pc) =	sbr.rel $0x88, $3  }
0x1: {  	(tag) =	ssettag $0x0;
	lr =	simm.s32 $0x1  }
0x2: {  	[smem:$0x3FA0] =	sst lr;
	_ =	strace $0xD0000000  }
0x3: {  	_ = 	snop  }
0x4: {  	_ = 	snop  }
0x5: {  	_ = 	snop  }
0x6: {  	_ = 	snop  }
0x7: {  	_ = 	snop  }
__scs_overlays_trampoline_lowered:
0x8: {  	[smem:$0x3FAF] =	sst s0  }
0x9: {  	[smem:$0x3FB0] =	sst s1  }
0xa: {  	[smem:$0x3FB1] =	sst s2  }
0xb: {  	[smem:$0x3FB2] =	sst s3  }
0xc: {  	[smem:$0x3FB3] =	sst s4  }
0xd: {  	[smem:$0x3FB4] =	sst s5  }
0xe: {  	[smem:$0x3FB5] =	sst s6  }
0xf: {  	[smem:$0x3FB6] =	sst s7  }
0x10: {  	[smem:$0x3FB7] =	sst s8  }
0x11: {  	[smem:$0x3FB8] =	sst s9;
	s0 =	simm.s32 @!p0 $0x0  }
0x12: {  	s1 =	sld [smem:$0x3F9E];
	s0 =	simm.s32 @p0 $0x1  }
0x13: {  	[smem:$0x3FB9] =	sst s0;
	s0 =	simm.s32 @!p1 $0x0  }
0x14: {  	s2 =	sld [smem:$0x3F9D];
	s0 =	simm.s32 @p1 $0x1  }
0x15: {  	[smem:$0x3FBA] =	sst s0;
	s0 =	simm.s32 @!p2 $0x0  }
0x16: {  	s3 =	sld [smem:$0x3FDB];
	s0 =	simm.s32 @p2 $0x1  }
0x17: {  	s4 =	simm.s32 $0x1BF5;
	[smem:$0x3FBC] =	sst s0  }
0x18: {  	s0 =	sld [smem:$0x3F9F];
	_ =	swait.ge [sflag:s4], $0x0  }
0x19: {  	s7 =	sld [smem:$0x3FA0]  }
0x1a: {  	s8 =	sadd.s32 $0xFFFFE003, lr  }
0x1b: {  	s9 =	sadd.s32 $0xFFFFFEF7, lr;
	s5 =	simm.s32 $0xFFFFFFFF;
	p2 =	slt.u32 s8, $0xFFFFF086  }
0x1c: {  	p1 =	slt.u32 s9, $0xF7A;
	s5 =	simm.s32 @!p2 $0x0  }
0x1d: {  	s5 =	simm.s32 @p1 $0x1;
	p0 =	seq.s32 s7, s2  }
0x1e: {  	s7 =	smul.u32 @!p0 $0xF7A, s2;
	p2 =	seq.s32 @!p0 s5, $0x0  }
0x1f: {  	s9 =	smul.u32 $0xF7A, s1;
	s8 =	simm.s32 @!p0 $0x1BF5;
	p2 =	por !p2, p0  }
0x20: {  	[sflag:s8] =	ssyncset.s32 @!p0 $0xFFFFF086;
	s6 =	sadd.s32 @!p0 s3, s7;
	s7 =	simm.s32 @!p0 $0x108  }
0x21: {  	s3 =	sadd.s32 s3, s9;
	s6 =	sadd.s32 @!p0 $0x88, s6;
	s7 =	simm.s32 @p2 $0x1082  }
0x22: {  	[simem:s7], [sflag:s8] =	dma.local @!p0 [hbm:s6], $0xF7A  }
0x23: {  	s9 =	sor.u32 $0xD0000000, s2;
	s6 =	simm.s32 $0x108;
	_ =	swait.ge @!p0 [sflag:s8], $0x0  }
0x24: {  	s3 =	sadd.s32 $0x88, s3;
	s6 =	simm.s32 @!p1 $0x1082;
	[sflag:s4] =	ssyncset.s32 $0xFFFFF086  }
0x25: {  	[simem:s6], [sflag:s4] =	dma.local [hbm:s3], $0xF7A  }
0x26: {  	[smem:$0x3FA0] =	sst s1;
	(tag) =	ssettag s2;
	_ =	strace s9  }
0x27: {  	s1 =	sld [smem:$0x3FB0]  }
0x28: {  	s2 =	sld [smem:$0x3FB1]  }
0x29: {  	s4 =	sld [smem:$0x3FB3]  }
0x2a: {  	p0 =	seq.s32 s5, $0x0;
	s5 =	sld [smem:$0x3FB4]  }
0x2b: {  	s6 =	sld [smem:$0x3FB5]  }
0x2c: {  	s7 =	sld [smem:$0x3FB6]  }
0x2d: {  	s3 =	simm.s32 $0x108;
	s8 =	sld [smem:$0x3FB7]  }
0x2e: {  	s3 =	simm.s32 @!p0 $0x1082;
	s9 =	sld [smem:$0x3FB8]  }
0x2f: {  	lr =	sadd.s32 s0, s3;
	s0 =	sld [smem:$0x3FAF]  }
0x30: {  	s3 =	sld [smem:$0x3FB2]  }
0x31: {  	[smem:$0x3FBB] =	sst s10  }
0x32: {  	s10 =	sld [smem:$0x3FB9];
	_ =	sdelay $0x3  }
0x33: {  	p0 =	seq.s32 s10, $0x1;
	s10 =	sld [smem:$0x3FBB];
	_ =	sdelay $0x3  }
0x34: {  	[smem:$0x3FBB] =	sst s10  }
0x35: {  	s10 =	sld [smem:$0x3FBA];
	_ =	sdelay $0x3  }
0x36: {  	p1 =	seq.s32 s10, $0x1;
	s10 =	sld [smem:$0x3FBB];
	_ =	sdelay $0x3  }
0x37: {  	[smem:$0x3FBB] =	sst s10  }
0x38: {  	s10 =	sld [smem:$0x3FBC]  }
0x39: {  	_ = 	snop;
	(pc) =	sbr.ind lr, $3  }
0x3a: {  	_ = 	snop  }
0x3b: {  	_ = 	snop  }
0x3c: {  	p2 =	seq.s32 s10, $0x1;
	s10 =	sld [smem:$0x3FBB]  }
0x3d: {  	_ =	shalt  }
0x3e: {  	_ =	shalt  }
0x3f: {  	_ =	shalt  }
0x40: {  	_ =	shalt  }
0x41: {  	_ =	shalt  }
0x42: {  	_ =	shalt  }
0x43: {  	_ =	shalt  }
0x44: {  	_ =	shalt  }
0x45: {  	_ =	shalt  }
0x46: {  	_ =	shalt  }
0x47: {  	_ =	shalt  }
0x48: {  	_ =	shalt  }
0x49: {  	_ =	shalt  }
0x4a: {  	_ =	shalt  }
0x4b: {  	_ =	shalt  }
0x4c: {  	_ =	shalt  }
0x4d: {  	_ =	shalt  }
0x4e: {  	_ =	shalt  }
0x4f: {  	_ =	shalt  }
0x50: {  	_ =	shalt  }
0x51: {  	_ =	shalt  }
0x52: {  	_ =	shalt  }
0x53: {  	_ =	shalt  }
0x54: {  	_ =	shalt  }
0x55: {  	_ =	shalt  }
0x56: {  	_ =	shalt  }
0x57: {  	_ =	shalt  }
0x58: {  	_ =	shalt  }
0x59: {  	_ =	shalt  }
0x5a: {  	_ =	shalt  }
0x5b: {  	_ =	shalt  }
0x5c: {  	_ =	shalt  }
0x5d: {  	_ =	shalt  }
0x5e: {  	_ =	shalt  }
0x5f: {  	_ =	shalt  }
0x60: {  	_ =	shalt  }
0x61: {  	_ =	shalt  }
0x62: {  	_ =	shalt  }
0x63: {  	_ =	shalt  }
0x64: {  	_ =	shalt  }
0x65: {  	_ =	shalt  }
0x66: {  	_ =	shalt  }
0x67: {  	_ =	shalt  }
0x68: {  	_ =	shalt  }
0x69: {  	_ =	shalt  }
0x6a: {  	_ =	shalt  }
0x6b: {  	_ =	shalt  }
0x6c: {  	_ =	shalt  }
0x6d: {  	_ =	shalt  }
0x6e: {  	_ =	shalt  }
0x6f: {  	_ =	shalt  }
0x70: {  	_ =	shalt  }
0x71: {  	_ =	shalt  }
0x72: {  	_ =	shalt  }
0x73: {  	_ =	shalt  }
0x74: {  	_ =	shalt  }
0x75: {  	_ =	shalt  }
0x76: {  	_ =	shalt  }
0x77: {  	_ =	shalt  }
0x78: {  	_ =	shalt  }
0x79: {  	_ =	shalt  }
0x7a: {  	_ =	shalt  }
0x7b: {  	_ =	shalt  }
0x7c: {  	_ =	shalt  }
0x7d: {  	_ =	shalt  }
0x7e: {  	_ =	shalt  }
0x7f: {  	_ =	shalt  }
0x80: {  	_ =	shalt  }
0x81: {  	_ =	shalt  }
0x82: {  	_ =	shalt  }
0x83: {  	_ =	shalt  }
0x84: {  	_ =	shalt  }
0x85: {  	_ =	shalt  }
0x86: {  	_ =	shalt  }
0x87: {  	_ =	shalt  }
.Lfunc_end0:
.L_simem_size_0:
called_computation.2_lowered:
.L_overlay_start_0:
0x88: {  	s2 =	sld [smem:$0x3FD9]  }
0x89: {  	s3 =	sld [smem:$0x3FFE];
	_ =	sdelay $0x1  }
0x8a: {  	s1 =	srdreg.scid  }
0x8b: {  	s0 =	sand.u32 $0x1, s1  }
0x8c: {  	s16 =	sshll.u32 s0, $0xA;
	s2 =	sadd.s32 s3, s2  }
0x8d: {  	s2 =	sadd.s32 s2, s16  }
0x8e: {  	[smem:$0x3FC7] =	sst s2  }
0x8f: {  	_ = 	snop  }
0x90: {  	(tm) =	ssettm $0x1  }
0x91: {  	s17 =	sld [smem:$0x3FFB];
	_ =	sdelay $0x3  }
0x92: {  	_ =	strace s17  }
0x93: {  	s2 =	sld [smem:$0x3FFC];
	_ =	sdelay $0x3  }
0x94: {  	_ =	strace s2  }
0x95: {  	s2 =	sld [smem:$0x3FFD];
	_ =	sdelay $0x3  }
0x96: {  	_ =	strace s2  }
0x97: {  	_ =	strace $0x8FFFFFFF  }
0x98: {  	s18 =	sld [smem:$0x3FDB];
	_ =	sdelay $0x1  }
0x99: {  	s19 =	simm.s32 $_scs_section_size  }
0x9a: {  	s4 =	simm.s32 $_size__tile_overlayer_lowered;
	s5 =	simm.s32 $_tile_overlayer_lowered  }
0x9b: {  	s22 =	simm.s32 $0x1BFF;
	s21 =	sshll.u32 s5, $0x1;
	s2 =	sadd.s32 s19, s18  }
0x9c: {  	s6 =	simm.s32 $0x0;
	s20 =	sshll.u32 s4, $0x1;
	s4 =	sadd.s32 s21, s2  }
0x9d: {  	[timem:s6], [sflag:s22] =	dma.local [hbm:s4], s20  }
0x9e: {  	_ =	swait.ge [sflag:s22], s20  }
0x9f: {  	s3 =	ssub.s32 $0x0, s20;
	[sflag:s22] =	ssyncset.done $0x0  }
0xa0: {  	[sflag:s22] =	ssyncadd.s32 s3;
	_ =	sdelay $0x1  }
0xa1: {  	s23 =	simm.s32 $0x1B8B  }
0xa2: {  	_ =	swait.ge [sflag:s23], $0x1  }
0xa3: {  	[sflag:s23] =	ssyncset.done $0x0  }
0xa4: {  	s25 =	simm.s32 $0x1B8E;
	s24 =	sld [smem:$0x3FFE];
	[sflag:s23] =	ssyncadd.s32 $0xFFFFFFFF  }
0xa5: {  	s26 =	simm.s32 $execute0_lowered;
	[smem:$0x3FD2] =	sst s25  }
0xa6: {  	s4 =	sshll.u32 s26, $0x1;
	_ =	strace $0x8000004C;
	[dreg:$0x1] =	wrdreg $0xFFFFFFFF  }
0xa7: {  	s28 =	simm.s32 $_size_execute0_lowered;
	s2 =	sadd.s32 s2, s4;
	[dreg:$0x0] =	wrdreg $0x0  }
0xa8: {  	s4 =	sshll.u32 s28, $0x1;
	[dreg:$0x2] =	wrdreg s2  }
0xa9: {  	[dreg:$0x3] =	wrdreg s4  }
0xaa: {  	[dreg:$0x4] =	wrdreg $0xC0  }
0xab: {  	_ =	task [dreg:s6], $0x5FFFF  }
0xac: {  	[dreg:$0x1] =	wrdreg $0xFFFFFFFF  }
0xad: {  	[dreg:$0x0] =	wrdreg $0x60  }
0xae: {  	[dreg:$0x2] =	wrdreg s24  }
0xaf: {  	[dreg:$0x3] =	wrdreg $0x9  }
0xb0: {  	_ =	task.clear_ibuf [dreg:s6], $0x4FFFF;
	_ =	strace $0x9000004C  }
0xb1: {  	s29 =	simm.s32 $0x9;
	_ =	strace $0x8000004E  }
0xb2: {  	_ =	swait.ge [sflag:s29], $0x1  }
0xb3: {  	[sflag:s29] =	ssyncadd.s32 $0xFFFFFFFF  }
0xb4: {  	_ =	strace $0x9000004E  }
0xb5: {  	_ =	sfence  }
0xb6: {  	s30 =	sld [smem:$0x0];
	_ =	sdelay $0x2  }
0xb7: {  	s31 =	sshll.u32 s1, $0xD;
	s1 =	sshrl.u32 s1, $0x2  }
0xb8: {  	s3 =	sand.u32 $0x4000, s31;
	s1 =	sadd.s32 s1, s30  }
0xb9: {  	s0 =	sor.u32 s3, s0;
	s1 =	sshll.u32 s1, $0x11  }
0xba: {  	s0 =	sor.u32 s1, s0  }
0xbb: {  	s0 =	sadd.s32 $0x8F2B, s0  }
0xbc: {  	[sflag:s0] =	ssyncadd.remote.s32 $0x1  }
0xbd: {  	_ =	sfence.sel $0xFFFF  }
0xbe: {  	[dreg:$0x0] =	wrdreg $0xFFFFFFFF;
	(pc) =	sbr.abs _section_cstart, $3  }
0xbf: {  	[dreg:$0x1] =	wrdreg $0xFFFFFFFF  }
0xc0: {  	_ =	task.clear_ibuf [dreg:s6], $0x2FFFF;
	_ =	strace $0x9FFFFFFF  }
0xc1: {  	(tm) =	ssettm $0x7FFFFFFF  }
tec
execute0_lowered:
.L_overlay_start_1:
0x0: {  	(tag) =	ssettag $0x1  }
0x1: {  	s2 =	rddreg [dreg:$0x0]  }
0x2: {  	s0 =	rddreg [dreg:$0x1];
	s1 =	simm.s32 $0x0  }
0x3: {  	s3 =	srdreg.scid;
	s8 =	simm.s32 $0x19800;
	s9 =	simm.s32 $0x1A800  }
0x4: {  	s10 =	simm.s32 $0x800;
	s11 =	simm.s32 $0x19000;
	s12 =	simm.s32 $0x18800  }
0x5: {  	s13 =	simm.s32 $0x1;
	[smem:$0x7FF] =	sst s1;
	s5 =	sand.u32 $0x1, s3  }
0x6: {  	s3 =	sadd.s32 $0x30E800, s2;
	s4 =	sadd.s32 $0x496800, s2;
	s6 =	ssub.s32 $0x2, s5  }
0x7: {  	v0 =	vlaneseq.u32;
	s2 =	stileid.u32;
	_ =	strace $0x8000004D;
	s7 =	sshrl.u32 s6, $0x1  }
0x8: {  	v3 =	vmul.u32 $0x10, v0;
	s31 =	sshll.u32 s2, $0x3;
	s5 =	sshll.u32 s5, $0x2;
	s6 =	ssub.s32 s6, s7  }
0x9: {  	v1 =	vimm.s32 $0x0;
	v2 =	vimm.s32 $0x1;
	s5 =	sor.u32 s5, s31;
	s7 =	simm.s32 $0x2;
	s6 =	smax.u32 s6, $0x1  }
.LBB2_1:
0xa: {  	s14 =	simm.s32 $0x0  }
.LBB2_2:
0xb: {  	s15 =	sadd.s32 s5, s14  }
0xc: {  	s15 =	smul.u32 $0x18800, s15;
	_ =	sdelay $0x1  }
0xd: {  	s16 =	sshrl.u32 s15, $0x3  }
0xe: {  	s17 =	sadd.s32 s3, s16;
	s16 =	simm.s32 $0x0  }
0xf: {  	[tilespmem:s16], [sflag:$0x2] =	stream.linear.gather [hbm4b:s17+s16], $0x18800, $0x38;
	[tilespmem:$0x1A900] =	vst v63  }
0x10: {  	_ =	swait.ge [sflag:s7], $0x18800  }
0x11: {  	[sflag:s7] =	ssyncset.done $0x0  }
0x12: {  	s18 =	simm.s32 $0x0;
	s17 =	simm.s32 $0x40;
	[sflag:s7] =	ssyncadd.s32 $0xFFFE7800  }
.LBB2_3:
0x13: {  	p0 =	sne.s32 s17, $0x3FC0;
	[tilespmem:s18+$0x19800] =	vst v1;
	s18 =	smov.u32 s17;
	s17 =	sadd.s32 $0x40, s17  }
.Ltmp0:
0x14: {  	(pc) =	sbr.rel @p0 .LBB2_3-.Ltmp0, $2  }
0x15: {  	_ =	sdelay $0x2  }
0x16: {  	s18 =	sshra.s32 s18, $0x2  }
0x17: {  	[tilespmem:s18+$0x19800] =	vst v1  }
.LBB2_5:
0x18: {  	s17 =	sshra.s32 s16, $0x2  }
0x19: {  	v4 =	vld [tilespmem:s17+$0x0];
	_ =	sdelay $0x4  }
0x1a: {  	v4 =	vxor.u32 $0xFFFFFFFF, v4  }
0x1b: {  	v4 =	vshrl.u32 v4, $0x4  }
0x1c: {  	v4 =	vand.u32 $0xFF0, v4  }
0x1d: {  	p0 =	seq.s32 s16, $0x61FC0;
	v4 =	vor.u32 v0, v4  }
.Ltmp1:
0x1e: {  	_ = 	snop;
	(pc) =	sbr.rel @!p0 .LBB2_5-.Ltmp1, $2  }
0x1f: {  	_ =	sdelay $0x2  }
0x20: {  	s16 =	sadd.s32 $0x40, s16;
	[tilespmem:v4+s8+$0x0] =	vst.idx.add.s32.msk $0xffff, v2  }
0x21: {  	s17 =	simm.s32 $0x0  }
0x22: {  	v4 =	vmov s17  }
0x23: {  	v4 =	vshll.u32 v4, $0x4  }
0x24: {  	v4 =	vor.u32 v3, v4  }
0x25: {  	v5 =	vor.u32 $0x1, v4  }
0x26: {  	v6 =	vor.u32 $0x2, v4  }
0x27: {  	v7 =	vor.u32 $0x3, v4  }
0x28: {  	v8 =	vor.u32 $0x4, v4  }
0x29: {  	v9 =	vor.u32 $0x5, v4;
	v10 =	vld.idx.msk [tilespmem:v4+s8+$0x0], $0xffff  }
0x2a: {  	v11 =	vor.u32 $0x6, v4;
	v5 =	vld.idx.msk [tilespmem:v5+s8+$0x0], $0xffff  }
0x2b: {  	v12 =	vor.u32 $0x7, v4;
	v6 =	vld.idx.msk [tilespmem:v6+s8+$0x0], $0xffff  }
0x2c: {  	v13 =	vor.u32 $0x8, v4;
	v7 =	vld.idx.msk [tilespmem:v7+s8+$0x0], $0xffff  }
0x2d: {  	v14 =	vor.u32 $0x9, v4;
	v8 =	vld.idx.msk [tilespmem:v8+s8+$0x0], $0xffff  }
0x2e: {  	v15 =	vor.u32 $0xA, v4;
	v9 =	vld.idx.msk [tilespmem:v9+s8+$0x0], $0xffff  }
0x2f: {  	v16 =	vor.u32 $0xB, v4;
	v11 =	vld.idx.msk [tilespmem:v11+s8+$0x0], $0xffff;
	v5 =	vadd.s32 v10, v5  }
0x30: {  	v38 =	vor.u32 $0xC, v4;
	v37 =	vld.idx.msk [tilespmem:v12+s8+$0x0], $0xffff;
	v5 =	vadd.s32 v6, v5  }
0x31: {  	v39 =	vor.u32 $0xD, v4;
	v6 =	vld.idx.msk [tilespmem:v13+s8+$0x0], $0xffff;
	v5 =	vadd.s32 v7, v5  }
0x32: {  	v40 =	vor.u32 $0xE, v4;
	v7 =	vld.idx.msk [tilespmem:v14+s8+$0x0], $0xffff;
	v5 =	vadd.s32 v8, v5  }
0x33: {  	v4 =	vor.u32 $0xF, v4;
	v41 =	vld.idx.msk [tilespmem:v15+s8+$0x0], $0xffff;
	v5 =	vadd.s32 v9, v5  }
0x34: {  	v42 =	vld.idx.msk [tilespmem:v16+s8+$0x0], $0xffff;
	v5 =	vadd.s32 v11, v5  }
0x35: {  	v43 =	vld.idx.msk [tilespmem:v38+s8+$0x0], $0xffff;
	v5 =	vadd.s32 v37, v5  }
0x36: {  	v44 =	vld.idx.msk [tilespmem:v39+s8+$0x0], $0xffff;
	v5 =	vadd.s32 v6, v5  }
0x37: {  	v6 =	vld.idx.msk [tilespmem:v40+s8+$0x0], $0xffff;
	v5 =	vadd.s32 v7, v5  }
0x38: {  	v4 =	vld.idx.msk [tilespmem:v4+s8+$0x0], $0xffff;
	v5 =	vadd.s32 v41, v5  }
0x39: {  	v5 =	vadd.s32 v42, v5  }
0x3a: {  	v5 =	vadd.s32 v43, v5  }
0x3b: {  	v5 =	vadd.s32 v44, v5  }
0x3c: {  	v5 =	vadd.s32 v6, v5  }
0x3d: {  	v4 =	vadd.s32 v4, v5  }
0x3e: {  	s18 =	simm.s32 $0x10;
	(xrf0) =	vadd.scan.msk.s32 $0xffff, v4  }
0x3f: {  	v5 =	vmov s18  }
0x40: {  	v5 =	vshll.u32 v5, $0x4  }
0x41: {  	v5 =	vor.u32 v3, v5  }
0x42: {  	v6 =	vor.u32 $0x1, v5;
	_ =	sdelay $0x1  }
0x43: {  	v4 =	vsub.s32 s17, v4;
	v7 =	vor.u32 $0x2, v5;
	v45, _, _ =	vpop (xrf0)  }
0x44: {  	s16 =	simm.s32 $0x1A800;
	v46 =	vor.u32 $0x3, v5;
	v4 =	vadd.s32 v45, v4  }
0x45: {  	v47 =	vor.u32 $0x4, v5;
	[tilespmem:s16+$0x0] =	vst v4  }
0x46: {  	v4 =	vld.idx.msk [tilespmem:v6+s8+$0x0], $0xffff;
	v6 =	vor.u32 $0x5, v5  }
0x47: {  	v49 =	vor.u32 $0x6, v5;
	v48 =	vld.idx.msk [tilespmem:v5+s8+$0x0], $0xffff  }
0x48: {  	v50 =	vor.u32 $0x7, v5;
	v7 =	vld.idx.msk [tilespmem:v7+s8+$0x0], $0xffff  }
0x49: {  	v51 =	vor.u32 $0x8, v5;
	v9 =	vld.idx.msk [tilespmem:v46+s8+$0x0], $0xffff  }
0x4a: {  	v53 =	vor.u32 $0x9, v5;
	v52 =	vld.idx.msk [tilespmem:v47+s8+$0x0], $0xffff  }
0x4b: {  	v54 =	vor.u32 $0xA, v5;
	v6 =	vld.idx.msk [tilespmem:v6+s8+$0x0], $0xffff  }
0x4c: {  	v55 =	vor.u32 $0xB, v5;
	(v2sf) =	vpush v45, $0xF;
	v12 =	vld.idx.msk [tilespmem:v49+s8+$0x0], $0xffff;
	v4 =	vadd.s32 v48, v4  }
0x4d: {  	v57 =	vor.u32 $0xC, v5;
	v56 =	vld.idx.msk [tilespmem:v50+s8+$0x0], $0xffff;
	v4 =	vadd.s32 v7, v4  }
0x4e: {  	v58 =	vor.u32 $0xD, v5;
	v7 =	vld.idx.msk [tilespmem:v51+s8+$0x0], $0xffff;
	v4 =	vadd.s32 v9, v4  }
0x4f: {  	v60 =	vor.u32 $0xE, v5;
	v59 =	vld.idx.msk [tilespmem:v53+s8+$0x0], $0xffff;
	v4 =	vadd.s32 v52, v4  }
0x50: {  	v61 =	vld.idx.msk [tilespmem:v54+s8+$0x0], $0xffff;
	v5 =	vor.u32 $0xF, v5;
	v4 =	vadd.s32 v6, v4  }
0x51: {  	v6 =	vld.idx.msk [tilespmem:v55+s8+$0x0], $0xffff;
	v4 =	vadd.s32 v12, v4  }
0x52: {  	v62 =	vld.idx.msk [tilespmem:v57+s8+$0x0], $0xffff;
	v4 =	vadd.s32 v56, v4  }
0x53: {  	v63 =	vld.idx.msk [tilespmem:v58+s8+$0x0], $0xffff;
	v4 =	vadd.s32 v7, v4  }
0x54: {  	v7 =	vld.idx.msk [tilespmem:v60+s8+$0x0], $0xffff;
	v4 =	vadd.s32 v59, v4  }
0x55: {  	v5 =	vld.idx.msk [tilespmem:v5+s8+$0x0], $0xffff;
	v4 =	vadd.s32 v61, v4  }
0x56: {  	v4 =	vadd.s32 v6, v4  }
0x57: {  	v4 =	vadd.s32 v62, v4  }
0x58: {  	v4 =	vadd.s32 v63, v4  }
0x59: {  	v4 =	vadd.s32 v7, v4  }
0x5a: {  	v5 =	vadd.s32 v5, v4  }
0x5b: {  	s30 =	simm.s32 $0x20;
	s31 =	spop (v2sf);
	(xrf0) =	vadd.scan.msk.s32 $0xffff, v5  }
0x5c: {  	s17 =	sadd.s32 $0x0, s31;
	v6 =	vmov s30  }
0x5d: {  	s18 =	simm.s32 $0x30;
	v4 =	vsub.s32 s17, v5;
	v5 =	vshll.u32 v6, $0x4  }
.LBB2_7:
0x5e: {  	p0 =	seq.s32 s18, $0xF0;
	v5 =	vor.u32 v3, v5  }
0x5f: {  	v6 =	vor.u32 $0x1, v5;
	_ =	sdelay $0x1  }
0x60: {  	v7 =	vor.u32 $0x2, v5;
	v8, _, _ =	vpop (xrf0)  }
0x61: {  	s16 =	sadd.s32 $0x10, s16;
	v9 =	vor.u32 $0x3, v5;
	v4 =	vadd.s32 v8, v4;
	(v2sf) =	vpush v8, $0xF  }
0x62: {  	v8 =	vor.u32 $0x4, v5;
	[tilespmem:s16+$0x0] =	vst v4  }
0x63: {  	v4 =	vld.idx.msk [tilespmem:v6+s8+$0x0], $0xffff;
	v6 =	vor.u32 $0x5, v5  }
0x64: {  	v11 =	vor.u32 $0x6, v5;
	v10 =	vld.idx.msk [tilespmem:v5+s8+$0x0], $0xffff  }
0x65: {  	v12 =	vor.u32 $0x7, v5;
	v7 =	vld.idx.msk [tilespmem:v7+s8+$0x0], $0xffff  }
0x66: {  	v13 =	vor.u32 $0x8, v5;
	v9 =	vld.idx.msk [tilespmem:v9+s8+$0x0], $0xffff  }
0x67: {  	v14 =	vor.u32 $0x9, v5;
	v8 =	vld.idx.msk [tilespmem:v8+s8+$0x0], $0xffff  }
0x68: {  	v15 =	vor.u32 $0xA, v5;
	v6 =	vld.idx.msk [tilespmem:v6+s8+$0x0], $0xffff  }
0x69: {  	v16 =	vor.u32 $0xB, v5;
	v11 =	vld.idx.msk [tilespmem:v11+s8+$0x0], $0xffff  }
0x6a: {  	v4 =	vadd.s32 v10, v4;
	v10 =	vld.idx.msk [tilespmem:v12+s8+$0x0], $0xffff;
	v12 =	vor.u32 $0xC, v5  }
0x6b: {  	v4 =	vadd.s32 v7, v4;
	v7 =	vld.idx.msk [tilespmem:v13+s8+$0x0], $0xffff;
	v13 =	vor.u32 $0xD, v5  }
0x6c: {  	v4 =	vadd.s32 v9, v4;
	v9 =	vld.idx.msk [tilespmem:v14+s8+$0x0], $0xffff;
	v14 =	vor.u32 $0xE, v5  }
0x6d: {  	v4 =	vadd.s32 v8, v4;
	v5 =	vor.u32 $0xF, v5;
	v8 =	vld.idx.msk [tilespmem:v15+s8+$0x0], $0xffff  }
0x6e: {  	v4 =	vadd.s32 v6, v4;
	v6 =	vld.idx.msk [tilespmem:v16+s8+$0x0], $0xffff  }
0x6f: {  	v4 =	vadd.s32 v11, v4;
	v11 =	vld.idx.msk [tilespmem:v12+s8+$0x0], $0xffff  }
0x70: {  	v4 =	vadd.s32 v10, v4;
	v10 =	vld.idx.msk [tilespmem:v13+s8+$0x0], $0xffff;
	s19 =	spop (v2sf)  }
0x71: {  	v4 =	vadd.s32 v7, v4;
	v7 =	vld.idx.msk [tilespmem:v14+s8+$0x0], $0xffff;
	s17 =	sadd.s32 s17, s19  }
0x72: {  	v4 =	vadd.s32 v9, v4;
	v5 =	vld.idx.msk [tilespmem:v5+s8+$0x0], $0xffff  }
0x73: {  	v4 =	vadd.s32 v8, v4  }
0x74: {  	v4 =	vadd.s32 v6, v4  }
0x75: {  	v4 =	vadd.s32 v11, v4  }
0x76: {  	v4 =	vadd.s32 v10, v4  }
.Ltmp2:
0x77: {  	v4 =	vadd.s32 v7, v4;
	(pc) =	sbr.rel @!p0 .LBB2_7-.Ltmp2, $4  }
0x78: {  	v5 =	vadd.s32 v5, v4  }
0x79: {  	v4 =	vsub.s32 s17, v5;
	(xrf0) =	vadd.scan.msk.s32 $0xffff, v5  }
0x7a: {  	v5 =	vmov s18  }
0x7b: {  	s18 =	sadd.s32 $0x10, s18;
	v5 =	vshll.u32 v5, $0x4  }
0x7c: {  	v5 =	vor.u32 v3, v5  }
0x7d: {  	v6 =	vor.u32 $0x1, v5;
	_ =	sdelay $0x1  }
0x7e: {  	v7 =	vor.u32 $0x2, v5;
	v8, _, _ =	vpop (xrf0)  }
0x7f: {  	s16 =	sadd.s32 $0x10, s16;
	v9 =	vor.u32 $0x3, v5;
	v4 =	vadd.s32 v8, v4  }
0x80: {  	v10 =	vor.u32 $0x4, v5;
	[tilespmem:s16+$0x0] =	vst v4  }
0x81: {  	v4 =	vld.idx.msk [tilespmem:v6+s8+$0x0], $0xffff;
	v6 =	vor.u32 $0x5, v5  }
0x82: {  	v12 =	vor.u32 $0x6, v5;
	v11 =	vld.idx.msk [tilespmem:v5+s8+$0x0], $0xffff  }
0x83: {  	v13 =	vor.u32 $0x7, v5;
	v7 =	vld.idx.msk [tilespmem:v7+s8+$0x0], $0xffff  }
0x84: {  	v14 =	vor.u32 $0x8, v5;
	v9 =	vld.idx.msk [tilespmem:v9+s8+$0x0], $0xffff  }
0x85: {  	v15 =	vor.u32 $0x9, v5;
	v10 =	vld.idx.msk [tilespmem:v10+s8+$0x0], $0xffff  }
0x86: {  	v16 =	vor.u32 $0xA, v5;
	v6 =	vld.idx.msk [tilespmem:v6+s8+$0x0], $0xffff  }
0x87: {  	v61 =	vor.u32 $0xB, v5;
	v12 =	vld.idx.msk [tilespmem:v12+s8+$0x0], $0xffff;
	v4 =	vadd.s32 v11, v4  }
0x88: {  	v13 =	vld.idx.msk [tilespmem:v13+s8+$0x0], $0xffff;
	v4 =	vadd.s32 v7, v4;
	v7 =	vor.u32 $0xC, v5  }
0x89: {  	v62 =	vor.u32 $0xD, v5;
	v14 =	vld.idx.msk [tilespmem:v14+s8+$0x0], $0xffff;
	v4 =	vadd.s32 v9, v4  }
0x8a: {  	v63 =	vor.u32 $0xE, v5;
	v15 =	vld.idx.msk [tilespmem:v15+s8+$0x0], $0xffff;
	v4 =	vadd.s32 v10, v4  }
0x8b: {  	v16 =	vld.idx.msk [tilespmem:v16+s8+$0x0], $0xffff;
	v5 =	vor.u32 $0xF, v5;
	v4 =	vadd.s32 v6, v4  }
0x8c: {  	v6 =	vld.idx.msk [tilespmem:v61+s8+$0x0], $0xffff;
	v4 =	vadd.s32 v12, v4  }
0x8d: {  	v7 =	vld.idx.msk [tilespmem:v7+s8+$0x0], $0xffff;
	v4 =	vadd.s32 v13, v4  }
0x8e: {  	v9 =	vld.idx.msk [tilespmem:v62+s8+$0x0], $0xffff;
	v4 =	vadd.s32 v14, v4  }
0x8f: {  	v10 =	vld.idx.msk [tilespmem:v63+s8+$0x0], $0xffff;
	v4 =	vadd.s32 v15, v4  }
0x90: {  	v5 =	vld.idx.msk [tilespmem:v5+s8+$0x0], $0xffff;
	v4 =	vadd.s32 v16, v4  }
0x91: {  	v4 =	vadd.s32 v6, v4  }
0x92: {  	v4 =	vadd.s32 v7, v4  }
0x93: {  	v4 =	vadd.s32 v9, v4  }
0x94: {  	v4 =	vadd.s32 v10, v4  }
0x95: {  	v4 =	vadd.s32 v5, v4  }
0x96: {  	(xrf0) =	vadd.scan.msk.s32 $0xffff, v4  }
0x97: {  	(v2sf) =	vpush v8, $0xF;
	_ =	sdelay $0x4  }
0x98: {  	v5, _, _ =	vpop (xrf0)  }
0x99: {  	(v2sf) =	vpush v5, $0xF;
	_ =	sdelay $0x8  }
0x9a: {  	s18 =	spop (v2sf)  }
0x9b: {  	s17 =	sadd.s32 s17, s18  }
0x9c: {  	v4 =	vsub.s32 s17, v4  }
0x9d: {  	s16 =	sadd.s32 $0x10, s16;
	v4 =	vadd.s32 v5, v4  }
0x9e: {  	[tilespmem:s16+$0x0] =	vst v4;
	v4 =	vmov s15  }
0x9f: {  	v4 =	vadd.s32 $0xFFFFFFFF, v4  }
0xa0: {  	s15 =	simm.s32 $0x0;
	s16 =	simm.s32 $0x30;
	v4 =	vbroadcast v4, $0x0;
	s31 =	spop (v2sf)  }
.LBB2_9:
0xa1: {  	v5 =	vmov s16;
	_ =	sdelay $0x2  }
0xa2: {  	s17 =	simm.s32 $0x0  }
.LBB2_10:
0xa3: {  	s18 =	sshra.s32 s17, $0x2  }
0xa4: {  	v6 =	vld.idx.msk [tilespmem:v5+s18+$0xFFFFFFD0 ss:$0x1], $0xffff;
	_ =	sdelay $0x4  }
0xa5: {  	v7 =	vxor.u32 $0xFFFFFFFF, v6  }
0xa6: {  	v7 =	vshrl.u32 v7, $0x8  }
0xa7: {  	v7 =	vand.u32 $0xFF, v7  }
0xa8: {  	(xrf1) =	vunique.msk.u32 $0xffff, v7;
	_ =	sdelay $0xd  }
0xa9: {  	_, v8, vm0 =	vpop (xrf1)  }
0xaa: {  	v9 =	vld.idx.msk [tilespmem:v7+s9+$0x0], $0xffff;
	_ =	sdelay $0x4  }
0xab: {  	v9 =	vadd.s32 v9, v4;
	[tilespmem:v7+s9+$0x0] =	vst.idx.add.s32.msk vm0, v8  }
0xac: {  	v7 =	vadd.s32 v8, v9;
	[tilespmem:s18+$0x18800] =	vst v6  }
0xad: {  	[tilespmem:s18+$0x19000] =	vst v7  }
0xae: {  	v6 =	vld.idx.msk [tilespmem:v5+s18+$0xFFFFFFE0 ss:$0x1], $0xffff;
	_ =	sdelay $0x4  }
0xaf: {  	v7 =	vxor.u32 $0xFFFFFFFF, v6  }
0xb0: {  	v7 =	vshrl.u32 v7, $0x8  }
0xb1: {  	v7 =	vand.u32 $0xFF, v7  }
0xb2: {  	(xrf1) =	vunique.msk.u32 $0xffff, v7;
	_ =	sdelay $0xd  }
0xb3: {  	_, v58, vm0 =	vpop (xrf1)  }
0xb4: {  	v59 =	vld.idx.msk [tilespmem:v7+s9+$0x0], $0xffff;
	_ =	sdelay $0x4  }
0xb5: {  	v9 =	vadd.s32 v59, v4;
	[tilespmem:v7+s9+$0x0] =	vst.idx.add.s32.msk vm0, v58  }
0xb6: {  	v7 =	vadd.s32 v58, v9;
	[tilespmem:s18+$0x18810] =	vst v6  }
0xb7: {  	[tilespmem:s18+$0x19010] =	vst v7  }
0xb8: {  	v6 =	vld.idx.msk [tilespmem:v5+s18+$0xFFFFFFF0 ss:$0x1], $0xffff;
	_ =	sdelay $0x4  }
0xb9: {  	v7 =	vxor.u32 $0xFFFFFFFF, v6  }
0xba: {  	v7 =	vshrl.u32 v7, $0x8  }
0xbb: {  	v7 =	vand.u32 $0xFF, v7  }
0xbc: {  	(xrf1) =	vunique.msk.u32 $0xffff, v7;
	_ =	sdelay $0xd  }
0xbd: {  	_, v60, vm0 =	vpop (xrf1)  }
0xbe: {  	v61 =	vld.idx.msk [tilespmem:v7+s9+$0x0], $0xffff;
	_ =	sdelay $0x4  }
0xbf: {  	v9 =	vadd.s32 v61, v4;
	[tilespmem:v7+s9+$0x0] =	vst.idx.add.s32.msk vm0, v60  }
0xc0: {  	v7 =	vadd.s32 v60, v9;
	[tilespmem:s18+$0x18820] =	vst v6  }
0xc1: {  	[tilespmem:s18+$0x19020] =	vst v7  }
0xc2: {  	v6 =	vld.idx.msk [tilespmem:v5+s18+$0x0 ss:$0x1], $0xffff;
	_ =	sdelay $0x4  }
0xc3: {  	v7 =	vxor.u32 $0xFFFFFFFF, v6  }
0xc4: {  	v7 =	vshrl.u32 v7, $0x8  }
0xc5: {  	v7 =	vand.u32 $0xFF, v7  }
0xc6: {  	(xrf1) =	vunique.msk.u32 $0xffff, v7;
	_ =	sdelay $0xd  }
0xc7: {  	_, v62, vm0 =	vpop (xrf1)  }
0xc8: {  	v63 =	vld.idx.msk [tilespmem:v7+s9+$0x0], $0xffff;
	_ =	sdelay $0x1  }
0xc9: {  	p0 =	sne.s32 s17, $0x1F00  }
.Ltmp3:
0xca: {  	_ = 	snop;
	(pc) =	sbr.rel @p0 .LBB2_10-.Ltmp3, $4  }
0xcb: {  	_ = 	snop  }
0xcc: {  	v9 =	vadd.s32 v63, v4;
	[tilespmem:v7+s9+$0x0] =	vst.idx.add.s32.msk vm0, v62  }
0xcd: {  	v7 =	vadd.s32 v62, v9;
	[tilespmem:s18+$0x18830] =	vst v6  }
0xce: {  	s17 =	sadd.s32 $0x100, s17;
	[tilespmem:s18+$0x19030] =	vst v7  }
0xcf: {  	s15 =	sadd.s32 $0x1, s15  }
0xd0: {  	p0 =	sne.s32 s15, $0x31  }
.Ltmp4:
0xd1: {  	_ = 	snop;
	(pc) =	sbr.rel @p0 .LBB2_9-.Ltmp4, $4  }
0xd2: {  	[hbm4b:s4+s10] =	stream.indirect.scatter [tilespmem:s12], [sflag:$0x1], $0x1, s11, s10, $0xb8;
	[tilespmem:$0x1A900] =	vst v63  }
0xd3: {  	_ =	swait.ge [sflag:s13], $0x800  }
0xd4: {  	[sflag:s13] =	ssyncset.done $0x0  }
0xd5: {  	s16 =	sadd.s32 $0x800, s16;
	[sflag:s13] =	ssyncadd.s32 $0xFFFFF800  }
0xd6: {  	s14 =	sadd.s32 $0x1, s14  }
0xd7: {  	p0 =	sne.s32 s14, $0x4  }
.Ltmp5:
0xd8: {  	_ = 	snop;
	(pc) =	sbr.rel @p0 .LBB2_2-.Ltmp5, $1  }
0xd9: {  	_ =	sdelay $0x3  }
0xda: {  	s1 =	sadd.s32 $0x1, s1  }
0xdb: {  	p0 =	sne.s32 s1, s6  }
.Ltmp6:
0xdc: {  	_ = 	snop;
	(pc) =	sbr.rel @p0 .LBB2_1-.Ltmp6, $1  }
0xdd: {  	_ =	sdelay $0x3  }
0xde: {  	_ =	sfence.sel $0x180000  }
0xdf: {  	[bflag:$0x0] =	sbarrier.arrive $0xFFFF  }
0xe0: {  	p0 =	sne.s32 s2, $0x0;
	_ =	strace $0x9000004D  }
0xe1: {  	s0 =	sadd.s32 @!p0 $0x100000, s0;
	[bflag:$0x2] =	sbarrier.arrive $0xFFFF  }
0xe2: {  	[sflag:s0] =	ssyncadd.tile.s32 @!p0 $0x1;
	_ =	shalt  }
.Lfunc_end2:
_tile_overlayer_lowered:
.L_overlay_start_2:
0xe3: {  	(tag) =	ssettag $0x2  }
0xe4: {  	s0 =	rddreg [dreg:$0x0];
	s2 =	stileid.u32  }
0xe5: {  	s1 =	rddreg [dreg:$0x1];
	p0 =	sne.s32 s2, $0x0  }
0xe6: {  	s3 =	rddreg [dreg:$0x2];
	[bflag:$0x3] =	sbarrier.arrive $0xFFFF;
	s2 =	simm.s32 @!p0 $0x1C02  }
0xe7: {  	[timem:s3], [sflag:s2] =	dma.local @!p0 [hbm:s0], s1  }
0xe8: {  	s0 =	simm.s32 @!p0 $0x2  }
0xe9: {  	_ =	swait.ge @!p0 [sflag:s0], s1  }
0xea: {  	s1 =	ssub.s32 @!p0 $0x0, s1;
	[sflag:s0] =	ssyncset.done @!p0 $0x0  }
0xeb: {  	[sflag:s0] =	ssyncadd.s32 @!p0 s1  }
0xec: {  	[bflag:$0x3] =	sbarrier.arrive $0xFFFF  }
0xed: {  	_ =	shalt  }

// kernel: kernel.13.cloned.1.call-start
scs
__scs_entry_jumppad:
0x0: {  	(pc) =	sbr.rel $0x88, $3  }
0x1: {  	(tag) =	ssettag $0x0;
	lr =	simm.s32 $0x1  }
0x2: {  	[smem:$0x3FA0] =	sst lr;
	_ =	strace $0xD0000000  }
0x3: {  	_ = 	snop  }
0x4: {  	_ = 	snop  }
0x5: {  	_ = 	snop  }
0x6: {  	_ = 	snop  }
0x7: {  	_ = 	snop  }
__scs_overlays_trampoline_lowered:
0x8: {  	[smem:$0x3FAF] =	sst s0  }
0x9: {  	[smem:$0x3FB0] =	sst s1  }
0xa: {  	[smem:$0x3FB1] =	sst s2  }
0xb: {  	[smem:$0x3FB2] =	sst s3  }
0xc: {  	[smem:$0x3FB3] =	sst s4  }
0xd: {  	[smem:$0x3FB4] =	sst s5  }
0xe: {  	[smem:$0x3FB5] =	sst s6  }
0xf: {  	[smem:$0x3FB6] =	sst s7  }
0x10: {  	[smem:$0x3FB7] =	sst s8  }
0x11: {  	[smem:$0x3FB8] =	sst s9;
	s0 =	simm.s32 @!p0 $0x0  }
0x12: {  	s1 =	sld [smem:$0x3F9E];
	s0 =	simm.s32 @p0 $0x1  }
0x13: {  	[smem:$0x3FB9] =	sst s0;
	s0 =	simm.s32 @!p1 $0x0  }
0x14: {  	s2 =	sld [smem:$0x3F9D];
	s0 =	simm.s32 @p1 $0x1  }
0x15: {  	[smem:$0x3FBA] =	sst s0;
	s0 =	simm.s32 @!p2 $0x0  }
0x16: {  	s3 =	sld [smem:$0x3FDB];
	s0 =	simm.s32 @p2 $0x1  }
0x17: {  	s4 =	simm.s32 $0x1BF5;
	[smem:$0x3FBC] =	sst s0  }
0x18: {  	s0 =	sld [smem:$0x3F9F];
	_ =	swait.ge [sflag:s4], $0x0  }
0x19: {  	s7 =	sld [smem:$0x3FA0]  }
0x1a: {  	s8 =	sadd.s32 $0xFFFFE003, lr  }
0x1b: {  	s9 =	sadd.s32 $0xFFFFFEF7, lr;
	s5 =	simm.s32 $0xFFFFFFFF;
	p2 =	slt.u32 s8, $0xFFFFF086  }
0x1c: {  	p1 =	slt.u32 s9, $0xF7A;
	s5 =	simm.s32 @!p2 $0x0  }
0x1d: {  	s5 =	simm.s32 @p1 $0x1;
	p0 =	seq.s32 s7, s2  }
0x1e: {  	s7 =	smul.u32 @!p0 $0xF7A, s2;
	p2 =	seq.s32 @!p0 s5, $0x0  }
0x1f: {  	s9 =	smul.u32 $0xF7A, s1;
	s8 =	simm.s32 @!p0 $0x1BF5;
	p2 =	por !p2, p0  }
0x20: {  	[sflag:s8] =	ssyncset.s32 @!p0 $0xFFFFF086;
	s6 =	sadd.s32 @!p0 s3, s7;
	s7 =	simm.s32 @!p0 $0x108  }
0x21: {  	s3 =	sadd.s32 s3, s9;
	s6 =	sadd.s32 @!p0 $0x88, s6;
	s7 =	simm.s32 @p2 $0x1082  }
0x22: {  	[simem:s7], [sflag:s8] =	dma.local @!p0 [hbm:s6], $0xF7A  }
0x23: {  	s9 =	sor.u32 $0xD0000000, s2;
	s6 =	simm.s32 $0x108;
	_ =	swait.ge @!p0 [sflag:s8], $0x0  }
0x24: {  	s3 =	sadd.s32 $0x88, s3;
	s6 =	simm.s32 @!p1 $0x1082;
	[sflag:s4] =	ssyncset.s32 $0xFFFFF086  }
0x25: {  	[simem:s6], [sflag:s4] =	dma.local [hbm:s3], $0xF7A  }
0x26: {  	[smem:$0x3FA0] =	sst s1;
	(tag) =	ssettag s2;
	_ =	strace s9  }
0x27: {  	s1 =	sld [smem:$0x3FB0]  }
0x28: {  	s2 =	sld [smem:$0x3FB1]  }
0x29: {  	s4 =	sld [smem:$0x3FB3]  }
0x2a: {  	p0 =	seq.s32 s5, $0x0;
	s5 =	sld [smem:$0x3FB4]  }
0x2b: {  	s6 =	sld [smem:$0x3FB5]  }
0x2c: {  	s7 =	sld [smem:$0x3FB6]  }
0x2d: {  	s3 =	simm.s32 $0x108;
	s8 =	sld [smem:$0x3FB7]  }
0x2e: {  	s3 =	simm.s32 @!p0 $0x1082;
	s9 =	sld [smem:$0x3FB8]  }
0x2f: {  	lr =	sadd.s32 s0, s3;
	s0 =	sld [smem:$0x3FAF]  }
0x30: {  	s3 =	sld [smem:$0x3FB2]  }
0x31: {  	[smem:$0x3FBB] =	sst s10  }
0x32: {  	s10 =	sld [smem:$0x3FB9];
	_ =	sdelay $0x3  }
0x33: {  	p0 =	seq.s32 s10, $0x1;
	s10 =	sld [smem:$0x3FBB];
	_ =	sdelay $0x3  }
0x34: {  	[smem:$0x3FBB] =	sst s10  }
0x35: {  	s10 =	sld [smem:$0x3FBA];
	_ =	sdelay $0x3  }
0x36: {  	p1 =	seq.s32 s10, $0x1;
	s10 =	sld [smem:$0x3FBB];
	_ =	sdelay $0x3  }
0x37: {  	[smem:$0x3FBB] =	sst s10  }
0x38: {  	s10 =	sld [smem:$0x3FBC]  }
0x39: {  	_ = 	snop;
	(pc) =	sbr.ind lr, $3  }
0x3a: {  	_ = 	snop  }
0x3b: {  	_ = 	snop  }
0x3c: {  	p2 =	seq.s32 s10, $0x1;
	s10 =	sld [smem:$0x3FBB]  }
0x3d: {  	_ =	shalt  }
0x3e: {  	_ =	shalt  }
0x3f: {  	_ =	shalt  }
0x40: {  	_ =	shalt  }
0x41: {  	_ =	shalt  }
0x42: {  	_ =	shalt  }
0x43: {  	_ =	shalt  }
0x44: {  	_ =	shalt  }
0x45: {  	_ =	shalt  }
0x46: {  	_ =	shalt  }
0x47: {  	_ =	shalt  }
0x48: {  	_ =	shalt  }
0x49: {  	_ =	shalt  }
0x4a: {  	_ =	shalt  }
0x4b: {  	_ =	shalt  }
0x4c: {  	_ =	shalt  }
0x4d: {  	_ =	shalt  }
0x4e: {  	_ =	shalt  }
0x4f: {  	_ =	shalt  }
0x50: {  	_ =	shalt  }
0x51: {  	_ =	shalt  }
0x52: {  	_ =	shalt  }
0x53: {  	_ =	shalt  }
0x54: {  	_ =	shalt  }
0x55: {  	_ =	shalt  }
0x56: {  	_ =	shalt  }
0x57: {  	_ =	shalt  }
0x58: {  	_ =	shalt  }
0x59: {  	_ =	shalt  }
0x5a: {  	_ =	shalt  }
0x5b: {  	_ =	shalt  }
0x5c: {  	_ =	shalt  }
0x5d: {  	_ =	shalt  }
0x5e: {  	_ =	shalt  }
0x5f: {  	_ =	shalt  }
0x60: {  	_ =	shalt  }
0x61: {  	_ =	shalt  }
0x62: {  	_ =	shalt  }
0x63: {  	_ =	shalt  }
0x64: {  	_ =	shalt  }
0x65: {  	_ =	shalt  }
0x66: {  	_ =	shalt  }
0x67: {  	_ =	shalt  }
0x68: {  	_ =	shalt  }
0x69: {  	_ =	shalt  }
0x6a: {  	_ =	shalt  }
0x6b: {  	_ =	shalt  }
0x6c: {  	_ =	shalt  }
0x6d: {  	_ =	shalt  }
0x6e: {  	_ =	shalt  }
0x6f: {  	_ =	shalt  }
0x70: {  	_ =	shalt  }
0x71: {  	_ =	shalt  }
0x72: {  	_ =	shalt  }
0x73: {  	_ =	shalt  }
0x74: {  	_ =	shalt  }
0x75: {  	_ =	shalt  }
0x76: {  	_ =	shalt  }
0x77: {  	_ =	shalt  }
0x78: {  	_ =	shalt  }
0x79: {  	_ =	shalt  }
0x7a: {  	_ =	shalt  }
0x7b: {  	_ =	shalt  }
0x7c: {  	_ =	shalt  }
0x7d: {  	_ =	shalt  }
0x7e: {  	_ =	shalt  }
0x7f: {  	_ =	shalt  }
0x80: {  	_ =	shalt  }
0x81: {  	_ =	shalt  }
0x82: {  	_ =	shalt  }
0x83: {  	_ =	shalt  }
0x84: {  	_ =	shalt  }
0x85: {  	_ =	shalt  }
0x86: {  	_ =	shalt  }
0x87: {  	_ =	shalt  }
.Lfunc_end0:
.L_simem_size_0:
called_computation.3_lowered:
.L_overlay_start_0:
0x88: {  	s2 =	sld [smem:$0x3FD9]  }
0x89: {  	s3 =	sld [smem:$0x3FFE];
	_ =	sdelay $0x1  }
0x8a: {  	s1 =	srdreg.scid  }
0x8b: {  	s0 =	sand.u32 $0x1, s1  }
0x8c: {  	s16 =	sshll.u32 s0, $0xA;
	s2 =	sadd.s32 s3, s2  }
0x8d: {  	s2 =	sadd.s32 s2, s16  }
0x8e: {  	[smem:$0x3FC7] =	sst s2  }
0x8f: {  	_ = 	snop  }
0x90: {  	(tm) =	ssettm $0x1  }
0x91: {  	s17 =	sld [smem:$0x3FFB];
	_ =	sdelay $0x3  }
0x92: {  	_ =	strace s17  }
0x93: {  	s2 =	sld [smem:$0x3FFC];
	_ =	sdelay $0x3  }
0x94: {  	_ =	strace s2  }
0x95: {  	s2 =	sld [smem:$0x3FFD];
	_ =	sdelay $0x3  }
0x96: {  	_ =	strace s2  }
0x97: {  	_ =	strace $0x8FFFFFFF  }
0x98: {  	s18 =	sld [smem:$0x3FDB];
	_ =	sdelay $0x1  }
0x99: {  	s19 =	simm.s32 $_scs_section_size  }
0x9a: {  	s4 =	simm.s32 $_size__tile_overlayer_lowered;
	s5 =	simm.s32 $_tile_overlayer_lowered  }
0x9b: {  	s22 =	simm.s32 $0x1BFF;
	s21 =	sshll.u32 s5, $0x1;
	s2 =	sadd.s32 s19, s18  }
0x9c: {  	s6 =	simm.s32 $0x0;
	s20 =	sshll.u32 s4, $0x1;
	s4 =	sadd.s32 s21, s2  }
0x9d: {  	[timem:s6], [sflag:s22] =	dma.local [hbm:s4], s20  }
0x9e: {  	_ =	swait.ge [sflag:s22], s20  }
0x9f: {  	s3 =	ssub.s32 $0x0, s20;
	[sflag:s22] =	ssyncset.done $0x0  }
0xa0: {  	[sflag:s22] =	ssyncadd.s32 s3;
	_ =	sdelay $0x1  }
0xa1: {  	s23 =	simm.s32 $0x1B8B  }
0xa2: {  	_ =	swait.ge [sflag:s23], $0x1  }
0xa3: {  	[sflag:s23] =	ssyncset.done $0x0  }
0xa4: {  	s25 =	simm.s32 $0x1B8E;
	s24 =	sld [smem:$0x3FFE];
	[sflag:s23] =	ssyncadd.s32 $0xFFFFFFFF  }
0xa5: {  	s26 =	simm.s32 $execute0_lowered;
	[smem:$0x3FD2] =	sst s25  }
0xa6: {  	s4 =	sshll.u32 s26, $0x1;
	_ =	strace $0x8000004F;
	[dreg:$0x1] =	wrdreg $0xFFFFFFFF  }
0xa7: {  	s28 =	simm.s32 $_size_execute0_lowered;
	s2 =	sadd.s32 s2, s4;
	[dreg:$0x0] =	wrdreg $0x0  }
0xa8: {  	s4 =	sshll.u32 s28, $0x1;
	[dreg:$0x2] =	wrdreg s2  }
0xa9: {  	[dreg:$0x3] =	wrdreg s4  }
0xaa: {  	[dreg:$0x4] =	wrdreg $0xC0  }
0xab: {  	_ =	task [dreg:s6], $0x5FFFF  }
0xac: {  	[dreg:$0x1] =	wrdreg $0xFFFFFFFF  }
0xad: {  	[dreg:$0x0] =	wrdreg $0x60  }
0xae: {  	[dreg:$0x2] =	wrdreg s24  }
0xaf: {  	[dreg:$0x3] =	wrdreg $0x9  }
0xb0: {  	_ =	task.clear_ibuf [dreg:s6], $0x4FFFF;
	_ =	strace $0x9000004F  }
0xb1: {  	s29 =	simm.s32 $0x9;
	_ =	strace $0x80000051  }
0xb2: {  	_ =	swait.ge [sflag:s29], $0x1  }
0xb3: {  	[sflag:s29] =	ssyncadd.s32 $0xFFFFFFFF  }
0xb4: {  	_ =	strace $0x90000051  }
0xb5: {  	_ =	sfence  }
0xb6: {  	s30 =	sld [smem:$0x0];
	_ =	sdelay $0x2  }
0xb7: {  	s31 =	sshll.u32 s1, $0xD;
	s1 =	sshrl.u32 s1, $0x2  }
0xb8: {  	s3 =	sand.u32 $0x4000, s31;
	s1 =	sadd.s32 s1, s30  }
0xb9: {  	s0 =	sor.u32 s3, s0;
	s1 =	sshll.u32 s1, $0x11  }
0xba: {  	s0 =	sor.u32 s1, s0  }
0xbb: {  	s0 =	sadd.s32 $0x8F2B, s0  }
0xbc: {  	[sflag:s0] =	ssyncadd.remote.s32 $0x1  }
0xbd: {  	_ =	sfence.sel $0xFFFF  }
0xbe: {  	[dreg:$0x0] =	wrdreg $0xFFFFFFFF;
	(pc) =	sbr.abs _section_cstart, $3  }
0xbf: {  	[dreg:$0x1] =	wrdreg $0xFFFFFFFF  }
0xc0: {  	_ =	task.clear_ibuf [dreg:s6], $0x2FFFF;
	_ =	strace $0x9FFFFFFF  }
0xc1: {  	(tm) =	ssettm $0x7FFFFFFF  }
tec
execute0_lowered:
.L_overlay_start_1:
0x0: {  	(tag) =	ssettag $0x1  }
0x1: {  	s2 =	rddreg [dreg:$0x0]  }
0x2: {  	s0 =	rddreg [dreg:$0x1];
	s1 =	simm.s32 $0x0  }
0x3: {  	s3 =	srdreg.scid;
	s8 =	simm.s32 $0x19800;
	s9 =	simm.s32 $0x1A800  }
0x4: {  	s10 =	simm.s32 $0x800;
	s11 =	simm.s32 $0x19000;
	s12 =	simm.s32 $0x18800  }
0x5: {  	s13 =	simm.s32 $0x1;
	[smem:$0x7FF] =	sst s1;
	s5 =	sand.u32 $0x1, s3  }
0x6: {  	s3 =	sadd.s32 $0x496800, s2;
	s4 =	sadd.s32 $0x30E800, s2;
	s6 =	ssub.s32 $0x2, s5  }
0x7: {  	v0 =	vlaneseq.u32;
	s2 =	stileid.u32;
	_ =	strace $0x80000050;
	s7 =	sshrl.u32 s6, $0x1  }
0x8: {  	v3 =	vmul.u32 $0x10, v0;
	s31 =	sshll.u32 s2, $0x3;
	s5 =	sshll.u32 s5, $0x2;
	s6 =	ssub.s32 s6, s7  }
0x9: {  	v1 =	vimm.s32 $0x0;
	v2 =	vimm.s32 $0x1;
	s5 =	sor.u32 s5, s31;
	s7 =	simm.s32 $0x2;
	s6 =	smax.u32 s6, $0x1  }
.LBB2_1:
0xa: {  	s14 =	simm.s32 $0x0  }
.LBB2_2:
0xb: {  	s15 =	sadd.s32 s5, s14  }
0xc: {  	s15 =	smul.u32 $0x18800, s15;
	_ =	sdelay $0x1  }
0xd: {  	s16 =	sshrl.u32 s15, $0x3  }
0xe: {  	s17 =	sadd.s32 s3, s16;
	s16 =	simm.s32 $0x0  }
0xf: {  	[tilespmem:s16], [sflag:$0x2] =	stream.linear.gather [hbm4b:s17+s16], $0x18800, $0x38;
	[tilespmem:$0x1A900] =	vst v63  }
0x10: {  	_ =	swait.ge [sflag:s7], $0x18800  }
0x11: {  	[sflag:s7] =	ssyncset.done $0x0  }
0x12: {  	s18 =	simm.s32 $0x0;
	s17 =	simm.s32 $0x40;
	[sflag:s7] =	ssyncadd.s32 $0xFFFE7800  }
.LBB2_3:
0x13: {  	p0 =	sne.s32 s17, $0x3FC0;
	[tilespmem:s18+$0x19800] =	vst v1;
	s18 =	smov.u32 s17;
	s17 =	sadd.s32 $0x40, s17  }
.Ltmp0:
0x14: {  	(pc) =	sbr.rel @p0 .LBB2_3-.Ltmp0, $2  }
0x15: {  	_ =	sdelay $0x2  }
0x16: {  	s18 =	sshra.s32 s18, $0x2  }
0x17: {  	[tilespmem:s18+$0x19800] =	vst v1  }
.LBB2_5:
0x18: {  	s17 =	sshra.s32 s16, $0x2  }
0x19: {  	v4 =	vld [tilespmem:s17+$0x0];
	_ =	sdelay $0x4  }
0x1a: {  	v4 =	vxor.u32 $0xFFFFFFFF, v4  }
0x1b: {  	v4 =	vshrl.u32 v4, $0xC  }
0x1c: {  	v4 =	vand.u32 $0xFF0, v4  }
0x1d: {  	p0 =	seq.s32 s16, $0x61FC0;
	v4 =	vor.u32 v0, v4  }
.Ltmp1:
0x1e: {  	_ = 	snop;
	(pc) =	sbr.rel @!p0 .LBB2_5-.Ltmp1, $2  }
0x1f: {  	_ =	sdelay $0x2  }
0x20: {  	s16 =	sadd.s32 $0x40, s16;
	[tilespmem:v4+s8+$0x0] =	vst.idx.add.s32.msk $0xffff, v2  }
0x21: {  	s17 =	simm.s32 $0x0  }
0x22: {  	v4 =	vmov s17  }
0x23: {  	v4 =	vshll.u32 v4, $0x4  }
0x24: {  	v4 =	vor.u32 v3, v4  }
0x25: {  	v5 =	vor.u32 $0x1, v4  }
0x26: {  	v6 =	vor.u32 $0x2, v4  }
0x27: {  	v7 =	vor.u32 $0x3, v4  }
0x28: {  	v8 =	vor.u32 $0x4, v4  }
0x29: {  	v9 =	vor.u32 $0x5, v4;
	v10 =	vld.idx.msk [tilespmem:v4+s8+$0x0], $0xffff  }
0x2a: {  	v11 =	vor.u32 $0x6, v4;
	v5 =	vld.idx.msk [tilespmem:v5+s8+$0x0], $0xffff  }
0x2b: {  	v12 =	vor.u32 $0x7, v4;
	v6 =	vld.idx.msk [tilespmem:v6+s8+$0x0], $0xffff  }
0x2c: {  	v13 =	vor.u32 $0x8, v4;
	v7 =	vld.idx.msk [tilespmem:v7+s8+$0x0], $0xffff  }
0x2d: {  	v14 =	vor.u32 $0x9, v4;
	v8 =	vld.idx.msk [tilespmem:v8+s8+$0x0], $0xffff  }
0x2e: {  	v15 =	vor.u32 $0xA, v4;
	v9 =	vld.idx.msk [tilespmem:v9+s8+$0x0], $0xffff  }
0x2f: {  	v16 =	vor.u32 $0xB, v4;
	v11 =	vld.idx.msk [tilespmem:v11+s8+$0x0], $0xffff;
	v5 =	vadd.s32 v10, v5  }
0x30: {  	v38 =	vor.u32 $0xC, v4;
	v37 =	vld.idx.msk [tilespmem:v12+s8+$0x0], $0xffff;
	v5 =	vadd.s32 v6, v5  }
0x31: {  	v39 =	vor.u32 $0xD, v4;
	v6 =	vld.idx.msk [tilespmem:v13+s8+$0x0], $0xffff;
	v5 =	vadd.s32 v7, v5  }
0x32: {  	v40 =	vor.u32 $0xE, v4;
	v7 =	vld.idx.msk [tilespmem:v14+s8+$0x0], $0xffff;
	v5 =	vadd.s32 v8, v5  }
0x33: {  	v4 =	vor.u32 $0xF, v4;
	v41 =	vld.idx.msk [tilespmem:v15+s8+$0x0], $0xffff;
	v5 =	vadd.s32 v9, v5  }
0x34: {  	v42 =	vld.idx.msk [tilespmem:v16+s8+$0x0], $0xffff;
	v5 =	vadd.s32 v11, v5  }
0x35: {  	v43 =	vld.idx.msk [tilespmem:v38+s8+$0x0], $0xffff;
	v5 =	vadd.s32 v37, v5  }
0x36: {  	v44 =	vld.idx.msk [tilespmem:v39+s8+$0x0], $0xffff;
	v5 =	vadd.s32 v6, v5  }
0x37: {  	v6 =	vld.idx.msk [tilespmem:v40+s8+$0x0], $0xffff;
	v5 =	vadd.s32 v7, v5  }
0x38: {  	v4 =	vld.idx.msk [tilespmem:v4+s8+$0x0], $0xffff;
	v5 =	vadd.s32 v41, v5  }
0x39: {  	v5 =	vadd.s32 v42, v5  }
0x3a: {  	v5 =	vadd.s32 v43, v5  }
0x3b: {  	v5 =	vadd.s32 v44, v5  }
0x3c: {  	v5 =	vadd.s32 v6, v5  }
0x3d: {  	v4 =	vadd.s32 v4, v5  }
0x3e: {  	s18 =	simm.s32 $0x10;
	(xrf0) =	vadd.scan.msk.s32 $0xffff, v4  }
0x3f: {  	v5 =	vmov s18  }
0x40: {  	v5 =	vshll.u32 v5, $0x4  }
0x41: {  	v5 =	vor.u32 v3, v5  }
0x42: {  	v6 =	vor.u32 $0x1, v5;
	_ =	sdelay $0x1  }
0x43: {  	v4 =	vsub.s32 s17, v4;
	v7 =	vor.u32 $0x2, v5;
	v45, _, _ =	vpop (xrf0)  }
0x44: {  	s16 =	simm.s32 $0x1A800;
	v46 =	vor.u32 $0x3, v5;
	v4 =	vadd.s32 v45, v4  }
0x45: {  	v47 =	vor.u32 $0x4, v5;
	[tilespmem:s16+$0x0] =	vst v4  }
0x46: {  	v4 =	vld.idx.msk [tilespmem:v6+s8+$0x0], $0xffff;
	v6 =	vor.u32 $0x5, v5  }
0x47: {  	v49 =	vor.u32 $0x6, v5;
	v48 =	vld.idx.msk [tilespmem:v5+s8+$0x0], $0xffff  }
0x48: {  	v50 =	vor.u32 $0x7, v5;
	v7 =	vld.idx.msk [tilespmem:v7+s8+$0x0], $0xffff  }
0x49: {  	v51 =	vor.u32 $0x8, v5;
	v9 =	vld.idx.msk [tilespmem:v46+s8+$0x0], $0xffff  }
0x4a: {  	v53 =	vor.u32 $0x9, v5;
	v52 =	vld.idx.msk [tilespmem:v47+s8+$0x0], $0xffff  }
0x4b: {  	v54 =	vor.u32 $0xA, v5;
	v6 =	vld.idx.msk [tilespmem:v6+s8+$0x0], $0xffff  }
0x4c: {  	v55 =	vor.u32 $0xB, v5;
	(v2sf) =	vpush v45, $0xF;
	v12 =	vld.idx.msk [tilespmem:v49+s8+$0x0], $0xffff;
	v4 =	vadd.s32 v48, v4  }
0x4d: {  	v57 =	vor.u32 $0xC, v5;
	v56 =	vld.idx.msk [tilespmem:v50+s8+$0x0], $0xffff;
	v4 =	vadd.s32 v7, v4  }
0x4e: {  	v58 =	vor.u32 $0xD, v5;
	v7 =	vld.idx.msk [tilespmem:v51+s8+$0x0], $0xffff;
	v4 =	vadd.s32 v9, v4  }
0x4f: {  	v60 =	vor.u32 $0xE, v5;
	v59 =	vld.idx.msk [tilespmem:v53+s8+$0x0], $0xffff;
	v4 =	vadd.s32 v52, v4  }
0x50: {  	v61 =	vld.idx.msk [tilespmem:v54+s8+$0x0], $0xffff;
	v5 =	vor.u32 $0xF, v5;
	v4 =	vadd.s32 v6, v4  }
0x51: {  	v6 =	vld.idx.msk [tilespmem:v55+s8+$0x0], $0xffff;
	v4 =	vadd.s32 v12, v4  }
0x52: {  	v62 =	vld.idx.msk [tilespmem:v57+s8+$0x0], $0xffff;
	v4 =	vadd.s32 v56, v4  }
0x53: {  	v63 =	vld.idx.msk [tilespmem:v58+s8+$0x0], $0xffff;
	v4 =	vadd.s32 v7, v4  }
0x54: {  	v7 =	vld.idx.msk [tilespmem:v60+s8+$0x0], $0xffff;
	v4 =	vadd.s32 v59, v4  }
0x55: {  	v5 =	vld.idx.msk [tilespmem:v5+s8+$0x0], $0xffff;
	v4 =	vadd.s32 v61, v4  }
0x56: {  	v4 =	vadd.s32 v6, v4  }
0x57: {  	v4 =	vadd.s32 v62, v4  }
0x58: {  	v4 =	vadd.s32 v63, v4  }
0x59: {  	v4 =	vadd.s32 v7, v4  }
0x5a: {  	v5 =	vadd.s32 v5, v4  }
0x5b: {  	s30 =	simm.s32 $0x20;
	s31 =	spop (v2sf);
	(xrf0) =	vadd.scan.msk.s32 $0xffff, v5  }
0x5c: {  	s17 =	sadd.s32 $0x0, s31;
	v6 =	vmov s30  }
0x5d: {  	s18 =	simm.s32 $0x30;
	v4 =	vsub.s32 s17, v5;
	v5 =	vshll.u32 v6, $0x4  }
.LBB2_7:
0x5e: {  	p0 =	seq.s32 s18, $0xF0;
	v5 =	vor.u32 v3, v5  }
0x5f: {  	v6 =	vor.u32 $0x1, v5;
	_ =	sdelay $0x1  }
0x60: {  	v7 =	vor.u32 $0x2, v5;
	v8, _, _ =	vpop (xrf0)  }
0x61: {  	s16 =	sadd.s32 $0x10, s16;
	v9 =	vor.u32 $0x3, v5;
	v4 =	vadd.s32 v8, v4;
	(v2sf) =	vpush v8, $0xF  }
0x62: {  	v8 =	vor.u32 $0x4, v5;
	[tilespmem:s16+$0x0] =	vst v4  }
0x63: {  	v4 =	vld.idx.msk [tilespmem:v6+s8+$0x0], $0xffff;
	v6 =	vor.u32 $0x5, v5  }
0x64: {  	v11 =	vor.u32 $0x6, v5;
	v10 =	vld.idx.msk [tilespmem:v5+s8+$0x0], $0xffff  }
0x65: {  	v12 =	vor.u32 $0x7, v5;
	v7 =	vld.idx.msk [tilespmem:v7+s8+$0x0], $0xffff  }
0x66: {  	v13 =	vor.u32 $0x8, v5;
	v9 =	vld.idx.msk [tilespmem:v9+s8+$0x0], $0xffff  }
0x67: {  	v14 =	vor.u32 $0x9, v5;
	v8 =	vld.idx.msk [tilespmem:v8+s8+$0x0], $0xffff  }
0x68: {  	v15 =	vor.u32 $0xA, v5;
	v6 =	vld.idx.msk [tilespmem:v6+s8+$0x0], $0xffff  }
0x69: {  	v16 =	vor.u32 $0xB, v5;
	v11 =	vld.idx.msk [tilespmem:v11+s8+$0x0], $0xffff  }
0x6a: {  	v4 =	vadd.s32 v10, v4;
	v10 =	vld.idx.msk [tilespmem:v12+s8+$0x0], $0xffff;
	v12 =	vor.u32 $0xC, v5  }
0x6b: {  	v4 =	vadd.s32 v7, v4;
	v7 =	vld.idx.msk [tilespmem:v13+s8+$0x0], $0xffff;
	v13 =	vor.u32 $0xD, v5  }
0x6c: {  	v4 =	vadd.s32 v9, v4;
	v9 =	vld.idx.msk [tilespmem:v14+s8+$0x0], $0xffff;
	v14 =	vor.u32 $0xE, v5  }
0x6d: {  	v4 =	vadd.s32 v8, v4;
	v5 =	vor.u32 $0xF, v5;
	v8 =	vld.idx.msk [tilespmem:v15+s8+$0x0], $0xffff  }
0x6e: {  	v4 =	vadd.s32 v6, v4;
	v6 =	vld.idx.msk [tilespmem:v16+s8+$0x0], $0xffff  }
0x6f: {  	v4 =	vadd.s32 v11, v4;
	v11 =	vld.idx.msk [tilespmem:v12+s8+$0x0], $0xffff  }
0x70: {  	v4 =	vadd.s32 v10, v4;
	v10 =	vld.idx.msk [tilespmem:v13+s8+$0x0], $0xffff;
	s19 =	spop (v2sf)  }
0x71: {  	v4 =	vadd.s32 v7, v4;
	v7 =	vld.idx.msk [tilespmem:v14+s8+$0x0], $0xffff;
	s17 =	sadd.s32 s17, s19  }
0x72: {  	v4 =	vadd.s32 v9, v4;
	v5 =	vld.idx.msk [tilespmem:v5+s8+$0x0], $0xffff  }
0x73: {  	v4 =	vadd.s32 v8, v4  }
0x74: {  	v4 =	vadd.s32 v6, v4  }
0x75: {  	v4 =	vadd.s32 v11, v4  }
0x76: {  	v4 =	vadd.s32 v10, v4  }
.Ltmp2:
0x77: {  	v4 =	vadd.s32 v7, v4;
	(pc) =	sbr.rel @!p0 .LBB2_7-.Ltmp2, $4  }
0x78: {  	v5 =	vadd.s32 v5, v4  }
0x79: {  	v4 =	vsub.s32 s17, v5;
	(xrf0) =	vadd.scan.msk.s32 $0xffff, v5  }
0x7a: {  	v5 =	vmov s18  }
0x7b: {  	s18 =	sadd.s32 $0x10, s18;
	v5 =	vshll.u32 v5, $0x4  }
0x7c: {  	v5 =	vor.u32 v3, v5  }
0x7d: {  	v6 =	vor.u32 $0x1, v5;
	_ =	sdelay $0x1  }
0x7e: {  	v7 =	vor.u32 $0x2, v5;
	v8, _, _ =	vpop (xrf0)  }
0x7f: {  	s16 =	sadd.s32 $0x10, s16;
	v9 =	vor.u32 $0x3, v5;
	v4 =	vadd.s32 v8, v4  }
0x80: {  	v10 =	vor.u32 $0x4, v5;
	[tilespmem:s16+$0x0] =	vst v4  }
0x81: {  	v4 =	vld.idx.msk [tilespmem:v6+s8+$0x0], $0xffff;
	v6 =	vor.u32 $0x5, v5  }
0x82: {  	v12 =	vor.u32 $0x6, v5;
	v11 =	vld.idx.msk [tilespmem:v5+s8+$0x0], $0xffff  }
0x83: {  	v13 =	vor.u32 $0x7, v5;
	v7 =	vld.idx.msk [tilespmem:v7+s8+$0x0], $0xffff  }
0x84: {  	v14 =	vor.u32 $0x8, v5;
	v9 =	vld.idx.msk [tilespmem:v9+s8+$0x0], $0xffff  }
0x85: {  	v15 =	vor.u32 $0x9, v5;
	v10 =	vld.idx.msk [tilespmem:v10+s8+$0x0], $0xffff  }
0x86: {  	v16 =	vor.u32 $0xA, v5;
	v6 =	vld.idx.msk [tilespmem:v6+s8+$0x0], $0xffff  }
0x87: {  	v61 =	vor.u32 $0xB, v5;
	v12 =	vld.idx.msk [tilespmem:v12+s8+$0x0], $0xffff;
	v4 =	vadd.s32 v11, v4  }
0x88: {  	v13 =	vld.idx.msk [tilespmem:v13+s8+$0x0], $0xffff;
	v4 =	vadd.s32 v7, v4;
	v7 =	vor.u32 $0xC, v5  }
0x89: {  	v62 =	vor.u32 $0xD, v5;
	v14 =	vld.idx.msk [tilespmem:v14+s8+$0x0], $0xffff;
	v4 =	vadd.s32 v9, v4  }
0x8a: {  	v63 =	vor.u32 $0xE, v5;
	v15 =	vld.idx.msk [tilespmem:v15+s8+$0x0], $0xffff;
	v4 =	vadd.s32 v10, v4  }
0x8b: {  	v16 =	vld.idx.msk [tilespmem:v16+s8+$0x0], $0xffff;
	v5 =	vor.u32 $0xF, v5;
	v4 =	vadd.s32 v6, v4  }
0x8c: {  	v6 =	vld.idx.msk [tilespmem:v61+s8+$0x0], $0xffff;
	v4 =	vadd.s32 v12, v4  }
0x8d: {  	v7 =	vld.idx.msk [tilespmem:v7+s8+$0x0], $0xffff;
	v4 =	vadd.s32 v13, v4  }
0x8e: {  	v9 =	vld.idx.msk [tilespmem:v62+s8+$0x0], $0xffff;
	v4 =	vadd.s32 v14, v4  }
0x8f: {  	v10 =	vld.idx.msk [tilespmem:v63+s8+$0x0], $0xffff;
	v4 =	vadd.s32 v15, v4  }
0x90: {  	v5 =	vld.idx.msk [tilespmem:v5+s8+$0x0], $0xffff;
	v4 =	vadd.s32 v16, v4  }
0x91: {  	v4 =	vadd.s32 v6, v4  }
0x92: {  	v4 =	vadd.s32 v7, v4  }
0x93: {  	v4 =	vadd.s32 v9, v4  }
0x94: {  	v4 =	vadd.s32 v10, v4  }
0x95: {  	v4 =	vadd.s32 v5, v4  }
0x96: {  	(xrf0) =	vadd.scan.msk.s32 $0xffff, v4  }
0x97: {  	(v2sf) =	vpush v8, $0xF;
	_ =	sdelay $0x4  }
0x98: {  	v5, _, _ =	vpop (xrf0)  }
0x99: {  	(v2sf) =	vpush v5, $0xF;
	_ =	sdelay $0x8  }
0x9a: {  	s18 =	spop (v2sf)  }
0x9b: {  	s17 =	sadd.s32 s17, s18  }
0x9c: {  	v4 =	vsub.s32 s17, v4  }
0x9d: {  	s16 =	sadd.s32 $0x10, s16;
	v4 =	vadd.s32 v5, v4  }
0x9e: {  	[tilespmem:s16+$0x0] =	vst v4;
	v4 =	vmov s15  }
0x9f: {  	v4 =	vadd.s32 $0xFFFFFFFF, v4  }
0xa0: {  	s15 =	simm.s32 $0x0;
	s16 =	simm.s32 $0x30;
	v4 =	vbroadcast v4, $0x0;
	s31 =	spop (v2sf)  }
.LBB2_9:
0xa1: {  	v5 =	vmov s16;
	_ =	sdelay $0x2  }
0xa2: {  	s17 =	simm.s32 $0x0  }
.LBB2_10:
0xa3: {  	s18 =	sshra.s32 s17, $0x2  }
0xa4: {  	v6 =	vld.idx.msk [tilespmem:v5+s18+$0xFFFFFFD0 ss:$0x1], $0xffff;
	_ =	sdelay $0x4  }
0xa5: {  	v7 =	vxor.u32 $0xFFFFFFFF, v6  }
0xa6: {  	v7 =	vshrl.u32 v7, $0x10  }
0xa7: {  	v7 =	vand.u32 $0xFF, v7  }
0xa8: {  	(xrf1) =	vunique.msk.u32 $0xffff, v7;
	_ =	sdelay $0xd  }
0xa9: {  	_, v8, vm0 =	vpop (xrf1)  }
0xaa: {  	v9 =	vld.idx.msk [tilespmem:v7+s9+$0x0], $0xffff;
	_ =	sdelay $0x4  }
0xab: {  	v9 =	vadd.s32 v9, v4;
	[tilespmem:v7+s9+$0x0] =	vst.idx.add.s32.msk vm0, v8  }
0xac: {  	v7 =	vadd.s32 v8, v9;
	[tilespmem:s18+$0x18800] =	vst v6  }
0xad: {  	[tilespmem:s18+$0x19000] =	vst v7  }
0xae: {  	v6 =	vld.idx.msk [tilespmem:v5+s18+$0xFFFFFFE0 ss:$0x1], $0xffff;
	_ =	sdelay $0x4  }
0xaf: {  	v7 =	vxor.u32 $0xFFFFFFFF, v6  }
0xb0: {  	v7 =	vshrl.u32 v7, $0x10  }
0xb1: {  	v7 =	vand.u32 $0xFF, v7  }
0xb2: {  	(xrf1) =	vunique.msk.u32 $0xffff, v7;
	_ =	sdelay $0xd  }
0xb3: {  	_, v58, vm0 =	vpop (xrf1)  }
0xb4: {  	v59 =	vld.idx.msk [tilespmem:v7+s9+$0x0], $0xffff;
	_ =	sdelay $0x4  }
0xb5: {  	v9 =	vadd.s32 v59, v4;
	[tilespmem:v7+s9+$0x0] =	vst.idx.add.s32.msk vm0, v58  }
0xb6: {  	v7 =	vadd.s32 v58, v9;
	[tilespmem:s18+$0x18810] =	vst v6  }
0xb7: {  	[tilespmem:s18+$0x19010] =	vst v7  }
0xb8: {  	v6 =	vld.idx.msk [tilespmem:v5+s18+$0xFFFFFFF0 ss:$0x1], $0xffff;
	_ =	sdelay $0x4  }
0xb9: {  	v7 =	vxor.u32 $0xFFFFFFFF, v6  }
0xba: {  	v7 =	vshrl.u32 v7, $0x10  }
0xbb: {  	v7 =	vand.u32 $0xFF, v7  }
0xbc: {  	(xrf1) =	vunique.msk.u32 $0xffff, v7;
	_ =	sdelay $0xd  }
0xbd: {  	_, v60, vm0 =	vpop (xrf1)  }
0xbe: {  	v61 =	vld.idx.msk [tilespmem:v7+s9+$0x0], $0xffff;
	_ =	sdelay $0x4  }
0xbf: {  	v9 =	vadd.s32 v61, v4;
	[tilespmem:v7+s9+$0x0] =	vst.idx.add.s32.msk vm0, v60  }
0xc0: {  	v7 =	vadd.s32 v60, v9;
	[tilespmem:s18+$0x18820] =	vst v6  }
0xc1: {  	[tilespmem:s18+$0x19020] =	vst v7  }
0xc2: {  	v6 =	vld.idx.msk [tilespmem:v5+s18+$0x0 ss:$0x1], $0xffff;
	_ =	sdelay $0x4  }
0xc3: {  	v7 =	vxor.u32 $0xFFFFFFFF, v6  }
0xc4: {  	v7 =	vshrl.u32 v7, $0x10  }
0xc5: {  	v7 =	vand.u32 $0xFF, v7  }
0xc6: {  	(xrf1) =	vunique.msk.u32 $0xffff, v7;
	_ =	sdelay $0xd  }
0xc7: {  	_, v62, vm0 =	vpop (xrf1)  }
0xc8: {  	v63 =	vld.idx.msk [tilespmem:v7+s9+$0x0], $0xffff;
	_ =	sdelay $0x1  }
0xc9: {  	p0 =	sne.s32 s17, $0x1F00  }
.Ltmp3:
0xca: {  	_ = 	snop;
	(pc) =	sbr.rel @p0 .LBB2_10-.Ltmp3, $4  }
0xcb: {  	_ = 	snop  }
0xcc: {  	v9 =	vadd.s32 v63, v4;
	[tilespmem:v7+s9+$0x0] =	vst.idx.add.s32.msk vm0, v62  }
0xcd: {  	v7 =	vadd.s32 v62, v9;
	[tilespmem:s18+$0x18830] =	vst v6  }
0xce: {  	s17 =	sadd.s32 $0x100, s17;
	[tilespmem:s18+$0x19030] =	vst v7  }
0xcf: {  	s15 =	sadd.s32 $0x1, s15  }
0xd0: {  	p0 =	sne.s32 s15, $0x31  }
.Ltmp4:
0xd1: {  	_ = 	snop;
	(pc) =	sbr.rel @p0 .LBB2_9-.Ltmp4, $4  }
0xd2: {  	[hbm4b:s4+s10] =	stream.indirect.scatter [tilespmem:s12], [sflag:$0x1], $0x1, s11, s10, $0xb8;
	[tilespmem:$0x1A900] =	vst v63  }
0xd3: {  	_ =	swait.ge [sflag:s13], $0x800  }
0xd4: {  	[sflag:s13] =	ssyncset.done $0x0  }
0xd5: {  	s16 =	sadd.s32 $0x800, s16;
	[sflag:s13] =	ssyncadd.s32 $0xFFFFF800  }
0xd6: {  	s14 =	sadd.s32 $0x1, s14  }
0xd7: {  	p0 =	sne.s32 s14, $0x4  }
.Ltmp5:
0xd8: {  	_ = 	snop;
	(pc) =	sbr.rel @p0 .LBB2_2-.Ltmp5, $1  }
0xd9: {  	_ =	sdelay $0x3  }
0xda: {  	s1 =	sadd.s32 $0x1, s1  }
0xdb: {  	p0 =	sne.s32 s1, s6  }
.Ltmp6:
0xdc: {  	_ = 	snop;
	(pc) =	sbr.rel @p0 .LBB2_1-.Ltmp6, $1  }
0xdd: {  	_ =	sdelay $0x3  }
0xde: {  	_ =	sfence.sel $0x180000  }
0xdf: {  	[bflag:$0x0] =	sbarrier.arrive $0xFFFF  }
0xe0: {  	p0 =	sne.s32 s2, $0x0;
	_ =	strace $0x90000050  }
0xe1: {  	s0 =	sadd.s32 @!p0 $0x100000, s0;
	[bflag:$0x2] =	sbarrier.arrive $0xFFFF  }
0xe2: {  	[sflag:s0] =	ssyncadd.tile.s32 @!p0 $0x1;
	_ =	shalt  }
.Lfunc_end2:
_tile_overlayer_lowered:
.L_overlay_start_2:
0xe3: {  	(tag) =	ssettag $0x2  }
0xe4: {  	s0 =	rddreg [dreg:$0x0];
	s2 =	stileid.u32  }
0xe5: {  	s1 =	rddreg [dreg:$0x1];
	p0 =	sne.s32 s2, $0x0  }
0xe6: {  	s3 =	rddreg [dreg:$0x2];
	[bflag:$0x3] =	sbarrier.arrive $0xFFFF;
	s2 =	simm.s32 @!p0 $0x1C02  }
0xe7: {  	[timem:s3], [sflag:s2] =	dma.local @!p0 [hbm:s0], s1  }
0xe8: {  	s0 =	simm.s32 @!p0 $0x2  }
0xe9: {  	_ =	swait.ge @!p0 [sflag:s0], s1  }
0xea: {  	s1 =	ssub.s32 @!p0 $0x0, s1;
	[sflag:s0] =	ssyncset.done @!p0 $0x0  }
0xeb: {  	[sflag:s0] =	ssyncadd.s32 @!p0 s1  }
0xec: {  	[bflag:$0x3] =	sbarrier.arrive $0xFFFF  }
0xed: {  	_ =	shalt  }

// kernel: kernel.16.cloned.1.call-start
scs
__scs_entry_jumppad:
0x0: {  	(pc) =	sbr.rel $0x88, $3  }
0x1: {  	(tag) =	ssettag $0x0;
	lr =	simm.s32 $0x1  }
0x2: {  	[smem:$0x3FA0] =	sst lr;
	_ =	strace $0xD0000000  }
0x3: {  	_ = 	snop  }
0x4: {  	_ = 	snop  }
0x5: {  	_ = 	snop  }
0x6: {  	_ = 	snop  }
0x7: {  	_ = 	snop  }
__scs_overlays_trampoline_lowered:
0x8: {  	[smem:$0x3FAF] =	sst s0  }
0x9: {  	[smem:$0x3FB0] =	sst s1  }
0xa: {  	[smem:$0x3FB1] =	sst s2  }
0xb: {  	[smem:$0x3FB2] =	sst s3  }
0xc: {  	[smem:$0x3FB3] =	sst s4  }
0xd: {  	[smem:$0x3FB4] =	sst s5  }
0xe: {  	[smem:$0x3FB5] =	sst s6  }
0xf: {  	[smem:$0x3FB6] =	sst s7  }
0x10: {  	[smem:$0x3FB7] =	sst s8  }
0x11: {  	[smem:$0x3FB8] =	sst s9;
	s0 =	simm.s32 @!p0 $0x0  }
0x12: {  	s1 =	sld [smem:$0x3F9E];
	s0 =	simm.s32 @p0 $0x1  }
0x13: {  	[smem:$0x3FB9] =	sst s0;
	s0 =	simm.s32 @!p1 $0x0  }
0x14: {  	s2 =	sld [smem:$0x3F9D];
	s0 =	simm.s32 @p1 $0x1  }
0x15: {  	[smem:$0x3FBA] =	sst s0;
	s0 =	simm.s32 @!p2 $0x0  }
0x16: {  	s3 =	sld [smem:$0x3FDB];
	s0 =	simm.s32 @p2 $0x1  }
0x17: {  	s4 =	simm.s32 $0x1BF5;
	[smem:$0x3FBC] =	sst s0  }
0x18: {  	s0 =	sld [smem:$0x3F9F];
	_ =	swait.ge [sflag:s4], $0x0  }
0x19: {  	s7 =	sld [smem:$0x3FA0]  }
0x1a: {  	s8 =	sadd.s32 $0xFFFFE003, lr  }
0x1b: {  	s9 =	sadd.s32 $0xFFFFFEF7, lr;
	s5 =	simm.s32 $0xFFFFFFFF;
	p2 =	slt.u32 s8, $0xFFFFF086  }
0x1c: {  	p1 =	slt.u32 s9, $0xF7A;
	s5 =	simm.s32 @!p2 $0x0  }
0x1d: {  	s5 =	simm.s32 @p1 $0x1;
	p0 =	seq.s32 s7, s2  }
0x1e: {  	s7 =	smul.u32 @!p0 $0xF7A, s2;
	p2 =	seq.s32 @!p0 s5, $0x0  }
0x1f: {  	s9 =	smul.u32 $0xF7A, s1;
	s8 =	simm.s32 @!p0 $0x1BF5;
	p2 =	por !p2, p0  }
0x20: {  	[sflag:s8] =	ssyncset.s32 @!p0 $0xFFFFF086;
	s6 =	sadd.s32 @!p0 s3, s7;
	s7 =	simm.s32 @!p0 $0x108  }
0x21: {  	s3 =	sadd.s32 s3, s9;
	s6 =	sadd.s32 @!p0 $0x88, s6;
	s7 =	simm.s32 @p2 $0x1082  }
0x22: {  	[simem:s7], [sflag:s8] =	dma.local @!p0 [hbm:s6], $0xF7A  }
0x23: {  	s9 =	sor.u32 $0xD0000000, s2;
	s6 =	simm.s32 $0x108;
	_ =	swait.ge @!p0 [sflag:s8], $0x0  }
0x24: {  	s3 =	sadd.s32 $0x88, s3;
	s6 =	simm.s32 @!p1 $0x1082;
	[sflag:s4] =	ssyncset.s32 $0xFFFFF086  }
0x25: {  	[simem:s6], [sflag:s4] =	dma.local [hbm:s3], $0xF7A  }
0x26: {  	[smem:$0x3FA0] =	sst s1;
	(tag) =	ssettag s2;
	_ =	strace s9  }
0x27: {  	s1 =	sld [smem:$0x3FB0]  }
0x28: {  	s2 =	sld [smem:$0x3FB1]  }
0x29: {  	s4 =	sld [smem:$0x3FB3]  }
0x2a: {  	p0 =	seq.s32 s5, $0x0;
	s5 =	sld [smem:$0x3FB4]  }
0x2b: {  	s6 =	sld [smem:$0x3FB5]  }
0x2c: {  	s7 =	sld [smem:$0x3FB6]  }
0x2d: {  	s3 =	simm.s32 $0x108;
	s8 =	sld [smem:$0x3FB7]  }
0x2e: {  	s3 =	simm.s32 @!p0 $0x1082;
	s9 =	sld [smem:$0x3FB8]  }
0x2f: {  	lr =	sadd.s32 s0, s3;
	s0 =	sld [smem:$0x3FAF]  }
0x30: {  	s3 =	sld [smem:$0x3FB2]  }
0x31: {  	[smem:$0x3FBB] =	sst s10  }
0x32: {  	s10 =	sld [smem:$0x3FB9];
	_ =	sdelay $0x3  }
0x33: {  	p0 =	seq.s32 s10, $0x1;
	s10 =	sld [smem:$0x3FBB];
	_ =	sdelay $0x3  }
0x34: {  	[smem:$0x3FBB] =	sst s10  }
0x35: {  	s10 =	sld [smem:$0x3FBA];
	_ =	sdelay $0x3  }
0x36: {  	p1 =	seq.s32 s10, $0x1;
	s10 =	sld [smem:$0x3FBB];
	_ =	sdelay $0x3  }
0x37: {  	[smem:$0x3FBB] =	sst s10  }
0x38: {  	s10 =	sld [smem:$0x3FBC]  }
0x39: {  	_ = 	snop;
	(pc) =	sbr.ind lr, $3  }
0x3a: {  	_ = 	snop  }
0x3b: {  	_ = 	snop  }
0x3c: {  	p2 =	seq.s32 s10, $0x1;
	s10 =	sld [smem:$0x3FBB]  }
0x3d: {  	_ =	shalt  }
0x3e: {  	_ =	shalt  }
0x3f: {  	_ =	shalt  }
0x40: {  	_ =	shalt  }
0x41: {  	_ =	shalt  }
0x42: {  	_ =	shalt  }
0x43: {  	_ =	shalt  }
0x44: {  	_ =	shalt  }
0x45: {  	_ =	shalt  }
0x46: {  	_ =	shalt  }
0x47: {  	_ =	shalt  }
0x48: {  	_ =	shalt  }
0x49: {  	_ =	shalt  }
0x4a: {  	_ =	shalt  }
0x4b: {  	_ =	shalt  }
0x4c: {  	_ =	shalt  }
0x4d: {  	_ =	shalt  }
0x4e: {  	_ =	shalt  }
0x4f: {  	_ =	shalt  }
0x50: {  	_ =	shalt  }
0x51: {  	_ =	shalt  }
0x52: {  	_ =	shalt  }
0x53: {  	_ =	shalt  }
0x54: {  	_ =	shalt  }
0x55: {  	_ =	shalt  }
0x56: {  	_ =	shalt  }
0x57: {  	_ =	shalt  }
0x58: {  	_ =	shalt  }
0x59: {  	_ =	shalt  }
0x5a: {  	_ =	shalt  }
0x5b: {  	_ =	shalt  }
0x5c: {  	_ =	shalt  }
0x5d: {  	_ =	shalt  }
0x5e: {  	_ =	shalt  }
0x5f: {  	_ =	shalt  }
0x60: {  	_ =	shalt  }
0x61: {  	_ =	shalt  }
0x62: {  	_ =	shalt  }
0x63: {  	_ =	shalt  }
0x64: {  	_ =	shalt  }
0x65: {  	_ =	shalt  }
0x66: {  	_ =	shalt  }
0x67: {  	_ =	shalt  }
0x68: {  	_ =	shalt  }
0x69: {  	_ =	shalt  }
0x6a: {  	_ =	shalt  }
0x6b: {  	_ =	shalt  }
0x6c: {  	_ =	shalt  }
0x6d: {  	_ =	shalt  }
0x6e: {  	_ =	shalt  }
0x6f: {  	_ =	shalt  }
0x70: {  	_ =	shalt  }
0x71: {  	_ =	shalt  }
0x72: {  	_ =	shalt  }
0x73: {  	_ =	shalt  }
0x74: {  	_ =	shalt  }
0x75: {  	_ =	shalt  }
0x76: {  	_ =	shalt  }
0x77: {  	_ =	shalt  }
0x78: {  	_ =	shalt  }
0x79: {  	_ =	shalt  }
0x7a: {  	_ =	shalt  }
0x7b: {  	_ =	shalt  }
0x7c: {  	_ =	shalt  }
0x7d: {  	_ =	shalt  }
0x7e: {  	_ =	shalt  }
0x7f: {  	_ =	shalt  }
0x80: {  	_ =	shalt  }
0x81: {  	_ =	shalt  }
0x82: {  	_ =	shalt  }
0x83: {  	_ =	shalt  }
0x84: {  	_ =	shalt  }
0x85: {  	_ =	shalt  }
0x86: {  	_ =	shalt  }
0x87: {  	_ =	shalt  }
.Lfunc_end0:
.L_simem_size_0:
called_computation.4_lowered:
.L_overlay_start_0:
0x88: {  	s2 =	sld [smem:$0x3FD9]  }
0x89: {  	s3 =	sld [smem:$0x3FFE];
	_ =	sdelay $0x1  }
0x8a: {  	s1 =	srdreg.scid  }
0x8b: {  	s0 =	sand.u32 $0x1, s1  }
0x8c: {  	s16 =	sshll.u32 s0, $0xA;
	s2 =	sadd.s32 s3, s2  }
0x8d: {  	s2 =	sadd.s32 s2, s16  }
0x8e: {  	[smem:$0x3FC7] =	sst s2  }
0x8f: {  	_ = 	snop  }
0x90: {  	(tm) =	ssettm $0x1  }
0x91: {  	s17 =	sld [smem:$0x3FFB];
	_ =	sdelay $0x3  }
0x92: {  	_ =	strace s17  }
0x93: {  	s2 =	sld [smem:$0x3FFC];
	_ =	sdelay $0x3  }
0x94: {  	_ =	strace s2  }
0x95: {  	s2 =	sld [smem:$0x3FFD];
	_ =	sdelay $0x3  }
0x96: {  	_ =	strace s2  }
0x97: {  	_ =	strace $0x8FFFFFFF  }
0x98: {  	s18 =	sld [smem:$0x3FDB];
	_ =	sdelay $0x1  }
0x99: {  	s19 =	simm.s32 $_scs_section_size  }
0x9a: {  	s4 =	simm.s32 $_size__tile_overlayer_lowered;
	s5 =	simm.s32 $_tile_overlayer_lowered  }
0x9b: {  	s22 =	simm.s32 $0x1BFF;
	s21 =	sshll.u32 s5, $0x1;
	s2 =	sadd.s32 s19, s18  }
0x9c: {  	s6 =	simm.s32 $0x0;
	s20 =	sshll.u32 s4, $0x1;
	s4 =	sadd.s32 s21, s2  }
0x9d: {  	[timem:s6], [sflag:s22] =	dma.local [hbm:s4], s20  }
0x9e: {  	_ =	swait.ge [sflag:s22], s20  }
0x9f: {  	s3 =	ssub.s32 $0x0, s20;
	[sflag:s22] =	ssyncset.done $0x0  }
0xa0: {  	[sflag:s22] =	ssyncadd.s32 s3;
	_ =	sdelay $0x1  }
0xa1: {  	s23 =	simm.s32 $0x1B8B  }
0xa2: {  	_ =	swait.ge [sflag:s23], $0x1  }
0xa3: {  	[sflag:s23] =	ssyncset.done $0x0  }
0xa4: {  	s25 =	simm.s32 $0x1B8E;
	s24 =	sld [smem:$0x3FFE];
	[sflag:s23] =	ssyncadd.s32 $0xFFFFFFFF  }
0xa5: {  	s26 =	simm.s32 $execute0_lowered;
	[smem:$0x3FD2] =	sst s25  }
0xa6: {  	s4 =	sshll.u32 s26, $0x1;
	_ =	strace $0x80000052;
	[dreg:$0x1] =	wrdreg $0xFFFFFFFF  }
0xa7: {  	s28 =	simm.s32 $_size_execute0_lowered;
	s2 =	sadd.s32 s2, s4;
	[dreg:$0x0] =	wrdreg $0x0  }
0xa8: {  	s4 =	sshll.u32 s28, $0x1;
	[dreg:$0x2] =	wrdreg s2  }
0xa9: {  	[dreg:$0x3] =	wrdreg s4  }
0xaa: {  	[dreg:$0x4] =	wrdreg $0xC0  }
0xab: {  	_ =	task [dreg:s6], $0x5FFFF  }
0xac: {  	[dreg:$0x1] =	wrdreg $0xFFFFFFFF  }
0xad: {  	[dreg:$0x0] =	wrdreg $0x60  }
0xae: {  	[dreg:$0x2] =	wrdreg s24  }
0xaf: {  	[dreg:$0x3] =	wrdreg $0x9  }
0xb0: {  	_ =	task.clear_ibuf [dreg:s6], $0x4FFFF;
	_ =	strace $0x90000052  }
0xb1: {  	s29 =	simm.s32 $0x9;
	_ =	strace $0x80000054  }
0xb2: {  	_ =	swait.ge [sflag:s29], $0x1  }
0xb3: {  	[sflag:s29] =	ssyncadd.s32 $0xFFFFFFFF  }
0xb4: {  	_ =	strace $0x90000054  }
0xb5: {  	_ =	sfence  }
0xb6: {  	s30 =	sld [smem:$0x0];
	_ =	sdelay $0x2  }
0xb7: {  	s31 =	sshll.u32 s1, $0xD;
	s1 =	sshrl.u32 s1, $0x2  }
0xb8: {  	s3 =	sand.u32 $0x4000, s31;
	s1 =	sadd.s32 s1, s30  }
0xb9: {  	s0 =	sor.u32 s3, s0;
	s1 =	sshll.u32 s1, $0x11  }
0xba: {  	s0 =	sor.u32 s1, s0  }
0xbb: {  	s0 =	sadd.s32 $0x8F2B, s0  }
0xbc: {  	[sflag:s0] =	ssyncadd.remote.s32 $0x1  }
0xbd: {  	_ =	sfence.sel $0xFFFF  }
0xbe: {  	[dreg:$0x0] =	wrdreg $0xFFFFFFFF;
	(pc) =	sbr.abs _section_cstart, $3  }
0xbf: {  	[dreg:$0x1] =	wrdreg $0xFFFFFFFF  }
0xc0: {  	_ =	task.clear_ibuf [dreg:s6], $0x2FFFF;
	_ =	strace $0x9FFFFFFF  }
0xc1: {  	(tm) =	ssettm $0x7FFFFFFF  }
tec
execute0_lowered:
.L_overlay_start_1:
0x0: {  	(tag) =	ssettag $0x1  }
0x1: {  	s2 =	rddreg [dreg:$0x0]  }
0x2: {  	s0 =	rddreg [dreg:$0x1];
	s1 =	simm.s32 $0x0  }
0x3: {  	s3 =	srdreg.scid;
	s8 =	simm.s32 $0x19800;
	s9 =	simm.s32 $0x1A800  }
0x4: {  	s10 =	simm.s32 $0x800;
	s11 =	simm.s32 $0x19000;
	s12 =	simm.s32 $0x18800  }
0x5: {  	s13 =	simm.s32 $0x1;
	[smem:$0x7FF] =	sst s1;
	s5 =	sand.u32 $0x1, s3  }
0x6: {  	s3 =	sadd.s32 $0x30E800, s2;
	s4 =	sadd.s32 $0x496800, s2;
	s6 =	ssub.s32 $0x2, s5  }
0x7: {  	v1 =	vlaneseq.u32;
	s2 =	stileid.u32;
	_ =	strace $0x80000053;
	s7 =	sshrl.u32 s6, $0x1  }
0x8: {  	v3 =	vmul.u32 $0x10, v1;
	s31 =	sshll.u32 s2, $0x3;
	s5 =	sshll.u32 s5, $0x2;
	s6 =	ssub.s32 s6, s7  }
0x9: {  	v0 =	vimm.s32 $0x0;
	v2 =	vimm.s32 $0x1;
	v4 =	vimm.s32 $0x80;
	s5 =	sor.u32 s5, s31;
	s7 =	simm.s32 $0x2;
	s6 =	smax.u32 s6, $0x1  }
.LBB2_1:
0xa: {  	s14 =	simm.s32 $0x0  }
.LBB2_2:
0xb: {  	s15 =	sadd.s32 s5, s14  }
0xc: {  	s15 =	smul.u32 $0x18800, s15;
	_ =	sdelay $0x1  }
0xd: {  	s16 =	sshrl.u32 s15, $0x3  }
0xe: {  	s17 =	sadd.s32 s3, s16;
	s16 =	simm.s32 $0x0  }
0xf: {  	[tilespmem:s16], [sflag:$0x2] =	stream.linear.gather [hbm4b:s17+s16], $0x18800, $0x38;
	[tilespmem:$0x1A900] =	vst v63  }
0x10: {  	_ =	swait.ge [sflag:s7], $0x18800  }
0x11: {  	[sflag:s7] =	ssyncset.done $0x0  }
0x12: {  	s18 =	simm.s32 $0x0;
	s17 =	simm.s32 $0x40;
	[sflag:s7] =	ssyncadd.s32 $0xFFFE7800  }
.LBB2_3:
0x13: {  	p0 =	sne.s32 s17, $0x3FC0;
	[tilespmem:s18+$0x19800] =	vst v0;
	s18 =	smov.u32 s17;
	s17 =	sadd.s32 $0x40, s17  }
.Ltmp0:
0x14: {  	(pc) =	sbr.rel @p0 .LBB2_3-.Ltmp0, $2  }
0x15: {  	_ =	sdelay $0x2  }
0x16: {  	s18 =	sshra.s32 s18, $0x2  }
0x17: {  	[tilespmem:s18+$0x19800] =	vst v0  }
.LBB2_5:
0x18: {  	s17 =	sshra.s32 s16, $0x2  }
0x19: {  	v5 =	vld [tilespmem:s17+$0x0];
	_ =	sdelay $0x4  }
0x1a: {  	v5 =	vxor.u32 $0xFFFFFFFF, v5  }
0x1b: {  	v5 =	vshrl.u32 v5, $0x14  }
0x1c: {  	v5 =	vand.u32 $0xFF0, v5  }
0x1d: {  	p0 =	seq.s32 s16, $0x61FC0;
	v5 =	vor.u32 v1, v5  }
.Ltmp1:
0x1e: {  	_ = 	snop;
	(pc) =	sbr.rel @!p0 .LBB2_5-.Ltmp1, $2  }
0x1f: {  	_ =	sdelay $0x2  }
0x20: {  	s16 =	sadd.s32 $0x40, s16;
	[tilespmem:v5+s8+$0x0] =	vst.idx.add.s32.msk $0xffff, v2  }
0x21: {  	s17 =	simm.s32 $0x0  }
0x22: {  	v5 =	vmov s17  }
0x23: {  	v5 =	vshll.u32 v5, $0x4  }
0x24: {  	v5 =	vor.u32 v3, v5  }
0x25: {  	v6 =	vor.u32 $0x1, v5  }
0x26: {  	v7 =	vor.u32 $0x2, v5  }
0x27: {  	v8 =	vor.u32 $0x3, v5  }
0x28: {  	v9 =	vor.u32 $0x4, v5  }
0x29: {  	v10 =	vor.u32 $0x5, v5;
	v11 =	vld.idx.msk [tilespmem:v5+s8+$0x0], $0xffff  }
0x2a: {  	v12 =	vor.u32 $0x6, v5;
	v6 =	vld.idx.msk [tilespmem:v6+s8+$0x0], $0xffff  }
0x2b: {  	v13 =	vor.u32 $0x7, v5;
	v7 =	vld.idx.msk [tilespmem:v7+s8+$0x0], $0xffff  }
0x2c: {  	v14 =	vor.u32 $0x8, v5;
	v8 =	vld.idx.msk [tilespmem:v8+s8+$0x0], $0xffff  }
0x2d: {  	v15 =	vor.u32 $0x9, v5;
	v9 =	vld.idx.msk [tilespmem:v9+s8+$0x0], $0xffff  }
0x2e: {  	v16 =	vor.u32 $0xA, v5;
	v10 =	vld.idx.msk [tilespmem:v10+s8+$0x0], $0xffff  }
0x2f: {  	v17 =	vor.u32 $0xB, v5;
	v12 =	vld.idx.msk [tilespmem:v12+s8+$0x0], $0xffff;
	v6 =	vadd.s32 v11, v6  }
0x30: {  	v38 =	vor.u32 $0xC, v5;
	v37 =	vld.idx.msk [tilespmem:v13+s8+$0x0], $0xffff;
	v6 =	vadd.s32 v7, v6  }
0x31: {  	v39 =	vor.u32 $0xD, v5;
	v7 =	vld.idx.msk [tilespmem:v14+s8+$0x0], $0xffff;
	v6 =	vadd.s32 v8, v6  }
0x32: {  	v40 =	vor.u32 $0xE, v5;
	v8 =	vld.idx.msk [tilespmem:v15+s8+$0x0], $0xffff;
	v6 =	vadd.s32 v9, v6  }
0x33: {  	v5 =	vor.u32 $0xF, v5;
	v41 =	vld.idx.msk [tilespmem:v16+s8+$0x0], $0xffff;
	v6 =	vadd.s32 v10, v6  }
0x34: {  	v42 =	vld.idx.msk [tilespmem:v17+s8+$0x0], $0xffff;
	v6 =	vadd.s32 v12, v6  }
0x35: {  	v43 =	vld.idx.msk [tilespmem:v38+s8+$0x0], $0xffff;
	v6 =	vadd.s32 v37, v6  }
0x36: {  	v44 =	vld.idx.msk [tilespmem:v39+s8+$0x0], $0xffff;
	v6 =	vadd.s32 v7, v6  }
0x37: {  	v7 =	vld.idx.msk [tilespmem:v40+s8+$0x0], $0xffff;
	v6 =	vadd.s32 v8, v6  }
0x38: {  	v5 =	vld.idx.msk [tilespmem:v5+s8+$0x0], $0xffff;
	v6 =	vadd.s32 v41, v6  }
0x39: {  	v6 =	vadd.s32 v42, v6  }
0x3a: {  	v6 =	vadd.s32 v43, v6  }
0x3b: {  	v6 =	vadd.s32 v44, v6  }
0x3c: {  	v6 =	vadd.s32 v7, v6  }
0x3d: {  	v5 =	vadd.s32 v5, v6  }
0x3e: {  	s18 =	simm.s32 $0x10;
	(xrf0) =	vadd.scan.msk.s32 $0xffff, v5  }
0x3f: {  	v6 =	vmov s18  }
0x40: {  	v6 =	vshll.u32 v6, $0x4  }
0x41: {  	v6 =	vor.u32 v3, v6  }
0x42: {  	v7 =	vor.u32 $0x1, v6;
	_ =	sdelay $0x1  }
0x43: {  	v5 =	vsub.s32 s17, v5;
	v8 =	vor.u32 $0x2, v6;
	v45, _, _ =	vpop (xrf0)  }
0x44: {  	s16 =	simm.s32 $0x1A800;
	v46 =	vor.u32 $0x3, v6;
	v5 =	vadd.s32 v45, v5  }
0x45: {  	v47 =	vor.u32 $0x4, v6;
	[tilespmem:s16+$0x0] =	vst v5  }
0x46: {  	v5 =	vld.idx.msk [tilespmem:v7+s8+$0x0], $0xffff;
	v7 =	vor.u32 $0x5, v6  }
0x47: {  	v49 =	vor.u32 $0x6, v6;
	v48 =	vld.idx.msk [tilespmem:v6+s8+$0x0], $0xffff  }
0x48: {  	v50 =	vor.u32 $0x7, v6;
	v8 =	vld.idx.msk [tilespmem:v8+s8+$0x0], $0xffff  }
0x49: {  	v51 =	vor.u32 $0x8, v6;
	v10 =	vld.idx.msk [tilespmem:v46+s8+$0x0], $0xffff  }
0x4a: {  	v53 =	vor.u32 $0x9, v6;
	v52 =	vld.idx.msk [tilespmem:v47+s8+$0x0], $0xffff  }
0x4b: {  	v54 =	vor.u32 $0xA, v6;
	v7 =	vld.idx.msk [tilespmem:v7+s8+$0x0], $0xffff  }
0x4c: {  	v55 =	vor.u32 $0xB, v6;
	(v2sf) =	vpush v45, $0xF;
	v13 =	vld.idx.msk [tilespmem:v49+s8+$0x0], $0xffff;
	v5 =	vadd.s32 v48, v5  }
0x4d: {  	v57 =	vor.u32 $0xC, v6;
	v56 =	vld.idx.msk [tilespmem:v50+s8+$0x0], $0xffff;
	v5 =	vadd.s32 v8, v5  }
0x4e: {  	v58 =	vor.u32 $0xD, v6;
	v8 =	vld.idx.msk [tilespmem:v51+s8+$0x0], $0xffff;
	v5 =	vadd.s32 v10, v5  }
0x4f: {  	v60 =	vor.u32 $0xE, v6;
	v59 =	vld.idx.msk [tilespmem:v53+s8+$0x0], $0xffff;
	v5 =	vadd.s32 v52, v5  }
0x50: {  	v61 =	vld.idx.msk [tilespmem:v54+s8+$0x0], $0xffff;
	v6 =	vor.u32 $0xF, v6;
	v5 =	vadd.s32 v7, v5  }
0x51: {  	v7 =	vld.idx.msk [tilespmem:v55+s8+$0x0], $0xffff;
	v5 =	vadd.s32 v13, v5  }
0x52: {  	v62 =	vld.idx.msk [tilespmem:v57+s8+$0x0], $0xffff;
	v5 =	vadd.s32 v56, v5  }
0x53: {  	v63 =	vld.idx.msk [tilespmem:v58+s8+$0x0], $0xffff;
	v5 =	vadd.s32 v8, v5  }
0x54: {  	v8 =	vld.idx.msk [tilespmem:v60+s8+$0x0], $0xffff;
	v5 =	vadd.s32 v59, v5  }
0x55: {  	v6 =	vld.idx.msk [tilespmem:v6+s8+$0x0], $0xffff;
	v5 =	vadd.s32 v61, v5  }
0x56: {  	v5 =	vadd.s32 v7, v5  }
0x57: {  	v5 =	vadd.s32 v62, v5  }
0x58: {  	v5 =	vadd.s32 v63, v5  }
0x59: {  	v5 =	vadd.s32 v8, v5  }
0x5a: {  	v6 =	vadd.s32 v6, v5  }
0x5b: {  	s30 =	simm.s32 $0x20;
	s31 =	spop (v2sf);
	(xrf0) =	vadd.scan.msk.s32 $0xffff, v6  }
0x5c: {  	s17 =	sadd.s32 $0x0, s31;
	v7 =	vmov s30  }
0x5d: {  	s18 =	simm.s32 $0x30;
	v5 =	vsub.s32 s17, v6;
	v6 =	vshll.u32 v7, $0x4  }
.LBB2_7:
0x5e: {  	p0 =	seq.s32 s18, $0xF0;
	v6 =	vor.u32 v3, v6  }
0x5f: {  	v7 =	vor.u32 $0x1, v6;
	_ =	sdelay $0x1  }
0x60: {  	v8 =	vor.u32 $0x2, v6;
	v9, _, _ =	vpop (xrf0)  }
0x61: {  	s16 =	sadd.s32 $0x10, s16;
	v10 =	vor.u32 $0x3, v6;
	v5 =	vadd.s32 v9, v5;
	(v2sf) =	vpush v9, $0xF  }
0x62: {  	v9 =	vor.u32 $0x4, v6;
	[tilespmem:s16+$0x0] =	vst v5  }
0x63: {  	v5 =	vld.idx.msk [tilespmem:v7+s8+$0x0], $0xffff;
	v7 =	vor.u32 $0x5, v6  }
0x64: {  	v12 =	vor.u32 $0x6, v6;
	v11 =	vld.idx.msk [tilespmem:v6+s8+$0x0], $0xffff  }
0x65: {  	v13 =	vor.u32 $0x7, v6;
	v8 =	vld.idx.msk [tilespmem:v8+s8+$0x0], $0xffff  }
0x66: {  	v14 =	vor.u32 $0x8, v6;
	v10 =	vld.idx.msk [tilespmem:v10+s8+$0x0], $0xffff  }
0x67: {  	v15 =	vor.u32 $0x9, v6;
	v9 =	vld.idx.msk [tilespmem:v9+s8+$0x0], $0xffff  }
0x68: {  	v16 =	vor.u32 $0xA, v6;
	v7 =	vld.idx.msk [tilespmem:v7+s8+$0x0], $0xffff  }
0x69: {  	v17 =	vor.u32 $0xB, v6;
	v12 =	vld.idx.msk [tilespmem:v12+s8+$0x0], $0xffff  }
0x6a: {  	v5 =	vadd.s32 v11, v5;
	v11 =	vld.idx.msk [tilespmem:v13+s8+$0x0], $0xffff;
	v13 =	vor.u32 $0xC, v6  }
0x6b: {  	v5 =	vadd.s32 v8, v5;
	v8 =	vld.idx.msk [tilespmem:v14+s8+$0x0], $0xffff;
	v14 =	vor.u32 $0xD, v6  }
0x6c: {  	v5 =	vadd.s32 v10, v5;
	v10 =	vld.idx.msk [tilespmem:v15+s8+$0x0], $0xffff;
	v15 =	vor.u32 $0xE, v6  }
0x6d: {  	v5 =	vadd.s32 v9, v5;
	v6 =	vor.u32 $0xF, v6;
	v9 =	vld.idx.msk [tilespmem:v16+s8+$0x0], $0xffff  }
0x6e: {  	v5 =	vadd.s32 v7, v5;
	v7 =	vld.idx.msk [tilespmem:v17+s8+$0x0], $0xffff  }
0x6f: {  	v5 =	vadd.s32 v12, v5;
	v12 =	vld.idx.msk [tilespmem:v13+s8+$0x0], $0xffff  }
0x70: {  	v5 =	vadd.s32 v11, v5;
	v11 =	vld.idx.msk [tilespmem:v14+s8+$0x0], $0xffff;
	s19 =	spop (v2sf)  }
0x71: {  	v5 =	vadd.s32 v8, v5;
	v8 =	vld.idx.msk [tilespmem:v15+s8+$0x0], $0xffff;
	s17 =	sadd.s32 s17, s19  }
0x72: {  	v5 =	vadd.s32 v10, v5;
	v6 =	vld.idx.msk [tilespmem:v6+s8+$0x0], $0xffff  }
0x73: {  	v5 =	vadd.s32 v9, v5  }
0x74: {  	v5 =	vadd.s32 v7, v5  }
0x75: {  	v5 =	vadd.s32 v12, v5  }
0x76: {  	v5 =	vadd.s32 v11, v5  }
.Ltmp2:
0x77: {  	v5 =	vadd.s32 v8, v5;
	(pc) =	sbr.rel @!p0 .LBB2_7-.Ltmp2, $4  }
0x78: {  	v6 =	vadd.s32 v6, v5  }
0x79: {  	v5 =	vsub.s32 s17, v6;
	(xrf0) =	vadd.scan.msk.s32 $0xffff, v6  }
0x7a: {  	v6 =	vmov s18  }
0x7b: {  	s18 =	sadd.s32 $0x10, s18;
	v6 =	vshll.u32 v6, $0x4  }
0x7c: {  	v6 =	vor.u32 v3, v6  }
0x7d: {  	v7 =	vor.u32 $0x1, v6;
	_ =	sdelay $0x1  }
0x7e: {  	v8 =	vor.u32 $0x2, v6;
	v9, _, _ =	vpop (xrf0)  }
0x7f: {  	s16 =	sadd.s32 $0x10, s16;
	v10 =	vor.u32 $0x3, v6;
	v5 =	vadd.s32 v9, v5  }
0x80: {  	v11 =	vor.u32 $0x4, v6;
	[tilespmem:s16+$0x0] =	vst v5  }
0x81: {  	v5 =	vld.idx.msk [tilespmem:v7+s8+$0x0], $0xffff;
	v7 =	vor.u32 $0x5, v6  }
0x82: {  	v13 =	vor.u32 $0x6, v6;
	v12 =	vld.idx.msk [tilespmem:v6+s8+$0x0], $0xffff  }
0x83: {  	v14 =	vor.u32 $0x7, v6;
	v8 =	vld.idx.msk [tilespmem:v8+s8+$0x0], $0xffff  }
0x84: {  	v15 =	vor.u32 $0x8, v6;
	v10 =	vld.idx.msk [tilespmem:v10+s8+$0x0], $0xffff  }
0x85: {  	v16 =	vor.u32 $0x9, v6;
	v11 =	vld.idx.msk [tilespmem:v11+s8+$0x0], $0xffff  }
0x86: {  	v17 =	vor.u32 $0xA, v6;
	v7 =	vld.idx.msk [tilespmem:v7+s8+$0x0], $0xffff  }
0x87: {  	v60 =	vor.u32 $0xB, v6;
	v13 =	vld.idx.msk [tilespmem:v13+s8+$0x0], $0xffff;
	v5 =	vadd.s32 v12, v5  }
0x88: {  	v61 =	vor.u32 $0xC, v6;
	v14 =	vld.idx.msk [tilespmem:v14+s8+$0x0], $0xffff;
	v5 =	vadd.s32 v8, v5  }
0x89: {  	v62 =	vor.u32 $0xD, v6;
	v15 =	vld.idx.msk [tilespmem:v15+s8+$0x0], $0xffff;
	v5 =	vadd.s32 v10, v5  }
0x8a: {  	v63 =	vor.u32 $0xE, v6;
	v16 =	vld.idx.msk [tilespmem:v16+s8+$0x0], $0xffff;
	v5 =	vadd.s32 v11, v5  }
0x8b: {  	v17 =	vld.idx.msk [tilespmem:v17+s8+$0x0], $0xffff;
	v6 =	vor.u32 $0xF, v6;
	v5 =	vadd.s32 v7, v5  }
0x8c: {  	v7 =	vld.idx.msk [tilespmem:v60+s8+$0x0], $0xffff;
	v5 =	vadd.s32 v13, v5  }
0x8d: {  	v8 =	vld.idx.msk [tilespmem:v61+s8+$0x0], $0xffff;
	v5 =	vadd.s32 v14, v5  }
0x8e: {  	v10 =	vld.idx.msk [tilespmem:v62+s8+$0x0], $0xffff;
	v5 =	vadd.s32 v15, v5  }
0x8f: {  	v11 =	vld.idx.msk [tilespmem:v63+s8+$0x0], $0xffff;
	v5 =	vadd.s32 v16, v5  }
0x90: {  	v6 =	vld.idx.msk [tilespmem:v6+s8+$0x0], $0xffff;
	v5 =	vadd.s32 v17, v5  }
0x91: {  	v5 =	vadd.s32 v7, v5  }
0x92: {  	v5 =	vadd.s32 v8, v5  }
0x93: {  	v5 =	vadd.s32 v10, v5  }
0x94: {  	v5 =	vadd.s32 v11, v5  }
0x95: {  	v5 =	vadd.s32 v6, v5  }
0x96: {  	(xrf0) =	vadd.scan.msk.s32 $0xffff, v5  }
0x97: {  	(v2sf) =	vpush v9, $0xF;
	_ =	sdelay $0x4  }
0x98: {  	v6, _, _ =	vpop (xrf0)  }
0x99: {  	(v2sf) =	vpush v6, $0xF;
	_ =	sdelay $0x8  }
0x9a: {  	s18 =	spop (v2sf)  }
0x9b: {  	s17 =	sadd.s32 s17, s18  }
0x9c: {  	v5 =	vsub.s32 s17, v5  }
0x9d: {  	s16 =	sadd.s32 $0x10, s16;
	v5 =	vadd.s32 v6, v5  }
0x9e: {  	[tilespmem:s16+$0x0] =	vst v5;
	v5 =	vmov s15  }
0x9f: {  	v5 =	vadd.s32 $0xFFFFFFFF, v5  }
0xa0: {  	s15 =	simm.s32 $0x0;
	s16 =	simm.s32 $0x30;
	v5 =	vbroadcast v5, $0x0;
	s31 =	spop (v2sf)  }
.LBB2_9:
0xa1: {  	v6 =	vmov s16;
	_ =	sdelay $0x2  }
0xa2: {  	s17 =	simm.s32 $0x0  }
.LBB2_10:
0xa3: {  	s18 =	sshra.s32 s17, $0x2  }
0xa4: {  	v7 =	vld.idx.msk [tilespmem:v6+s18+$0xFFFFFFD0 ss:$0x1], $0xffff;
	_ =	sdelay $0x4  }
0xa5: {  	v8 =	vxor.u32 $0xFFFFFFFF, v7  }
0xa6: {  	v8 =	vshrl.u32 v8, $0x18  }
0xa7: {  	(xrf1) =	vunique.msk.u32 $0xffff, v8;
	_ =	sdelay $0x7  }
0xa8: {  	vm0 =	vlt.s32 v7, $0x0  }
0xa9: {  	v9 =	vsel vm0, $0x0, v4;
	v8 =	vand.u32 $0x7F, v8  }
0xaa: {  	v8 =	vor.u32 v8, v9;
	_ =	sdelay $0x3  }
0xab: {  	_, v54, vm0 =	vpop (xrf1)  }
0xac: {  	v10 =	vld.idx.msk [tilespmem:v8+s9+$0x0], $0xffff;
	_ =	sdelay $0x4  }
0xad: {  	v10 =	vadd.s32 v10, v5;
	[tilespmem:v8+s9+$0x0] =	vst.idx.add.s32.msk vm0, v54  }
0xae: {  	v8 =	vadd.s32 v54, v10;
	[tilespmem:s18+$0x18800] =	vst v7  }
0xaf: {  	[tilespmem:s18+$0x19000] =	vst v8  }
0xb0: {  	v7 =	vld.idx.msk [tilespmem:v6+s18+$0xFFFFFFE0 ss:$0x1], $0xffff;
	_ =	sdelay $0x4  }
0xb1: {  	v8 =	vxor.u32 $0xFFFFFFFF, v7  }
0xb2: {  	v8 =	vshrl.u32 v8, $0x18  }
0xb3: {  	(xrf1) =	vunique.msk.u32 $0xffff, v8;
	_ =	sdelay $0x7  }
0xb4: {  	vm13 =	vlt.s32 v7, $0x0  }
0xb5: {  	v55 =	vsel vm13, $0x0, v4;
	v8 =	vand.u32 $0x7F, v8  }
0xb6: {  	v8 =	vor.u32 v8, v55;
	_ =	sdelay $0x3  }
0xb7: {  	_, v56, vm0 =	vpop (xrf1)  }
0xb8: {  	v57 =	vld.idx.msk [tilespmem:v8+s9+$0x0], $0xffff;
	_ =	sdelay $0x4  }
0xb9: {  	v10 =	vadd.s32 v57, v5;
	[tilespmem:v8+s9+$0x0] =	vst.idx.add.s32.msk vm0, v56  }
0xba: {  	v8 =	vadd.s32 v56, v10;
	[tilespmem:s18+$0x18810] =	vst v7  }
0xbb: {  	[tilespmem:s18+$0x19010] =	vst v8  }
0xbc: {  	v7 =	vld.idx.msk [tilespmem:v6+s18+$0xFFFFFFF0 ss:$0x1], $0xffff;
	_ =	sdelay $0x4  }
0xbd: {  	v8 =	vxor.u32 $0xFFFFFFFF, v7  }
0xbe: {  	v8 =	vshrl.u32 v8, $0x18  }
0xbf: {  	(xrf1) =	vunique.msk.u32 $0xffff, v8;
	_ =	sdelay $0x7  }
0xc0: {  	vm14 =	vlt.s32 v7, $0x0  }
0xc1: {  	v58 =	vsel vm14, $0x0, v4;
	v8 =	vand.u32 $0x7F, v8  }
0xc2: {  	v8 =	vor.u32 v8, v58;
	_ =	sdelay $0x3  }
0xc3: {  	_, v59, vm0 =	vpop (xrf1)  }
0xc4: {  	v60 =	vld.idx.msk [tilespmem:v8+s9+$0x0], $0xffff;
	_ =	sdelay $0x4  }
0xc5: {  	v10 =	vadd.s32 v60, v5;
	[tilespmem:v8+s9+$0x0] =	vst.idx.add.s32.msk vm0, v59  }
0xc6: {  	v8 =	vadd.s32 v59, v10;
	[tilespmem:s18+$0x18820] =	vst v7  }
0xc7: {  	[tilespmem:s18+$0x19020] =	vst v8  }
0xc8: {  	v7 =	vld.idx.msk [tilespmem:v6+s18+$0x0 ss:$0x1], $0xffff;
	_ =	sdelay $0x4  }
0xc9: {  	v8 =	vxor.u32 $0xFFFFFFFF, v7  }
0xca: {  	v8 =	vshrl.u32 v8, $0x18  }
0xcb: {  	(xrf1) =	vunique.msk.u32 $0xffff, v8;
	_ =	sdelay $0x7  }
0xcc: {  	vm15 =	vlt.s32 v7, $0x0  }
0xcd: {  	v61 =	vsel vm15, $0x0, v4;
	v8 =	vand.u32 $0x7F, v8  }
0xce: {  	v8 =	vor.u32 v8, v61;
	_ =	sdelay $0x3  }
0xcf: {  	_, v62, vm0 =	vpop (xrf1)  }
0xd0: {  	v63 =	vld.idx.msk [tilespmem:v8+s9+$0x0], $0xffff;
	_ =	sdelay $0x1  }
0xd1: {  	p0 =	sne.s32 s17, $0x1F00  }
.Ltmp3:
0xd2: {  	_ = 	snop;
	(pc) =	sbr.rel @p0 .LBB2_10-.Ltmp3, $4  }
0xd3: {  	_ = 	snop  }
0xd4: {  	v10 =	vadd.s32 v63, v5;
	[tilespmem:v8+s9+$0x0] =	vst.idx.add.s32.msk vm0, v62  }
0xd5: {  	v8 =	vadd.s32 v62, v10;
	[tilespmem:s18+$0x18830] =	vst v7  }
0xd6: {  	s17 =	sadd.s32 $0x100, s17;
	[tilespmem:s18+$0x19030] =	vst v8  }
0xd7: {  	s15 =	sadd.s32 $0x1, s15  }
0xd8: {  	p0 =	sne.s32 s15, $0x31  }
.Ltmp4:
0xd9: {  	_ = 	snop;
	(pc) =	sbr.rel @p0 .LBB2_9-.Ltmp4, $4  }
0xda: {  	[hbm4b:s4+s10] =	stream.indirect.scatter [tilespmem:s12], [sflag:$0x1], $0x1, s11, s10, $0xb8;
	[tilespmem:$0x1A900] =	vst v63  }
0xdb: {  	_ =	swait.ge [sflag:s13], $0x800  }
0xdc: {  	[sflag:s13] =	ssyncset.done $0x0  }
0xdd: {  	s16 =	sadd.s32 $0x800, s16;
	[sflag:s13] =	ssyncadd.s32 $0xFFFFF800  }
0xde: {  	s14 =	sadd.s32 $0x1, s14  }
0xdf: {  	p0 =	sne.s32 s14, $0x4  }
.Ltmp5:
0xe0: {  	_ = 	snop;
	(pc) =	sbr.rel @p0 .LBB2_2-.Ltmp5, $1  }
0xe1: {  	_ =	sdelay $0x3  }
0xe2: {  	s1 =	sadd.s32 $0x1, s1  }
0xe3: {  	p0 =	sne.s32 s1, s6  }
.Ltmp6:
0xe4: {  	_ = 	snop;
	(pc) =	sbr.rel @p0 .LBB2_1-.Ltmp6, $1  }
0xe5: {  	_ =	sdelay $0x3  }
0xe6: {  	_ =	sfence.sel $0x180000  }
0xe7: {  	[bflag:$0x0] =	sbarrier.arrive $0xFFFF  }
0xe8: {  	p0 =	sne.s32 s2, $0x0;
	_ =	strace $0x90000053  }
0xe9: {  	s0 =	sadd.s32 @!p0 $0x100000, s0;
	[bflag:$0x2] =	sbarrier.arrive $0xFFFF  }
0xea: {  	[sflag:s0] =	ssyncadd.tile.s32 @!p0 $0x1;
	_ =	shalt  }
.Lfunc_end2:
_tile_overlayer_lowered:
.L_overlay_start_2:
0xeb: {  	(tag) =	ssettag $0x2  }
0xec: {  	s0 =	rddreg [dreg:$0x0];
	s2 =	stileid.u32  }
0xed: {  	s1 =	rddreg [dreg:$0x1];
	p0 =	sne.s32 s2, $0x0  }
0xee: {  	s3 =	rddreg [dreg:$0x2];
	[bflag:$0x3] =	sbarrier.arrive $0xFFFF;
	s2 =	simm.s32 @!p0 $0x1C02  }
0xef: {  	[timem:s3], [sflag:s2] =	dma.local @!p0 [hbm:s0], s1  }
0xf0: {  	s0 =	simm.s32 @!p0 $0x2  }
0xf1: {  	_ =	swait.ge @!p0 [sflag:s0], s1  }
0xf2: {  	s1 =	ssub.s32 @!p0 $0x0, s1;
	[sflag:s0] =	ssyncset.done @!p0 $0x0  }
0xf3: {  	[sflag:s0] =	ssyncadd.s32 @!p0 s1  }
0xf4: {  	[bflag:$0x3] =	sbarrier.arrive $0xFFFF  }
0xf5: {  	_ =	shalt  }

// kernel: kernel.7.cloned.1.call-start
scs
__scs_entry_jumppad:
0x0: {  	(pc) =	sbr.rel $0x88, $3  }
0x1: {  	(tag) =	ssettag $0x0;
	lr =	simm.s32 $0x1  }
0x2: {  	[smem:$0x3FA0] =	sst lr;
	_ =	strace $0xD0000000  }
0x3: {  	_ = 	snop  }
0x4: {  	_ = 	snop  }
0x5: {  	_ = 	snop  }
0x6: {  	_ = 	snop  }
0x7: {  	_ = 	snop  }
__scs_overlays_trampoline_lowered:
0x8: {  	[smem:$0x3FAF] =	sst s0  }
0x9: {  	[smem:$0x3FB0] =	sst s1  }
0xa: {  	[smem:$0x3FB1] =	sst s2  }
0xb: {  	[smem:$0x3FB2] =	sst s3  }
0xc: {  	[smem:$0x3FB3] =	sst s4  }
0xd: {  	[smem:$0x3FB4] =	sst s5  }
0xe: {  	[smem:$0x3FB5] =	sst s6  }
0xf: {  	[smem:$0x3FB6] =	sst s7  }
0x10: {  	[smem:$0x3FB7] =	sst s8  }
0x11: {  	[smem:$0x3FB8] =	sst s9;
	s0 =	simm.s32 @!p0 $0x0  }
0x12: {  	s1 =	sld [smem:$0x3F9E];
	s0 =	simm.s32 @p0 $0x1  }
0x13: {  	[smem:$0x3FB9] =	sst s0;
	s0 =	simm.s32 @!p1 $0x0  }
0x14: {  	s2 =	sld [smem:$0x3F9D];
	s0 =	simm.s32 @p1 $0x1  }
0x15: {  	[smem:$0x3FBA] =	sst s0;
	s0 =	simm.s32 @!p2 $0x0  }
0x16: {  	s3 =	sld [smem:$0x3FDB];
	s0 =	simm.s32 @p2 $0x1  }
0x17: {  	s4 =	simm.s32 $0x1BF5;
	[smem:$0x3FBC] =	sst s0  }
0x18: {  	s0 =	sld [smem:$0x3F9F];
	_ =	swait.ge [sflag:s4], $0x0  }
0x19: {  	s7 =	sld [smem:$0x3FA0]  }
0x1a: {  	s8 =	sadd.s32 $0xFFFFE003, lr  }
0x1b: {  	s9 =	sadd.s32 $0xFFFFFEF7, lr;
	s5 =	simm.s32 $0xFFFFFFFF;
	p2 =	slt.u32 s8, $0xFFFFF086  }
0x1c: {  	p1 =	slt.u32 s9, $0xF7A;
	s5 =	simm.s32 @!p2 $0x0  }
0x1d: {  	s5 =	simm.s32 @p1 $0x1;
	p0 =	seq.s32 s7, s2  }
0x1e: {  	s7 =	smul.u32 @!p0 $0xF7A, s2;
	p2 =	seq.s32 @!p0 s5, $0x0  }
0x1f: {  	s9 =	smul.u32 $0xF7A, s1;
	s8 =	simm.s32 @!p0 $0x1BF5;
	p2 =	por !p2, p0  }
0x20: {  	[sflag:s8] =	ssyncset.s32 @!p0 $0xFFFFF086;
	s6 =	sadd.s32 @!p0 s3, s7;
	s7 =	simm.s32 @!p0 $0x108  }
0x21: {  	s3 =	sadd.s32 s3, s9;
	s6 =	sadd.s32 @!p0 $0x88, s6;
	s7 =	simm.s32 @p2 $0x1082  }
0x22: {  	[simem:s7], [sflag:s8] =	dma.local @!p0 [hbm:s6], $0xF7A  }
0x23: {  	s9 =	sor.u32 $0xD0000000, s2;
	s6 =	simm.s32 $0x108;
	_ =	swait.ge @!p0 [sflag:s8], $0x0  }
0x24: {  	s3 =	sadd.s32 $0x88, s3;
	s6 =	simm.s32 @!p1 $0x1082;
	[sflag:s4] =	ssyncset.s32 $0xFFFFF086  }
0x25: {  	[simem:s6], [sflag:s4] =	dma.local [hbm:s3], $0xF7A  }
0x26: {  	[smem:$0x3FA0] =	sst s1;
	(tag) =	ssettag s2;
	_ =	strace s9  }
0x27: {  	s1 =	sld [smem:$0x3FB0]  }
0x28: {  	s2 =	sld [smem:$0x3FB1]  }
0x29: {  	s4 =	sld [smem:$0x3FB3]  }
0x2a: {  	p0 =	seq.s32 s5, $0x0;
	s5 =	sld [smem:$0x3FB4]  }
0x2b: {  	s6 =	sld [smem:$0x3FB5]  }
0x2c: {  	s7 =	sld [smem:$0x3FB6]  }
0x2d: {  	s3 =	simm.s32 $0x108;
	s8 =	sld [smem:$0x3FB7]  }
0x2e: {  	s3 =	simm.s32 @!p0 $0x1082;
	s9 =	sld [smem:$0x3FB8]  }
0x2f: {  	lr =	sadd.s32 s0, s3;
	s0 =	sld [smem:$0x3FAF]  }
0x30: {  	s3 =	sld [smem:$0x3FB2]  }
0x31: {  	[smem:$0x3FBB] =	sst s10  }
0x32: {  	s10 =	sld [smem:$0x3FB9];
	_ =	sdelay $0x3  }
0x33: {  	p0 =	seq.s32 s10, $0x1;
	s10 =	sld [smem:$0x3FBB];
	_ =	sdelay $0x3  }
0x34: {  	[smem:$0x3FBB] =	sst s10  }
0x35: {  	s10 =	sld [smem:$0x3FBA];
	_ =	sdelay $0x3  }
0x36: {  	p1 =	seq.s32 s10, $0x1;
	s10 =	sld [smem:$0x3FBB];
	_ =	sdelay $0x3  }
0x37: {  	[smem:$0x3FBB] =	sst s10  }
0x38: {  	s10 =	sld [smem:$0x3FBC]  }
0x39: {  	_ = 	snop;
	(pc) =	sbr.ind lr, $3  }
0x3a: {  	_ = 	snop  }
0x3b: {  	_ = 	snop  }
0x3c: {  	p2 =	seq.s32 s10, $0x1;
	s10 =	sld [smem:$0x3FBB]  }
0x3d: {  	_ =	shalt  }
0x3e: {  	_ =	shalt  }
0x3f: {  	_ =	shalt  }
0x40: {  	_ =	shalt  }
0x41: {  	_ =	shalt  }
0x42: {  	_ =	shalt  }
0x43: {  	_ =	shalt  }
0x44: {  	_ =	shalt  }
0x45: {  	_ =	shalt  }
0x46: {  	_ =	shalt  }
0x47: {  	_ =	shalt  }
0x48: {  	_ =	shalt  }
0x49: {  	_ =	shalt  }
0x4a: {  	_ =	shalt  }
0x4b: {  	_ =	shalt  }
0x4c: {  	_ =	shalt  }
0x4d: {  	_ =	shalt  }
0x4e: {  	_ =	shalt  }
0x4f: {  	_ =	shalt  }
0x50: {  	_ =	shalt  }
0x51: {  	_ =	shalt  }
0x52: {  	_ =	shalt  }
0x53: {  	_ =	shalt  }
0x54: {  	_ =	shalt  }
0x55: {  	_ =	shalt  }
0x56: {  	_ =	shalt  }
0x57: {  	_ =	shalt  }
0x58: {  	_ =	shalt  }
0x59: {  	_ =	shalt  }
0x5a: {  	_ =	shalt  }
0x5b: {  	_ =	shalt  }
0x5c: {  	_ =	shalt  }
0x5d: {  	_ =	shalt  }
0x5e: {  	_ =	shalt  }
0x5f: {  	_ =	shalt  }
0x60: {  	_ =	shalt  }
0x61: {  	_ =	shalt  }
0x62: {  	_ =	shalt  }
0x63: {  	_ =	shalt  }
0x64: {  	_ =	shalt  }
0x65: {  	_ =	shalt  }
0x66: {  	_ =	shalt  }
0x67: {  	_ =	shalt  }
0x68: {  	_ =	shalt  }
0x69: {  	_ =	shalt  }
0x6a: {  	_ =	shalt  }
0x6b: {  	_ =	shalt  }
0x6c: {  	_ =	shalt  }
0x6d: {  	_ =	shalt  }
0x6e: {  	_ =	shalt  }
0x6f: {  	_ =	shalt  }
0x70: {  	_ =	shalt  }
0x71: {  	_ =	shalt  }
0x72: {  	_ =	shalt  }
0x73: {  	_ =	shalt  }
0x74: {  	_ =	shalt  }
0x75: {  	_ =	shalt  }
0x76: {  	_ =	shalt  }
0x77: {  	_ =	shalt  }
0x78: {  	_ =	shalt  }
0x79: {  	_ =	shalt  }
0x7a: {  	_ =	shalt  }
0x7b: {  	_ =	shalt  }
0x7c: {  	_ =	shalt  }
0x7d: {  	_ =	shalt  }
0x7e: {  	_ =	shalt  }
0x7f: {  	_ =	shalt  }
0x80: {  	_ =	shalt  }
0x81: {  	_ =	shalt  }
0x82: {  	_ =	shalt  }
0x83: {  	_ =	shalt  }
0x84: {  	_ =	shalt  }
0x85: {  	_ =	shalt  }
0x86: {  	_ =	shalt  }
0x87: {  	_ =	shalt  }
.Lfunc_end0:
.L_simem_size_0:
called_computation.1_lowered:
.L_overlay_start_0:
0x88: {  	s2 =	sld [smem:$0x3FD9]  }
0x89: {  	s3 =	sld [smem:$0x3FFE];
	_ =	sdelay $0x1  }
0x8a: {  	s1 =	srdreg.scid  }
0x8b: {  	s0 =	sand.u32 $0x1, s1  }
0x8c: {  	s16 =	sshll.u32 s0, $0xA;
	s2 =	sadd.s32 s3, s2  }
0x8d: {  	s2 =	sadd.s32 s2, s16  }
0x8e: {  	[smem:$0x3FC7] =	sst s2  }
0x8f: {  	_ = 	snop  }
0x90: {  	(tm) =	ssettm $0x1  }
0x91: {  	s17 =	sld [smem:$0x3FFB];
	_ =	sdelay $0x3  }
0x92: {  	_ =	strace s17  }
0x93: {  	s2 =	sld [smem:$0x3FFC];
	_ =	sdelay $0x3  }
0x94: {  	_ =	strace s2  }
0x95: {  	s2 =	sld [smem:$0x3FFD];
	_ =	sdelay $0x3  }
0x96: {  	_ =	strace s2  }
0x97: {  	_ =	strace $0x8FFFFFFF  }
0x98: {  	s18 =	sld [smem:$0x3FDB];
	_ =	sdelay $0x1  }
0x99: {  	s19 =	simm.s32 $_scs_section_size  }
0x9a: {  	s4 =	simm.s32 $_size__tile_overlayer_lowered;
	s5 =	simm.s32 $_tile_overlayer_lowered  }
0x9b: {  	s22 =	simm.s32 $0x1BFF;
	s21 =	sshll.u32 s5, $0x1;
	s2 =	sadd.s32 s19, s18  }
0x9c: {  	s6 =	simm.s32 $0x0;
	s20 =	sshll.u32 s4, $0x1;
	s4 =	sadd.s32 s21, s2  }
0x9d: {  	[timem:s6], [sflag:s22] =	dma.local [hbm:s4], s20  }
0x9e: {  	_ =	swait.ge [sflag:s22], s20  }
0x9f: {  	s3 =	ssub.s32 $0x0, s20;
	[sflag:s22] =	ssyncset.done $0x0  }
0xa0: {  	[sflag:s22] =	ssyncadd.s32 s3;
	_ =	sdelay $0x1  }
0xa1: {  	s23 =	simm.s32 $0x1B8B  }
0xa2: {  	_ =	swait.ge [sflag:s23], $0x1  }
0xa3: {  	[sflag:s23] =	ssyncset.done $0x0  }
0xa4: {  	s25 =	simm.s32 $0x1B8E;
	s24 =	sld [smem:$0x3FFE];
	[sflag:s23] =	ssyncadd.s32 $0xFFFFFFFF  }
0xa5: {  	s26 =	simm.s32 $execute0_lowered;
	[smem:$0x3FD2] =	sst s25  }
0xa6: {  	s4 =	sshll.u32 s26, $0x1;
	_ =	strace $0x80000049;
	[dreg:$0x1] =	wrdreg $0xFFFFFFFF  }
0xa7: {  	s28 =	simm.s32 $_size_execute0_lowered;
	s2 =	sadd.s32 s2, s4;
	[dreg:$0x0] =	wrdreg $0x0  }
0xa8: {  	s4 =	sshll.u32 s28, $0x1;
	[dreg:$0x2] =	wrdreg s2  }
0xa9: {  	[dreg:$0x3] =	wrdreg s4  }
0xaa: {  	[dreg:$0x4] =	wrdreg $0xC0  }
0xab: {  	_ =	task [dreg:s6], $0x5FFFF  }
0xac: {  	[dreg:$0x1] =	wrdreg $0xFFFFFFFF  }
0xad: {  	[dreg:$0x0] =	wrdreg $0x60  }
0xae: {  	[dreg:$0x2] =	wrdreg s24  }
0xaf: {  	[dreg:$0x3] =	wrdreg $0x9  }
0xb0: {  	_ =	task.clear_ibuf [dreg:s6], $0x4FFFF;
	_ =	strace $0x90000049  }
0xb1: {  	s29 =	simm.s32 $0x9;
	_ =	strace $0x8000004B  }
0xb2: {  	_ =	swait.ge [sflag:s29], $0x1  }
0xb3: {  	[sflag:s29] =	ssyncadd.s32 $0xFFFFFFFF  }
0xb4: {  	_ =	strace $0x9000004B  }
0xb5: {  	_ =	sfence  }
0xb6: {  	s30 =	sld [smem:$0x0];
	_ =	sdelay $0x2  }
0xb7: {  	s31 =	sshll.u32 s1, $0xD;
	s1 =	sshrl.u32 s1, $0x2  }
0xb8: {  	s3 =	sand.u32 $0x4000, s31;
	s1 =	sadd.s32 s1, s30  }
0xb9: {  	s0 =	sor.u32 s3, s0;
	s1 =	sshll.u32 s1, $0x11  }
0xba: {  	s0 =	sor.u32 s1, s0  }
0xbb: {  	s0 =	sadd.s32 $0x8F2B, s0  }
0xbc: {  	[sflag:s0] =	ssyncadd.remote.s32 $0x1  }
0xbd: {  	_ =	sfence.sel $0xFFFF  }
0xbe: {  	[dreg:$0x0] =	wrdreg $0xFFFFFFFF;
	(pc) =	sbr.abs _section_cstart, $3  }
0xbf: {  	[dreg:$0x1] =	wrdreg $0xFFFFFFFF  }
0xc0: {  	_ =	task.clear_ibuf [dreg:s6], $0x2FFFF;
	_ =	strace $0x9FFFFFFF  }
0xc1: {  	(tm) =	ssettm $0x7FFFFFFF  }
tec
execute0_lowered:
.L_overlay_start_1:
0x0: {  	(tag) =	ssettag $0x1  }
0x1: {  	s2 =	rddreg [dreg:$0x0]  }
0x2: {  	s0 =	rddreg [dreg:$0x1];
	s1 =	simm.s32 $0x0  }
0x3: {  	s3 =	srdreg.scid;
	s8 =	simm.s32 $0x19800;
	s9 =	simm.s32 $0x1A800  }
0x4: {  	s10 =	simm.s32 $0x800;
	s11 =	simm.s32 $0x19000;
	s12 =	simm.s32 $0x18800  }
0x5: {  	s13 =	simm.s32 $0x1;
	[smem:$0x7FF] =	sst s1;
	s5 =	sand.u32 $0x1, s3  }
0x6: {  	s3 =	sadd.s32 $0x496800, s2;
	s4 =	sadd.s32 $0x30E800, s2;
	s6 =	ssub.s32 $0x2, s5  }
0x7: {  	v3 =	vlaneseq.u32;
	s2 =	stileid.u32;
	_ =	strace $0x8000004A;
	s7 =	sshrl.u32 s6, $0x1  }
0x8: {  	v1 =	vor.u32 $0xFF0, v3;
	v3 =	vmul.u32 $0x10, v3;
	s31 =	sshll.u32 s2, $0x3;
	s5 =	sshll.u32 s5, $0x2;
	s6 =	ssub.s32 s6, s7  }
0x9: {  	v0 =	vimm.s32 $0x0;
	v2 =	vimm.s32 $0x1;
	s5 =	sor.u32 s5, s31;
	s7 =	simm.s32 $0x2;
	s6 =	smax.u32 s6, $0x1  }
.LBB2_1:
0xa: {  	s14 =	simm.s32 $0x0  }
.LBB2_2:
0xb: {  	s15 =	sadd.s32 s5, s14  }
0xc: {  	s15 =	smul.u32 $0x18800, s15;
	_ =	sdelay $0x1  }
0xd: {  	s16 =	sshrl.u32 s15, $0x3  }
0xe: {  	s17 =	sadd.s32 s3, s16;
	s16 =	simm.s32 $0x0  }
0xf: {  	[tilespmem:s16], [sflag:$0x2] =	stream.linear.gather [hbm4b:s17+s16], $0x18800, $0x38;
	[tilespmem:$0x1A900] =	vst v63  }
0x10: {  	_ =	swait.ge [sflag:s7], $0x18800  }
0x11: {  	[sflag:s7] =	ssyncset.done $0x0  }
0x12: {  	s18 =	simm.s32 $0x0;
	s17 =	simm.s32 $0x40;
	[sflag:s7] =	ssyncadd.s32 $0xFFFE7800  }
.LBB2_3:
0x13: {  	p0 =	sne.s32 s17, $0x3FC0;
	[tilespmem:s18+$0x19800] =	vst v0;
	s18 =	smov.u32 s17;
	s17 =	sadd.s32 $0x40, s17  }
.Ltmp0:
0x14: {  	(pc) =	sbr.rel @p0 .LBB2_3-.Ltmp0, $2  }
0x15: {  	_ =	sdelay $0x2  }
0x16: {  	s18 =	sshra.s32 s18, $0x2  }
0x17: {  	[tilespmem:s18+$0x19800] =	vst v0  }
.LBB2_5:
0x18: {  	s17 =	sshra.s32 s16, $0x2  }
0x19: {  	v4 =	vld [tilespmem:s17+$0x0];
	_ =	sdelay $0x4  }
0x1a: {  	v4 =	vshll.u32 v4, $0x4  }
0x1b: {  	v4 =	vand.u32 $0xFF0, v4  }
0x1c: {  	p0 =	seq.s32 s16, $0x61FC0;
	v4 =	vxor.u32 v1, v4  }
.Ltmp1:
0x1d: {  	_ = 	snop;
	(pc) =	sbr.rel @!p0 .LBB2_5-.Ltmp1, $2  }
0x1e: {  	_ =	sdelay $0x2  }
0x1f: {  	s16 =	sadd.s32 $0x40, s16;
	[tilespmem:v4+s8+$0x0] =	vst.idx.add.s32.msk $0xffff, v2  }
0x20: {  	s17 =	simm.s32 $0x0  }
0x21: {  	v4 =	vmov s17  }
0x22: {  	v4 =	vshll.u32 v4, $0x4  }
0x23: {  	v4 =	vor.u32 v3, v4  }
0x24: {  	v5 =	vor.u32 $0x1, v4  }
0x25: {  	v6 =	vor.u32 $0x2, v4  }
0x26: {  	v7 =	vor.u32 $0x3, v4  }
0x27: {  	v8 =	vor.u32 $0x4, v4  }
0x28: {  	v9 =	vor.u32 $0x5, v4;
	v10 =	vld.idx.msk [tilespmem:v4+s8+$0x0], $0xffff  }
0x29: {  	v11 =	vor.u32 $0x6, v4;
	v5 =	vld.idx.msk [tilespmem:v5+s8+$0x0], $0xffff  }
0x2a: {  	v12 =	vor.u32 $0x7, v4;
	v6 =	vld.idx.msk [tilespmem:v6+s8+$0x0], $0xffff  }
0x2b: {  	v13 =	vor.u32 $0x8, v4;
	v7 =	vld.idx.msk [tilespmem:v7+s8+$0x0], $0xffff  }
0x2c: {  	v14 =	vor.u32 $0x9, v4;
	v8 =	vld.idx.msk [tilespmem:v8+s8+$0x0], $0xffff  }
0x2d: {  	v15 =	vor.u32 $0xA, v4;
	v9 =	vld.idx.msk [tilespmem:v9+s8+$0x0], $0xffff  }
0x2e: {  	v16 =	vor.u32 $0xB, v4;
	v11 =	vld.idx.msk [tilespmem:v11+s8+$0x0], $0xffff;
	v5 =	vadd.s32 v10, v5  }
0x2f: {  	v38 =	vor.u32 $0xC, v4;
	v37 =	vld.idx.msk [tilespmem:v12+s8+$0x0], $0xffff;
	v5 =	vadd.s32 v6, v5  }
0x30: {  	v39 =	vor.u32 $0xD, v4;
	v6 =	vld.idx.msk [tilespmem:v13+s8+$0x0], $0xffff;
	v5 =	vadd.s32 v7, v5  }
0x31: {  	v40 =	vor.u32 $0xE, v4;
	v7 =	vld.idx.msk [tilespmem:v14+s8+$0x0], $0xffff;
	v5 =	vadd.s32 v8, v5  }
0x32: {  	v4 =	vor.u32 $0xF, v4;
	v41 =	vld.idx.msk [tilespmem:v15+s8+$0x0], $0xffff;
	v5 =	vadd.s32 v9, v5  }
0x33: {  	v42 =	vld.idx.msk [tilespmem:v16+s8+$0x0], $0xffff;
	v5 =	vadd.s32 v11, v5  }
0x34: {  	v43 =	vld.idx.msk [tilespmem:v38+s8+$0x0], $0xffff;
	v5 =	vadd.s32 v37, v5  }
0x35: {  	v44 =	vld.idx.msk [tilespmem:v39+s8+$0x0], $0xffff;
	v5 =	vadd.s32 v6, v5  }
0x36: {  	v6 =	vld.idx.msk [tilespmem:v40+s8+$0x0], $0xffff;
	v5 =	vadd.s32 v7, v5  }
0x37: {  	v4 =	vld.idx.msk [tilespmem:v4+s8+$0x0], $0xffff;
	v5 =	vadd.s32 v41, v5  }
0x38: {  	v5 =	vadd.s32 v42, v5  }
0x39: {  	v5 =	vadd.s32 v43, v5  }
0x3a: {  	v5 =	vadd.s32 v44, v5  }
0x3b: {  	v5 =	vadd.s32 v6, v5  }
0x3c: {  	v4 =	vadd.s32 v4, v5  }
0x3d: {  	s18 =	simm.s32 $0x10;
	(xrf0) =	vadd.scan.msk.s32 $0xffff, v4  }
0x3e: {  	v5 =	vmov s18  }
0x3f: {  	v5 =	vshll.u32 v5, $0x4  }
0x40: {  	v5 =	vor.u32 v3, v5  }
0x41: {  	v6 =	vor.u32 $0x1, v5;
	_ =	sdelay $0x1  }
0x42: {  	v4 =	vsub.s32 s17, v4;
	v7 =	vor.u32 $0x2, v5;
	v45, _, _ =	vpop (xrf0)  }
0x43: {  	s16 =	simm.s32 $0x1A800;
	v46 =	vor.u32 $0x3, v5;
	v4 =	vadd.s32 v45, v4  }
0x44: {  	v47 =	vor.u32 $0x4, v5;
	[tilespmem:s16+$0x0] =	vst v4  }
0x45: {  	v4 =	vld.idx.msk [tilespmem:v6+s8+$0x0], $0xffff;
	v6 =	vor.u32 $0x5, v5  }
0x46: {  	v49 =	vor.u32 $0x6, v5;
	v48 =	vld.idx.msk [tilespmem:v5+s8+$0x0], $0xffff  }
0x47: {  	v50 =	vor.u32 $0x7, v5;
	v7 =	vld.idx.msk [tilespmem:v7+s8+$0x0], $0xffff  }
0x48: {  	v51 =	vor.u32 $0x8, v5;
	v9 =	vld.idx.msk [tilespmem:v46+s8+$0x0], $0xffff  }
0x49: {  	v53 =	vor.u32 $0x9, v5;
	v52 =	vld.idx.msk [tilespmem:v47+s8+$0x0], $0xffff  }
0x4a: {  	v54 =	vor.u32 $0xA, v5;
	v6 =	vld.idx.msk [tilespmem:v6+s8+$0x0], $0xffff  }
0x4b: {  	v55 =	vor.u32 $0xB, v5;
	(v2sf) =	vpush v45, $0xF;
	v12 =	vld.idx.msk [tilespmem:v49+s8+$0x0], $0xffff;
	v4 =	vadd.s32 v48, v4  }
0x4c: {  	v57 =	vor.u32 $0xC, v5;
	v56 =	vld.idx.msk [tilespmem:v50+s8+$0x0], $0xffff;
	v4 =	vadd.s32 v7, v4  }
0x4d: {  	v58 =	vor.u32 $0xD, v5;
	v7 =	vld.idx.msk [tilespmem:v51+s8+$0x0], $0xffff;
	v4 =	vadd.s32 v9, v4  }
0x4e: {  	v60 =	vor.u32 $0xE, v5;
	v59 =	vld.idx.msk [tilespmem:v53+s8+$0x0], $0xffff;
	v4 =	vadd.s32 v52, v4  }
0x4f: {  	v61 =	vld.idx.msk [tilespmem:v54+s8+$0x0], $0xffff;
	v5 =	vor.u32 $0xF, v5;
	v4 =	vadd.s32 v6, v4  }
0x50: {  	v6 =	vld.idx.msk [tilespmem:v55+s8+$0x0], $0xffff;
	v4 =	vadd.s32 v12, v4  }
0x51: {  	v62 =	vld.idx.msk [tilespmem:v57+s8+$0x0], $0xffff;
	v4 =	vadd.s32 v56, v4  }
0x52: {  	v63 =	vld.idx.msk [tilespmem:v58+s8+$0x0], $0xffff;
	v4 =	vadd.s32 v7, v4  }
0x53: {  	v7 =	vld.idx.msk [tilespmem:v60+s8+$0x0], $0xffff;
	v4 =	vadd.s32 v59, v4  }
0x54: {  	v5 =	vld.idx.msk [tilespmem:v5+s8+$0x0], $0xffff;
	v4 =	vadd.s32 v61, v4  }
0x55: {  	v4 =	vadd.s32 v6, v4  }
0x56: {  	v4 =	vadd.s32 v62, v4  }
0x57: {  	v4 =	vadd.s32 v63, v4  }
0x58: {  	v4 =	vadd.s32 v7, v4  }
0x59: {  	v5 =	vadd.s32 v5, v4  }
0x5a: {  	s30 =	simm.s32 $0x20;
	s31 =	spop (v2sf);
	(xrf0) =	vadd.scan.msk.s32 $0xffff, v5  }
0x5b: {  	s17 =	sadd.s32 $0x0, s31;
	v6 =	vmov s30  }
0x5c: {  	s18 =	simm.s32 $0x30;
	v4 =	vsub.s32 s17, v5;
	v5 =	vshll.u32 v6, $0x4  }
.LBB2_7:
0x5d: {  	p0 =	seq.s32 s18, $0xF0;
	v5 =	vor.u32 v3, v5  }
0x5e: {  	v6 =	vor.u32 $0x1, v5;
	_ =	sdelay $0x1  }
0x5f: {  	v7 =	vor.u32 $0x2, v5;
	v8, _, _ =	vpop (xrf0)  }
0x60: {  	s16 =	sadd.s32 $0x10, s16;
	v9 =	vor.u32 $0x3, v5;
	v4 =	vadd.s32 v8, v4;
	(v2sf) =	vpush v8, $0xF  }
0x61: {  	v8 =	vor.u32 $0x4, v5;
	[tilespmem:s16+$0x0] =	vst v4  }
0x62: {  	v4 =	vld.idx.msk [tilespmem:v6+s8+$0x0], $0xffff;
	v6 =	vor.u32 $0x5, v5  }
0x63: {  	v11 =	vor.u32 $0x6, v5;
	v10 =	vld.idx.msk [tilespmem:v5+s8+$0x0], $0xffff  }
0x64: {  	v12 =	vor.u32 $0x7, v5;
	v7 =	vld.idx.msk [tilespmem:v7+s8+$0x0], $0xffff  }
0x65: {  	v13 =	vor.u32 $0x8, v5;
	v9 =	vld.idx.msk [tilespmem:v9+s8+$0x0], $0xffff  }
0x66: {  	v14 =	vor.u32 $0x9, v5;
	v8 =	vld.idx.msk [tilespmem:v8+s8+$0x0], $0xffff  }
0x67: {  	v15 =	vor.u32 $0xA, v5;
	v6 =	vld.idx.msk [tilespmem:v6+s8+$0x0], $0xffff  }
0x68: {  	v16 =	vor.u32 $0xB, v5;
	v11 =	vld.idx.msk [tilespmem:v11+s8+$0x0], $0xffff  }
0x69: {  	v4 =	vadd.s32 v10, v4;
	v10 =	vld.idx.msk [tilespmem:v12+s8+$0x0], $0xffff;
	v12 =	vor.u32 $0xC, v5  }
0x6a: {  	v4 =	vadd.s32 v7, v4;
	v7 =	vld.idx.msk [tilespmem:v13+s8+$0x0], $0xffff;
	v13 =	vor.u32 $0xD, v5  }
0x6b: {  	v4 =	vadd.s32 v9, v4;
	v9 =	vld.idx.msk [tilespmem:v14+s8+$0x0], $0xffff;
	v14 =	vor.u32 $0xE, v5  }
0x6c: {  	v4 =	vadd.s32 v8, v4;
	v5 =	vor.u32 $0xF, v5;
	v8 =	vld.idx.msk [tilespmem:v15+s8+$0x0], $0xffff  }
0x6d: {  	v4 =	vadd.s32 v6, v4;
	v6 =	vld.idx.msk [tilespmem:v16+s8+$0x0], $0xffff  }
0x6e: {  	v4 =	vadd.s32 v11, v4;
	v11 =	vld.idx.msk [tilespmem:v12+s8+$0x0], $0xffff  }
0x6f: {  	v4 =	vadd.s32 v10, v4;
	v10 =	vld.idx.msk [tilespmem:v13+s8+$0x0], $0xffff;
	s19 =	spop (v2sf)  }
0x70: {  	v4 =	vadd.s32 v7, v4;
	v7 =	vld.idx.msk [tilespmem:v14+s8+$0x0], $0xffff;
	s17 =	sadd.s32 s17, s19  }
0x71: {  	v4 =	vadd.s32 v9, v4;
	v5 =	vld.idx.msk [tilespmem:v5+s8+$0x0], $0xffff  }
0x72: {  	v4 =	vadd.s32 v8, v4  }
0x73: {  	v4 =	vadd.s32 v6, v4  }
0x74: {  	v4 =	vadd.s32 v11, v4  }
0x75: {  	v4 =	vadd.s32 v10, v4  }
.Ltmp2:
0x76: {  	v4 =	vadd.s32 v7, v4;
	(pc) =	sbr.rel @!p0 .LBB2_7-.Ltmp2, $4  }
0x77: {  	v5 =	vadd.s32 v5, v4  }
0x78: {  	v4 =	vsub.s32 s17, v5;
	(xrf0) =	vadd.scan.msk.s32 $0xffff, v5  }
0x79: {  	v5 =	vmov s18  }
0x7a: {  	s18 =	sadd.s32 $0x10, s18;
	v5 =	vshll.u32 v5, $0x4  }
0x7b: {  	v5 =	vor.u32 v3, v5  }
0x7c: {  	v6 =	vor.u32 $0x1, v5;
	_ =	sdelay $0x1  }
0x7d: {  	v7 =	vor.u32 $0x2, v5;
	v8, _, _ =	vpop (xrf0)  }
0x7e: {  	s16 =	sadd.s32 $0x10, s16;
	v9 =	vor.u32 $0x3, v5;
	v4 =	vadd.s32 v8, v4  }
0x7f: {  	v10 =	vor.u32 $0x4, v5;
	[tilespmem:s16+$0x0] =	vst v4  }
0x80: {  	v4 =	vld.idx.msk [tilespmem:v6+s8+$0x0], $0xffff;
	v6 =	vor.u32 $0x5, v5  }
0x81: {  	v12 =	vor.u32 $0x6, v5;
	v11 =	vld.idx.msk [tilespmem:v5+s8+$0x0], $0xffff  }
0x82: {  	v13 =	vor.u32 $0x7, v5;
	v7 =	vld.idx.msk [tilespmem:v7+s8+$0x0], $0xffff  }
0x83: {  	v14 =	vor.u32 $0x8, v5;
	v9 =	vld.idx.msk [tilespmem:v9+s8+$0x0], $0xffff  }
0x84: {  	v15 =	vor.u32 $0x9, v5;
	v10 =	vld.idx.msk [tilespmem:v10+s8+$0x0], $0xffff  }
0x85: {  	v16 =	vor.u32 $0xA, v5;
	v6 =	vld.idx.msk [tilespmem:v6+s8+$0x0], $0xffff  }
0x86: {  	v61 =	vor.u32 $0xB, v5;
	v12 =	vld.idx.msk [tilespmem:v12+s8+$0x0], $0xffff;
	v4 =	vadd.s32 v11, v4  }
0x87: {  	v13 =	vld.idx.msk [tilespmem:v13+s8+$0x0], $0xffff;
	v4 =	vadd.s32 v7, v4;
	v7 =	vor.u32 $0xC, v5  }
0x88: {  	v62 =	vor.u32 $0xD, v5;
	v14 =	vld.idx.msk [tilespmem:v14+s8+$0x0], $0xffff;
	v4 =	vadd.s32 v9, v4  }
0x89: {  	v63 =	vor.u32 $0xE, v5;
	v15 =	vld.idx.msk [tilespmem:v15+s8+$0x0], $0xffff;
	v4 =	vadd.s32 v10, v4  }
0x8a: {  	v16 =	vld.idx.msk [tilespmem:v16+s8+$0x0], $0xffff;
	v5 =	vor.u32 $0xF, v5;
	v4 =	vadd.s32 v6, v4  }
0x8b: {  	v6 =	vld.idx.msk [tilespmem:v61+s8+$0x0], $0xffff;
	v4 =	vadd.s32 v12, v4  }
0x8c: {  	v7 =	vld.idx.msk [tilespmem:v7+s8+$0x0], $0xffff;
	v4 =	vadd.s32 v13, v4  }
0x8d: {  	v9 =	vld.idx.msk [tilespmem:v62+s8+$0x0], $0xffff;
	v4 =	vadd.s32 v14, v4  }
0x8e: {  	v10 =	vld.idx.msk [tilespmem:v63+s8+$0x0], $0xffff;
	v4 =	vadd.s32 v15, v4  }
0x8f: {  	v5 =	vld.idx.msk [tilespmem:v5+s8+$0x0], $0xffff;
	v4 =	vadd.s32 v16, v4  }
0x90: {  	v4 =	vadd.s32 v6, v4  }
0x91: {  	v4 =	vadd.s32 v7, v4  }
0x92: {  	v4 =	vadd.s32 v9, v4  }
0x93: {  	v4 =	vadd.s32 v10, v4  }
0x94: {  	v4 =	vadd.s32 v5, v4  }
0x95: {  	(xrf0) =	vadd.scan.msk.s32 $0xffff, v4  }
0x96: {  	(v2sf) =	vpush v8, $0xF;
	_ =	sdelay $0x4  }
0x97: {  	v5, _, _ =	vpop (xrf0)  }
0x98: {  	(v2sf) =	vpush v5, $0xF;
	_ =	sdelay $0x8  }
0x99: {  	s18 =	spop (v2sf)  }
0x9a: {  	s17 =	sadd.s32 s17, s18  }
0x9b: {  	v4 =	vsub.s32 s17, v4  }
0x9c: {  	s16 =	sadd.s32 $0x10, s16;
	v4 =	vadd.s32 v5, v4  }
0x9d: {  	[tilespmem:s16+$0x0] =	vst v4;
	v4 =	vmov s15  }
0x9e: {  	v4 =	vadd.s32 $0xFFFFFFFF, v4  }
0x9f: {  	s15 =	simm.s32 $0x0;
	s16 =	simm.s32 $0x30;
	v4 =	vbroadcast v4, $0x0;
	s31 =	spop (v2sf)  }
.LBB2_9:
0xa0: {  	v5 =	vmov s16;
	_ =	sdelay $0x2  }
0xa1: {  	s17 =	simm.s32 $0x0  }
.LBB2_10:
0xa2: {  	s18 =	sshra.s32 s17, $0x2  }
0xa3: {  	v6 =	vld.idx.msk [tilespmem:v5+s18+$0xFFFFFFD0 ss:$0x1], $0xffff;
	_ =	sdelay $0x4  }
0xa4: {  	v7 =	vandn.u32 $0xFF, v6  }
0xa5: {  	(xrf1) =	vunique.msk.u32 $0xffff, v7;
	_ =	sdelay $0xd  }
0xa6: {  	_, v8, vm0 =	vpop (xrf1)  }
0xa7: {  	v9 =	vld.idx.msk [tilespmem:v7+s9+$0x0], $0xffff;
	_ =	sdelay $0x4  }
0xa8: {  	v9 =	vadd.s32 v9, v4;
	[tilespmem:v7+s9+$0x0] =	vst.idx.add.s32.msk vm0, v8  }
0xa9: {  	v7 =	vadd.s32 v8, v9;
	[tilespmem:s18+$0x18800] =	vst v6  }
0xaa: {  	[tilespmem:s18+$0x19000] =	vst v7  }
0xab: {  	v6 =	vld.idx.msk [tilespmem:v5+s18+$0xFFFFFFE0 ss:$0x1], $0xffff;
	_ =	sdelay $0x4  }
0xac: {  	v7 =	vandn.u32 $0xFF, v6  }
0xad: {  	(xrf1) =	vunique.msk.u32 $0xffff, v7;
	_ =	sdelay $0xd  }
0xae: {  	_, v58, vm0 =	vpop (xrf1)  }
0xaf: {  	v59 =	vld.idx.msk [tilespmem:v7+s9+$0x0], $0xffff;
	_ =	sdelay $0x4  }
0xb0: {  	v9 =	vadd.s32 v59, v4;
	[tilespmem:v7+s9+$0x0] =	vst.idx.add.s32.msk vm0, v58  }
0xb1: {  	v7 =	vadd.s32 v58, v9;
	[tilespmem:s18+$0x18810] =	vst v6  }
0xb2: {  	[tilespmem:s18+$0x19010] =	vst v7  }
0xb3: {  	v6 =	vld.idx.msk [tilespmem:v5+s18+$0xFFFFFFF0 ss:$0x1], $0xffff;
	_ =	sdelay $0x4  }
0xb4: {  	v7 =	vandn.u32 $0xFF, v6  }
0xb5: {  	(xrf1) =	vunique.msk.u32 $0xffff, v7;
	_ =	sdelay $0xd  }
0xb6: {  	_, v60, vm0 =	vpop (xrf1)  }
0xb7: {  	v61 =	vld.idx.msk [tilespmem:v7+s9+$0x0], $0xffff;
	_ =	sdelay $0x4  }
0xb8: {  	v9 =	vadd.s32 v61, v4;
	[tilespmem:v7+s9+$0x0] =	vst.idx.add.s32.msk vm0, v60  }
0xb9: {  	v7 =	vadd.s32 v60, v9;
	[tilespmem:s18+$0x18820] =	vst v6  }
0xba: {  	[tilespmem:s18+$0x19020] =	vst v7  }
0xbb: {  	v6 =	vld.idx.msk [tilespmem:v5+s18+$0x0 ss:$0x1], $0xffff;
	_ =	sdelay $0x4  }
0xbc: {  	v7 =	vandn.u32 $0xFF, v6  }
0xbd: {  	(xrf1) =	vunique.msk.u32 $0xffff, v7;
	_ =	sdelay $0xd  }
0xbe: {  	_, v62, vm0 =	vpop (xrf1)  }
0xbf: {  	v63 =	vld.idx.msk [tilespmem:v7+s9+$0x0], $0xffff;
	_ =	sdelay $0x1  }
0xc0: {  	p0 =	sne.s32 s17, $0x1F00  }
.Ltmp3:
0xc1: {  	_ = 	snop;
	(pc) =	sbr.rel @p0 .LBB2_10-.Ltmp3, $4  }
0xc2: {  	_ = 	snop  }
0xc3: {  	v9 =	vadd.s32 v63, v4;
	[tilespmem:v7+s9+$0x0] =	vst.idx.add.s32.msk vm0, v62  }
0xc4: {  	v7 =	vadd.s32 v62, v9;
	[tilespmem:s18+$0x18830] =	vst v6  }
0xc5: {  	s17 =	sadd.s32 $0x100, s17;
	[tilespmem:s18+$0x19030] =	vst v7  }
0xc6: {  	s15 =	sadd.s32 $0x1, s15  }
0xc7: {  	p0 =	sne.s32 s15, $0x31  }
.Ltmp4:
0xc8: {  	_ = 	snop;
	(pc) =	sbr.rel @p0 .LBB2_9-.Ltmp4, $4  }
0xc9: {  	[hbm4b:s4+s10] =	stream.indirect.scatter [tilespmem:s12], [sflag:$0x1], $0x1, s11, s10, $0xb8;
	[tilespmem:$0x1A900] =	vst v63  }
0xca: {  	_ =	swait.ge [sflag:s13], $0x800  }
0xcb: {  	[sflag:s13] =	ssyncset.done $0x0  }
0xcc: {  	s16 =	sadd.s32 $0x800, s16;
	[sflag:s13] =	ssyncadd.s32 $0xFFFFF800  }
0xcd: {  	s14 =	sadd.s32 $0x1, s14  }
0xce: {  	p0 =	sne.s32 s14, $0x4  }
.Ltmp5:
0xcf: {  	_ = 	snop;
	(pc) =	sbr.rel @p0 .LBB2_2-.Ltmp5, $1  }
0xd0: {  	_ =	sdelay $0x3  }
0xd1: {  	s1 =	sadd.s32 $0x1, s1  }
0xd2: {  	p0 =	sne.s32 s1, s6  }
.Ltmp6:
0xd3: {  	_ = 	snop;
	(pc) =	sbr.rel @p0 .LBB2_1-.Ltmp6, $1  }
0xd4: {  	_ =	sdelay $0x3  }
0xd5: {  	_ =	sfence.sel $0x180000  }
0xd6: {  	[bflag:$0x0] =	sbarrier.arrive $0xFFFF  }
0xd7: {  	p0 =	sne.s32 s2, $0x0;
	_ =	strace $0x9000004A  }
0xd8: {  	s0 =	sadd.s32 @!p0 $0x100000, s0;
	[bflag:$0x2] =	sbarrier.arrive $0xFFFF  }
0xd9: {  	[sflag:s0] =	ssyncadd.tile.s32 @!p0 $0x1;
	_ =	shalt  }
.Lfunc_end2:
_tile_overlayer_lowered:
.L_overlay_start_2:
0xda: {  	(tag) =	ssettag $0x2  }
0xdb: {  	s0 =	rddreg [dreg:$0x0];
	s2 =	stileid.u32  }
0xdc: {  	s1 =	rddreg [dreg:$0x1];
	p0 =	sne.s32 s2, $0x0  }
0xdd: {  	s3 =	rddreg [dreg:$0x2];
	[bflag:$0x3] =	sbarrier.arrive $0xFFFF;
	s2 =	simm.s32 @!p0 $0x1C02  }
0xde: {  	[timem:s3], [sflag:s2] =	dma.local @!p0 [hbm:s0], s1  }
0xdf: {  	s0 =	simm.s32 @!p0 $0x2  }
0xe0: {  	_ =	swait.ge @!p0 [sflag:s0], s1  }
0xe1: {  	s1 =	ssub.s32 @!p0 $0x0, s1;
	[sflag:s0] =	ssyncset.done @!p0 $0x0  }
0xe2: {  	[sflag:s0] =	ssyncadd.s32 @!p0 s1  }
0xe3: {  	[bflag:$0x3] =	sbarrier.arrive $0xFFFF  }
0xe4: {  	_ =	shalt  }

// kernel: sparse-core-data-format-call.cloned.1.call-start
scs
called_computation_lowered:
.L_overlay_start_0:
0x0: {  	s1 =	sld [smem:$0x3FD9]  }
0x1: {  	s2 =	sld [smem:$0x3FFE];
	_ =	sdelay $0x1  }
0x2: {  	s3 =	srdreg.scid  }
0x3: {  	s0 =	sand.u32 $0x1, s3  }
0x4: {  	s17 =	sshll.u32 s0, $0xA;
	s1 =	sadd.s32 s2, s1  }
0x5: {  	s1 =	sadd.s32 s1, s17  }
0x6: {  	[smem:$0x3FC7] =	sst s1  }
0x7: {  	_ = 	snop  }
0x8: {  	(tm) =	ssettm $0x1  }
0x9: {  	s18 =	sld [smem:$0x3FFB];
	_ =	sdelay $0x3  }
0xa: {  	_ =	strace s18  }
0xb: {  	s1 =	sld [smem:$0x3FFC];
	_ =	sdelay $0x3  }
0xc: {  	_ =	strace s1  }
0xd: {  	s1 =	sld [smem:$0x3FFD];
	_ =	sdelay $0x3  }
0xe: {  	_ =	strace s1  }
0xf: {  	_ =	strace $0x8FFFFFFF  }
0x10: {  	s19 =	sld [smem:$0x3FDB];
	_ =	sdelay $0x1  }
0x11: {  	s20 =	simm.s32 $_scs_section_size  }
0x12: {  	s4 =	simm.s32 $_size__tile_overlayer_lowered;
	s5 =	simm.s32 $_tile_overlayer_lowered  }
0x13: {  	s23 =	simm.s32 $0x1BFF;
	s22 =	sshll.u32 s5, $0x1;
	s1 =	sadd.s32 s20, s19  }
0x14: {  	s6 =	simm.s32 $0x0;
	s21 =	sshll.u32 s4, $0x1;
	s4 =	sadd.s32 s22, s1  }
0x15: {  	[timem:s6], [sflag:s23] =	dma.local [hbm:s4], s21  }
0x16: {  	_ =	swait.ge [sflag:s23], s21  }
0x17: {  	s2 =	ssub.s32 $0x0, s21;
	[sflag:s23] =	ssyncset.done $0x0  }
0x18: {  	[sflag:s23] =	ssyncadd.s32 s2;
	_ =	sdelay $0x1  }
0x19: {  	s24 =	simm.s32 $0x1B8B  }
0x1a: {  	_ =	swait.ge [sflag:s24], $0x1  }
0x1b: {  	[sflag:s24] =	ssyncset.done $0x0  }
0x1c: {  	s26 =	simm.s32 $0x1B8E;
	s25 =	sld [smem:$0x3FFE];
	[sflag:s24] =	ssyncadd.s32 $0xFFFFFFFF  }
0x1d: {  	s27 =	simm.s32 $execute0_lowered;
	[smem:$0x3FD2] =	sst s26  }
0x1e: {  	s4 =	sshll.u32 s27, $0x1;
	_ =	strace $0x80000046;
	[dreg:$0x1] =	wrdreg $0xFFFFFFFF  }
0x1f: {  	s28 =	simm.s32 $_size_execute0_lowered;
	s1 =	sadd.s32 s1, s4;
	[dreg:$0x0] =	wrdreg $0x0  }
0x20: {  	s4 =	sshll.u32 s28, $0x1;
	[dreg:$0x2] =	wrdreg s1  }
0x21: {  	[dreg:$0x3] =	wrdreg s4  }
0x22: {  	[dreg:$0x4] =	wrdreg $0xC0  }
0x23: {  	_ =	task [dreg:s6], $0x5FFFF  }
0x24: {  	[dreg:$0x1] =	wrdreg $0xFFFFFFFF  }
0x25: {  	[dreg:$0x0] =	wrdreg $0x60  }
0x26: {  	[dreg:$0x2] =	wrdreg s25  }
0x27: {  	[dreg:$0x3] =	wrdreg $0x9  }
0x28: {  	_ =	task.clear_ibuf [dreg:s6], $0x4FFFF;
	_ =	strace $0x90000046  }
0x29: {  	s29 =	simm.s32 $0x9;
	_ =	strace $0x80000048  }
0x2a: {  	_ =	swait.ge [sflag:s29], $0x1  }
0x2b: {  	[sflag:s29] =	ssyncadd.s32 $0xFFFFFFFF  }
0x2c: {  	_ =	strace $0x90000048  }
0x2d: {  	_ =	sfence  }
0x2e: {  	s30 =	sld [smem:$0x0];
	_ =	sdelay $0x2  }
0x2f: {  	s31 =	sshll.u32 s3, $0xD;
	s3 =	sshrl.u32 s3, $0x2  }
0x30: {  	s2 =	sand.u32 $0x4000, s31;
	s1 =	sadd.s32 s3, s30  }
0x31: {  	s0 =	sor.u32 s2, s0;
	s1 =	sshll.u32 s1, $0x11  }
0x32: {  	s0 =	sor.u32 s1, s0  }
0x33: {  	s0 =	sadd.s32 $0x8F2B, s0  }
0x34: {  	[sflag:s0] =	ssyncadd.remote.s32 $0x1  }
0x35: {  	_ =	sfence.sel $0xFFFF  }
0x36: {  	[dreg:$0x0] =	wrdreg $0xFFFFFFFF;
	(pc) =	sbr.abs _section_cstart, $3  }
0x37: {  	[dreg:$0x1] =	wrdreg $0xFFFFFFFF  }
0x38: {  	_ =	task.clear_ibuf [dreg:s6], $0x2FFFF;
	_ =	strace $0x9FFFFFFF  }
0x39: {  	(tm) =	ssettm $0x7FFFFFFF  }
tec
execute0_lowered:
.L_overlay_start_1:
0x0: {  	(tag) =	ssettag $0x1  }
0x1: {  	s1 =	rddreg [dreg:$0x0]  }
0x2: {  	s0 =	rddreg [dreg:$0x1]  }
0x3: {  	s3 =	srdreg.scid;
	_ =	strace $0x80000047;
	s5 =	simm.s32 $0x1  }
0x4: {  	s6 =	simm.s32 $0x19;
	s7 =	simm.s32 $0x2;
	s13 =	simm.s32 $0x0  }
0x5: {  	s8 =	simm.s32 $0x800;
	s9 =	simm.s32 $0x18800;
	s14 =	simm.s32 $0x0  }
.Ltmp0:
0x6: {  	s11 =	stileid.u32;
	s4 =	sshll.u32 s3, $0x4;
	(pc) =	sbr.rel .LBB1_1-.Ltmp0, $4  }
0x7: {  	s12 =	simm.s32 $0x0;
	s2 =	sadd.s32 $0x30E800, s1;
	s4 =	sand.u32 $0x10, s4  }
0x8: {  	s3 =	sadd.s32 $0x496800, s1;
	[sflag:s5] =	ssyncpa.u1 $0x0;
	p0 =	seq.s32 s4, $0x0  }
0x9: {  	s1 =	stileid.u32;
	[sflag:s7] =	ssyncpa.u1 $0x0;
	s6 =	simm.s32 @!p0 $0x18  }
0xa: {  	s10 =	smov.u32 s4;
	p0 =	por $0x0, $0x0;
	s7 =	sadd.s32 $0x1, s6  }
.LBB1_7:
0xb: {  	s15 =	sadd.s32 $0x20, s10  }
0xc: {  	s13 =	sadd.s32 $0x10, s11;
	s17 =	smov.u32 s11;
	p2 =	sgt.s32 s15, $0x30F  }
0xd: {  	s17 =	smov.u32 @p2 s13  }
0xe: {  	s15 =	smov.u32 @p2 s4;
	p2 =	sgt.s32 s17, $0xF  }
0xf: {  	s17 =	smov.u32 @p2 s1;
	p2 =	sne.s32 s12, s7  }
.Ltmp1:
0x10: {  	p1 =	slt.u32 s12, $0x2;
	(pc) =	sbr.rel @!p2 .LBB1_8-.Ltmp1, $4  }
0x11: {  	s16 =	simm.s32 @!p1 $0x2  }
0x12: {  	s14 =	smov.u32 s11;
	p0 =	por !p0, !p0;
	_ =	swait.ge @!p1 [sflag:s16], $0x4000  }
0x13: {  	s13 =	smov.u32 s10;
	[sflag:s16] =	ssyncset.done @!p1 $0x0;
	s10 =	smov.u32 s15  }
0x14: {  	s12 =	sadd.s32 $0x1, s12;
	[sflag:s16] =	ssyncadd.s32 @!p1 $0xFFFFC000;
	s11 =	smov.u32 s17  }
.LBB1_1:
0x15: {  	p1 =	sge.u32 s12, s6  }
0x16: {  	s15 =	smul.u32 @!p1 $0x18800, s11  }
0x17: {  	s31 =	sadd.s32 $0xFFFFFFFF, s12;
	s16 =	sxor.u32 @!p1 $0xFFFFFFFF, s12  }
0x18: {  	s17 =	sshll.u32 @!p1 s10, $0x7;
	s16 =	sshll.u32 @!p1 s16, $0xE;
	s15 =	sadd.s32 @!p1 s2, s15  }
0x19: {  	s16 =	sand.u32 @!p1 $0x4000, s16;
	s15 =	sadd.s32 @!p1 s17, s15;
	s17 =	simm.s32 @!p1 $0x0  }
0x1a: {  	[tilespmem:s16], [sflag:$0x1] =	stream.linear.gather @!p1 [hbm4b:s15+s17], $0x4000, $0x38;
	[tilespmem:$0x10000] =	vst v63  }
0x1b: {  	p1 =	sge.u32 s31, s6  }
.Ltmp2:
0x1c: {  	_ = 	snop;
	(pc) =	sbr.rel @p1 .LBB1_7-.Ltmp2, $1  }
0x1d: {  	_ =	sdelay $0x3  }
0x1e: {  	s15 =	simm.s32 $0x1;
	_ =	swait.ge [sflag:s5], $0x4000;
	s18 =	sshll.u32 s12, $0xE  }
0x1f: {  	s15 =	simm.s32 @!p0 $0x0;
	[sflag:s5] =	ssyncset.done $0x0;
	s31 =	sand.u32 $0x4000, s18  }
0x20: {  	s18 =	simm.s32 $0x0;
	s15 =	sshll.u32 s15, $0xE;
	[sflag:s5] =	ssyncadd.s32 $0xFFFFC000  }
0x21: {  	s16 =	sor.u32 $0x8040, s15;
	s17 =	sor.u32 $0x40, s15;
	s15 =	sor.u32 $0x8000, s31  }
.LBB1_3:
0x22: {  	v0 =	vmov s17;
	_ =	sdelay $0x3  }
0x23: {  	s20 =	simm.s32 $0x0  }
0x24: {  	v6 =	vld.idx.msk [tilespmem:v0+s20+$0x30 ss:$0x1], $0xffff  }
0x25: {  	v7 =	vld.idx.msk [tilespmem:v0+s20+$0xFFFFFFC0 ss:$0x1], $0xffff  }
0x26: {  	v5 =	vld.idx.msk [tilespmem:v0+s20+$0xFFFFFFD0 ss:$0x1], $0xffff  }
0x27: {  	v4 =	vld.idx.msk [tilespmem:v0+s20+$0xFFFFFFE0 ss:$0x1], $0xffff  }
0x28: {  	v3 =	vld.idx.msk [tilespmem:v0+s20+$0xFFFFFFF0 ss:$0x1], $0xffff  }
0x29: {  	v1 =	vld.idx.msk [tilespmem:v0+s20+$0x0 ss:$0x1], $0xffff  }
0x2a: {  	v2 =	vld.idx.msk [tilespmem:v0+s20+$0x10 ss:$0x1], $0xffff;
	[tilespmem:s16+$0x30] =	vst v6  }
0x2b: {  	s19 =	simm.s32 $0x80;
	s21 =	simm.s32 $0x400;
	[tilespmem:s16+$0xFFFFFFC0] =	vst v7;
	v6 =	vld.idx.msk [tilespmem:v0+s20+$0x20 ss:$0x1], $0xffff;
	s20 =	smov.u32 s16  }
.LBB1_4:
0x2c: {  	p1 =	sne.s32 s21, $0xE00;
	v7 =	vld.idx.msk [tilespmem:v0+s19+$0x30 ss:$0x1], $0xffff;
	[tilespmem:s20+$0xFFFFFFD0] =	vst v5  }
0x2d: {  	v8 =	vld.idx.msk [tilespmem:v0+s19+$0xFFFFFFC0 ss:$0x1], $0xffff;
	[tilespmem:s20+$0xFFFFFFE0] =	vst v4  }
0x2e: {  	v5 =	vld.idx.msk [tilespmem:v0+s19+$0xFFFFFFD0 ss:$0x1], $0xffff;
	[tilespmem:s20+$0xFFFFFFF0] =	vst v3  }
.Ltmp3:
0x2f: {  	v4 =	vld.idx.msk [tilespmem:v0+s19+$0xFFFFFFE0 ss:$0x1], $0xffff;
	[tilespmem:s20+$0x0] =	vst v1;
	(pc) =	sbr.rel @p1 .LBB1_4-.Ltmp3, $4  }
0x30: {  	v3 =	vld.idx.msk [tilespmem:v0+s19+$0xFFFFFFF0 ss:$0x1], $0xffff;
	[tilespmem:s20+$0x10] =	vst v2  }
0x31: {  	v1 =	vld.idx.msk [tilespmem:v0+s19+$0x0 ss:$0x1], $0xffff;
	[tilespmem:s20+$0x20] =	vst v6;
	s20 =	sadd.s32 $0x800, s20  }
0x32: {  	v2 =	vld.idx.msk [tilespmem:v0+s19+$0x10 ss:$0x1], $0xffff;
	[tilespmem:s20+$0x30] =	vst v7  }
0x33: {  	[tilespmem:s20+$0xFFFFFFC0] =	vst v8;
	v6 =	vld.idx.msk [tilespmem:v0+s19+$0x20 ss:$0x1], $0xffff;
	s19 =	sshra.s32 s21, $0x2;
	s21 =	sadd.s32 $0x200, s21  }
0x34: {  	_ =	sdelay $0x2  }
0x35: {  	[tilespmem:s20+$0xFFFFFFD0] =	vst v5  }
0x36: {  	v56 =	vld.idx.msk [tilespmem:v0+s19+$0x30 ss:$0x1], $0xffff;
	[tilespmem:s20+$0xFFFFFFE0] =	vst v4  }
0x37: {  	v57 =	vld.idx.msk [tilespmem:v0+s19+$0xFFFFFFC0 ss:$0x1], $0xffff;
	[tilespmem:s20+$0xFFFFFFF0] =	vst v3  }
0x38: {  	v58 =	vld.idx.msk [tilespmem:v0+s19+$0xFFFFFFD0 ss:$0x1], $0xffff;
	[tilespmem:s20+$0x0] =	vst v1  }
0x39: {  	v59 =	vld.idx.msk [tilespmem:v0+s19+$0xFFFFFFE0 ss:$0x1], $0xffff;
	[tilespmem:s20+$0x10] =	vst v2  }
0x3a: {  	v60 =	vld.idx.msk [tilespmem:v0+s19+$0xFFFFFFF0 ss:$0x1], $0xffff;
	s31 =	sadd.s32 $0x800, s20;
	[tilespmem:s20+$0x20] =	vst v6  }
0x3b: {  	v61 =	vld.idx.msk [tilespmem:v0+s19+$0x0 ss:$0x1], $0xffff;
	[tilespmem:s31+$0x30] =	vst v56  }
0x3c: {  	v62 =	vld.idx.msk [tilespmem:v0+s19+$0x10 ss:$0x1], $0xffff;
	s18 =	sadd.s32 $0x1, s18;
	[tilespmem:s31+$0xFFFFFFC0] =	vst v57  }
0x3d: {  	v63 =	vld.idx.msk [tilespmem:v0+s19+$0x20 ss:$0x1], $0xffff;
	p1 =	sne.s32 s18, $0x10;
	[tilespmem:s31+$0xFFFFFFD0] =	vst v58  }
.Ltmp4:
0x3e: {  	[tilespmem:s31+$0xFFFFFFE0] =	vst v59;
	(pc) =	sbr.rel @p1 .LBB1_3-.Ltmp4, $4  }
0x3f: {  	[tilespmem:s31+$0xFFFFFFF0] =	vst v60  }
0x40: {  	[tilespmem:s31+$0x0] =	vst v61  }
0x41: {  	[tilespmem:s31+$0x10] =	vst v62  }
0x42: {  	s16 =	sadd.s32 $0x80, s16;
	s17 =	sadd.s32 $0x400, s17;
	[tilespmem:s31+$0x20] =	vst v63  }
0x43: {  	s13 =	sand.u32 $0x1FFFFFF, s13  }
0x44: {  	s16 =	smulhi.u32 $0x14E5E0B, s13;
	_ =	sdelay $0x1  }
0x45: {  	s14 =	smul.u32 $0x18800, s14;
	s16 =	sshrl.u32 s16, $0x2  }
0x46: {  	s16 =	smul.u32 $0x310, s16  }
.Ltmp5:
0x47: {  	_ = 	snop;
	(pc) =	sbr.rel .LBB1_7-.Ltmp5, $4  }
0x48: {  	s13 =	ssub.s32 s13, s16  }
0x49: {  	s14 =	sadd.s32 s3, s14;
	s13 =	sshll.u32 s13, $0x4  }
0x4a: {  	s13 =	sadd.s32 s13, s14  }
0x4b: {  	[hbm4b:s13+s8] =	stream.strided.scatter [tilespmem:s15], [sflag:$0x2], $0x4000, s9, s8, $0x38;
	[tilespmem:$0x10000] =	vst v63  }
.LBB1_8:
0x4c: {  	_ =	sfence.sel $0x180000  }
0x4d: {  	s2 =	simm.s32 $0x1;
	[bflag:$0x0] =	sbarrier.arrive $0xFFFF  }
0x4e: {  	s31 =	simm.s32 $0x2;
	[sflag:s2] =	ssyncpa.u1 $0x1  }
0x4f: {  	[sflag:s31] =	ssyncpa.u1 $0x1  }
0x50: {  	p0 =	sne.s32 s1, $0x0;
	_ =	strace $0x90000047  }
0x51: {  	s0 =	sadd.s32 @!p0 $0x100000, s0;
	[bflag:$0x2] =	sbarrier.arrive $0xFFFF  }
0x52: {  	[sflag:s0] =	ssyncadd.tile.s32 @!p0 $0x1;
	_ =	shalt  }
.Lfunc_end1:
_tile_overlayer_lowered:
.L_overlay_start_2:
0x53: {  	(tag) =	ssettag $0x2  }
0x54: {  	s0 =	rddreg [dreg:$0x0];
	s2 =	stileid.u32  }
0x55: {  	s1 =	rddreg [dreg:$0x1];
	p0 =	sne.s32 s2, $0x0  }
0x56: {  	s3 =	rddreg [dreg:$0x2];
	[bflag:$0x3] =	sbarrier.arrive $0xFFFF;
	s2 =	simm.s32 @!p0 $0x1C01  }
0x57: {  	[timem:s3], [sflag:s2] =	dma.local @!p0 [hbm:s0], s1  }
0x58: {  	s0 =	simm.s32 @!p0 $0x1  }
0x59: {  	_ =	swait.ge @!p0 [sflag:s0], s1  }
0x5a: {  	s1 =	ssub.s32 @!p0 $0x0, s1;
	[sflag:s0] =	ssyncset.done @!p0 $0x0  }
0x5b: {  	[sflag:s0] =	ssyncadd.s32 @!p0 s1  }
0x5c: {  	[bflag:$0x3] =	sbarrier.arrive $0xFFFF  }
0x5d: {  	_ =	shalt  }

</sc_bundles>
